<compile_context>
chip_gen: v7x
topology: tpu7x:2x2x1
jax: 0.10.2.dev20260603
libtpu: 0.0.44.dev20260713+nightly
codegen_flags: <defaults>
</compile_context>

<pallas_src>
import dataclasses
import functools

import jax
import jax.numpy as jnp
from jax import lax
from jax.experimental import pallas as pl
from jax.experimental.pallas import tpu as pltpu
from jax.experimental.pallas import tpu_sc as plsc

F32 = jnp.float32
I32 = jnp.int32
HIGHEST = lax.Precision.HIGHEST
FAST = lax.Precision.DEFAULT
BF16 = jnp.bfloat16


def _mm_x3(a, b):
    ah = a.astype(BF16)
    al = (a - ah.astype(F32)).astype(BF16)
    bh = b.astype(BF16)
    bl = (b - bh.astype(F32)).astype(BF16)
    dims = (((1,), (1,)), ((), ()))
    d = lambda x, y: lax.dot_general(x, y, dims, preferred_element_type=F32)
    return d(ah, bh) + d(ah, bl) + d(al, bh)

CH = 256
C = 64
NCL = 128
WIN = 144
H = 224
W = 224
L = H * W
NWIN = 349
LP = NWIN * WIN
PADN = LP - L
RES = 0.1

TILE_H = 8
T = TILE_H * W
NTILES = H // TILE_H
HALO = 256
NCHUNK = T // NCL
XW = 128

SC_CORES = 2
SC_SUBCORES = 16
SC_WORKERS = SC_CORES * SC_SUBCORES
B_W = L // SC_WORKERS
SUB = 112
NSUB = B_W // SUB
NGRP = SUB // 16


def _p1_body(xprev_ref, xcur_ref, xnext_ref, w3_ref, wa_ref, bm_ref, ba_ref,
             means_ref, xr_ref, yr_ref, bkt_ref, rnk_ref, start_ref, run_ref):
    i = pl.program_id(0)
    nt = pl.num_programs(0)

    @pl.when(i == 0)
    def _():
        run_ref[...] = jnp.zeros_like(run_ref)

    cur = xcur_ref[...]
    ml = jnp.where(i == 0, 0.0, 1.0).astype(F32)
    mr = jnp.where(i == nt - 1, 0.0, 1.0).astype(F32)
    wide = jnp.concatenate(
        [xprev_ref[:, T - HALO:] * ml, cur, xnext_ref[:, :HALO] * mr], axis=1)

    col = lax.broadcasted_iota(I32, (1, T), 1)
    wpos = col % W
    mask_l = (wpos != 0).astype(F32)
    mask_r = (wpos != W - 1).astype(F32)
    wide_h = wide.astype(BF16)
    wide_l = (wide - wide_h.astype(F32)).astype(BF16)
    dims = (((1,), (0,)), ((), ()))
    d = lambda a, b: lax.dot_general(a, b, dims, preferred_element_type=F32)
    accs = []
    for dx in (-1, 0, 1):
        a = jnp.zeros((C, T), dtype=F32)
        for dy in (-1, 0, 1):
            k = (dy + 1) * 3 + (dx + 1)
            off = dy * W + dx
            wk = w3_ref[k]
            wh = wk.astype(BF16)
            wl = (wk - wh.astype(F32)).astype(BF16)
            xh = wide_h[:, HALO + off:HALO + off + T]
            xl = wide_l[:, HALO + off:HALO + off + T]
            a = a + (d(wh, xh) + d(wh, xl) + d(wl, xh))
        accs.append(a)
    x1 = (accs[0] * mask_l + accs[1] + accs[2] * mask_r
          + bm_ref[...].reshape(C, 1))
    y = lax.dot_general(wa_ref[...], cur, (((1,), (0,)), ((), ())),
                        precision=FAST) + ba_ref[...].reshape(CH, 1)

    nrm = jnp.sqrt(jnp.sum(x1 * x1, axis=0, keepdims=True))
    n5 = jnp.maximum(nrm, 5e-5)
    xatt = x1 * (1.0 / n5)
    xr_ref[...] = jnp.concatenate(
        [xatt.T, n5.T, jnp.zeros((T, XW - C - 1), F32)], axis=1)
    yr_ref[...] = y.T

    xn = x1 * (1.0 / jnp.maximum(nrm, 1e-12))
    d = lax.dot_general(means_ref[...], xn, (((1,), (0,)), ((), ())),
                        precision=HIGHEST)
    mx = jnp.max(d, axis=0, keepdims=True)
    cls_t = lax.broadcasted_iota(I32, (NCL, T), 0)
    brow = jnp.min(jnp.where(d == mx, cls_t, NCL), axis=0, keepdims=True)
    bkt_ref[...] = brow.reshape(1, 1, T)

    cls = lax.broadcasted_iota(I32, (NCL, NCL), 0)
    tri = (lax.broadcasted_iota(I32, (NCL, NCL), 0)
           < lax.broadcasted_iota(I32, (NCL, NCL), 1)).astype(F32)
    run = run_ref[...]
    ranks = []
    for g in range(NCHUNK):
        bs = brow[:, g * NCL:(g + 1) * NCL]
        oh = (cls == bs).astype(F32)
        excl = lax.dot_general(oh, tri, (((1,), (0,)), ((), ())))
        ranks.append(jnp.sum(oh * (run + excl), axis=0, keepdims=True))
        run = run + jnp.sum(oh, axis=1, keepdims=True)
    run_ref[...] = run
    rnk_ref[...] = jnp.concatenate(ranks, axis=1).astype(I32).reshape(1, 1, T)

    @pl.when(i == nt - 1)
    def _():
        runT = run.reshape(1, NCL)
        acc_s = runT
        k = 1
        while k < NCL:
            acc_s = acc_s + jnp.concatenate(
                [jnp.zeros((1, k), F32), acc_s[:, :NCL - k]], axis=1)
            k *= 2
        start_ref[...] = (acc_s - runT).astype(I32)


def _p1_call(xflat, w3, wa, bm, ba, means):
    grid = (NTILES,)
    clamp = lambda v: jnp.clip(v, 0, NTILES - 1)
    return pl.pallas_call(
        _p1_body,
        grid=grid,
        in_specs=[
            pl.BlockSpec((CH, T), lambda i: (0, clamp(i - 1))),
            pl.BlockSpec((CH, T), lambda i: (0, i)),
            pl.BlockSpec((CH, T), lambda i: (0, clamp(i + 1))),
            pl.BlockSpec((9, C, CH), lambda i: (0, 0, 0)),
            pl.BlockSpec((CH, CH), lambda i: (0, 0)),
            pl.BlockSpec((1, C), lambda i: (0, 0)),
            pl.BlockSpec((1, CH), lambda i: (0, 0)),
            pl.BlockSpec((NCL, C), lambda i: (0, 0)),
        ],
        out_specs=[
            pl.BlockSpec((T, XW), lambda i: (i, 0)),
            pl.BlockSpec((T, CH), lambda i: (i, 0)),
            pl.BlockSpec((1, 1, T), lambda i: (i, 0, 0)),
            pl.BlockSpec((1, 1, T), lambda i: (i, 0, 0)),
            pl.BlockSpec((1, NCL), lambda i: (0, 0)),
        ],
        out_shape=[
            jax.ShapeDtypeStruct((L, XW), F32),
            jax.ShapeDtypeStruct((L, CH), F32),
            jax.ShapeDtypeStruct((NTILES, 1, T), I32),
            jax.ShapeDtypeStruct((NTILES, 1, T), I32),
            jax.ShapeDtypeStruct((1, NCL), I32),
        ],
        scratch_shapes=[pltpu.VMEM((NCL, 1), F32)],
    )(xflat, xflat, xflat, w3, wa, bm, ba, means)


def _sc_compiler_params():
    cp = pltpu.CompilerParams()
    if "needs_layout_passes" in pltpu.CompilerParams.__dataclass_fields__:
        cp = dataclasses.replace(cp, needs_layout_passes=False)
    return cp


def _sc_scatter(xr, yr, bkt, rnk, start):
    mesh = plsc.VectorSubcoreMesh(core_axis_name="c", subcore_axis_name="s")

    @functools.partial(
        pl.kernel,
        mesh=mesh,
        compiler_params=_sc_compiler_params(),
        out_type=[
            jax.ShapeDtypeStruct((LP, XW), F32),
            jax.ShapeDtypeStruct((LP, CH), F32),
            jax.ShapeDtypeStruct((L,), I32),
        ],
        scratch_types=[
            pltpu.VMEM((NCL,), I32),
            pltpu.VMEM((2, SUB), I32),
            pltpu.VMEM((2, SUB), I32),
            pltpu.VMEM((2, SUB), I32),
            pltpu.VMEM((2, SUB, XW), F32),
            pltpu.VMEM((2, SUB, CH), F32),
            pltpu.SemaphoreType.DMA,
            pltpu.SemaphoreType.DMA,
            pltpu.SemaphoreType.DMA,
            pltpu.SemaphoreType.DMA,
        ],
    )
    def body(x_hbm, y_hbm, bkt_hbm, rnk_hbm, start_hbm, xs_hbm, ys_hbm,
             pos_hbm, start_v, bkt_v, rnk_v, pos_v, xv, yv,
             sem_in0, sem_in1, sem_sc0, sem_sc1):
        wid = lax.axis_index("s") * SC_CORES + lax.axis_index("c")
        pltpu.sync_copy(start_hbm, start_v)
        sem_in = (sem_in0, sem_in1)
        sem_sc = (sem_sc0, sem_sc1)

        def issue_in(ci, b):
            base = wid * B_W + ci * SUB
            pltpu.async_copy(bkt_hbm.at[pl.ds(base, SUB)], bkt_v.at[b], sem_in[b])
            pltpu.async_copy(rnk_hbm.at[pl.ds(base, SUB)], rnk_v.at[b], sem_in[b])
            pltpu.async_copy(x_hbm.at[pl.ds(base, SUB)], xv.at[b], sem_in[b])
            pltpu.async_copy(y_hbm.at[pl.ds(base, SUB)], yv.at[b], sem_in[b])

        def wait_in(ci, b):
            base = wid * B_W + ci * SUB
            pltpu.make_async_copy(bkt_hbm.at[pl.ds(base, SUB)], bkt_v.at[b], sem_in[b]).wait()
            pltpu.make_async_copy(rnk_hbm.at[pl.ds(base, SUB)], rnk_v.at[b], sem_in[b]).wait()
            pltpu.make_async_copy(x_hbm.at[pl.ds(base, SUB)], xv.at[b], sem_in[b]).wait()
            pltpu.make_async_copy(y_hbm.at[pl.ds(base, SUB)], yv.at[b], sem_in[b]).wait()

        def wait_sc(b):
            pltpu.make_async_copy(xv.at[b], xs_hbm.at[pos_v.at[b]], sem_sc[b]).wait()
            pltpu.make_async_copy(yv.at[b], ys_hbm.at[pos_v.at[b]], sem_sc[b]).wait()

        def step(ci, b):
            base = wid * B_W + ci * SUB
            wait_in(ci, b)

            @pl.loop(0, NGRP)
            def _(g):
                sl = pl.ds(g * 16, 16)
                s16 = plsc.load_gather(start_v, [bkt_v.at[b][sl]])
                pos_v.at[b][sl] = rnk_v.at[b][sl] + s16

            pltpu.async_copy(xv.at[b], xs_hbm.at[pos_v.at[b]], sem_sc[b])
            pltpu.async_copy(yv.at[b], ys_hbm.at[pos_v.at[b]], sem_sc[b])
            pltpu.sync_copy(pos_v.at[b], pos_hbm.at[pl.ds(base, SUB)])

        issue_in(0, 0)
        issue_in(1, 1)

        @pl.loop(0, NSUB // 2)
        def _(cj):
            for b in (0, 1):
                ci = cj * 2 + b
                step(ci, b)

                @pl.when(ci + 2 < NSUB)
                def _():
                    wait_sc(b)
                    issue_in(ci + 2, b)

        wait_sc(0)
        wait_sc(1)

    return body(xr, yr, bkt, rnk, start)


def _padcopy_body(xin_ref, yin_ref, xo_ref, yo_ref):
    xo_ref[...] = xin_ref[...]
    yo_ref[...] = yin_ref[...]


def _padcopy(xs, ys):
    nblk = PADN // 16
    src0 = (L - PADN) // 16
    dst0 = L // 16
    return pl.pallas_call(
        _padcopy_body,
        grid=(nblk,),
        in_specs=[
            pl.BlockSpec((16, XW), lambda i: (src0 + i, 0)),
            pl.BlockSpec((16, CH), lambda i: (src0 + i, 0)),
        ],
        out_specs=[
            pl.BlockSpec((16, XW), lambda i: (dst0 + i, 0)),
            pl.BlockSpec((16, CH), lambda i: (dst0 + i, 0)),
        ],
        out_shape=[
            jax.ShapeDtypeStruct((LP, XW), F32),
            jax.ShapeDtypeStruct((LP, CH), F32),
        ],
        input_output_aliases={0: 0, 1: 1},
    )(xs, ys)


def _att_body(xin_ref, yin_ref, o_ref, kh_ring, kl_ring, n_ring, yb_ring):
    s = pl.program_id(0)
    slot = lax.rem(s, 3)
    kk = xin_ref[:, :C]
    kh = kk.astype(BF16)
    kl = (kk - kh.astype(F32)).astype(BF16)
    kh_ring[pl.ds(slot, 1)] = kh[None]
    kl_ring[pl.ds(slot, 1)] = kl[None]
    n_ring[pl.ds(slot, 1)] = xin_ref[:, C:C + 1][None]
    yb_ring[pl.ds(slot, 1)] = yin_ref[...].astype(BF16)[None]

    @pl.when(s >= 2)
    def _():
        cs = lax.rem(s + 2, 3)
        ps = lax.rem(s + 1, 3)
        ns = slot
        dims = (((1,), (1,)), ((), ()))
        d = lambda x, yv: lax.dot_general(x, yv, dims,
                                          preferred_element_type=F32)
        qh = kh_ring[pl.ds(cs, 1)].reshape(WIN, C)
        ql = kl_ring[pl.ds(cs, 1)].reshape(WIN, C)
        nq = n_ring[pl.ds(cs, 1)].reshape(WIN, 1)
        parts = []
        ybs = []
        for j in (cs, ps, ns):
            khj = kh_ring[pl.ds(j, 1)].reshape(WIN, C)
            klj = kl_ring[pl.ds(j, 1)].reshape(WIN, C)
            parts.append((d(qh, khj) + d(qh, klj) + d(ql, khj)) * nq)
            ybs.append(yb_ring[pl.ds(j, 1)].reshape(WIN, CH))
        m = jnp.maximum(jnp.maximum(
            jnp.max(parts[0], axis=1, keepdims=True),
            jnp.max(parts[1], axis=1, keepdims=True)),
            jnp.max(parts[2], axis=1, keepdims=True))
        es = [jnp.exp(p - m) for p in parts]
        denom = (jnp.sum(es[0], axis=1, keepdims=True)
                 + jnp.sum(es[1], axis=1, keepdims=True)
                 + jnp.sum(es[2], axis=1, keepdims=True))
        dims2 = (((1,), (0,)), ((), ()))
        acc = sum(lax.dot_general(e.astype(BF16), yb, dims2,
                                  preferred_element_type=F32)
                  for e, yb in zip(es, ybs))
        o_ref[...] = acc * (1.0 / denom)


def _att_call(xs, ys):
    fetch = lambda s: ((s + NWIN - 1) % NWIN, 0)
    emit = lambda s: (jnp.where(s < 2, NWIN, s - 2), 0)
    return pl.pallas_call(
        _att_body,
        grid=(NWIN + 2,),
        in_specs=[
            pl.BlockSpec((WIN, XW), fetch),
            pl.BlockSpec((WIN, CH), fetch),
        ],
        out_specs=pl.BlockSpec((WIN, CH), emit),
        out_shape=jax.ShapeDtypeStruct((LP + WIN, CH), F32),
        scratch_shapes=[
            pltpu.VMEM((3, WIN, C), BF16),
            pltpu.VMEM((3, WIN, C), BF16),
            pltpu.VMEM((3, WIN, 1), F32),
            pltpu.VMEM((3, WIN, CH), BF16),
        ],
    )(xs, ys)


def _sc_gather(ret_s, pos):
    mesh = plsc.VectorSubcoreMesh(core_axis_name="c", subcore_axis_name="s")

    @functools.partial(
        pl.kernel,
        mesh=mesh,
        out_type=jax.ShapeDtypeStruct((L, CH), F32),
        scratch_types=[
            pltpu.VMEM((2, SUB), I32),
            pltpu.VMEM((2, SUB, CH), F32),
            pltpu.SemaphoreType.DMA,
            pltpu.SemaphoreType.DMA,
        ],
    )
    def body(ret_hbm, pos_hbm, out_hbm, pos_v, rv, sem_g0, sem_g1):
        wid = lax.axis_index("s") * SC_CORES + lax.axis_index("c")
        sem_g = (sem_g0, sem_g1)

        def drain(ci, b):
            pltpu.make_async_copy(ret_hbm.at[pos_v.at[b]], rv.at[b],
                                  sem_g[b]).wait()
            pltpu.sync_copy(rv.at[b], out_hbm.at[pl.ds(wid * B_W + ci * SUB,
                                                       SUB)])

        def load_and_fire(ci, b):
            pltpu.sync_copy(pos_hbm.at[pl.ds(wid * B_W + ci * SUB, SUB)],
                            pos_v.at[b])
            pltpu.async_copy(ret_hbm.at[pos_v.at[b]], rv.at[b], sem_g[b])

        load_and_fire(0, 0)
        load_and_fire(1, 1)

        @pl.loop(0, NSUB // 2 - 1)
        def _(cj):
            for b in (0, 1):
                ci = cj * 2 + b
                drain(ci, b)
                load_and_fire(ci + 2, b)

        drain(NSUB - 2, 0)
        drain(NSUB - 1, 1)

    return body(ret_s, pos)


def _p4_body(r_ref, x_ref, o_ref):
    o_ref[...] = r_ref[...].T * RES + x_ref[...]


def _p4_call(ru, xflat):
    tile = 512
    grid = (L // tile,)
    return pl.pallas_call(
        _p4_body,
        grid=grid,
        in_specs=[
            pl.BlockSpec((tile, CH), lambda i: (i, 0)),
            pl.BlockSpec((CH, tile), lambda i: (0, i)),
        ],
        out_specs=pl.BlockSpec((CH, tile), lambda i: (0, i)),
        out_shape=jax.ShapeDtypeStruct((CH, L), F32),
    )(ru, xflat)


def kernel(input_x, w_match, b_match, w_assembly, b_assembly, means):
    xflat = input_x.reshape(CH, L)
    w3 = w_match.transpose(2, 3, 0, 1).reshape(9, C, CH)
    wa = w_assembly.reshape(CH, CH)
    bm = b_match.reshape(1, C)
    ba = b_assembly.reshape(1, CH)
    mns = means.reshape(NCL, C)

    xr, yr, bkt3, rnk3, start = _p1_call(xflat, w3, wa, bm, ba, mns)
    bkt = bkt3.reshape(L)
    rnk = rnk3.reshape(L)
    st = start.reshape(NCL)

    xs, ys, pos = _sc_scatter(xr, yr, bkt, rnk, st)
    xs, ys = _padcopy(xs, ys)
    ret_s = _att_call(xs, ys)
    ru = _sc_gather(ret_s, pos)
    out = _p4_call(ru, xflat)
    return out.reshape(1, CH, H, W)

# --- scband reference (transcript-rebuilt; emitter-appended) ---
"""Pipeline reference for scband-recurrent-non-local-kmeans-attention-with-loss-6133213299491 (READ-ONLY COPY).

The authoritative reference and input builder live on the scoring server;
editing this copy changes nothing except your own understanding.
"""

import jax, jax.numpy as jnp
import numpy as np

CH = 256
RED = 4
NCL = 128
WIN = 144
NROUNDS = 1
RES = 0.1


def conv2d(x, w, b):
    ph, pw = w.shape[2] // 2, w.shape[3] // 2
    out = jax.lax.conv_general_dilated(x, w, (1, 1), [(ph, ph), (pw, pw)],
                                       dimension_numbers=('NCHW', 'OIHW', 'NCHW'))
    return out + b.reshape(1, -1, 1, 1)


def l2norm(x, eps):
    n = jnp.linalg.norm(x, axis=-1, keepdims=True)
    return x / jnp.maximum(n, eps)


def add_adjacent(x):
    back = jnp.concatenate([x[:, :, -1:], x[:, :, :-1]], axis=2)
    fwd = jnp.concatenate([x[:, :, 1:], x[:, :, :1]], axis=2)
    return jnp.concatenate([x, back, fwd], axis=3)


def setup_inputs(seed: int = 0):
    key = jax.random.key(seed)
    ks = jax.random.split(key, 8)
    N, H, W = 1, 224, 224
    cqk = CH // RED
    inp = {}
    inp['input_x'] = jax.random.normal(ks[0], (N, CH, H, W), dtype=jnp.float32)
    inp['w_match'] = jax.random.normal(ks[1], (cqk, CH, 3, 3), dtype=jnp.float32) * 0.02
    inp['b_match'] = jnp.zeros((cqk,), dtype=jnp.float32)
    inp['w_assembly'] = jax.random.normal(ks[2], (CH, CH, 1, 1), dtype=jnp.float32) * 0.02
    inp['b_assembly'] = jnp.zeros((CH,), dtype=jnp.float32)
    inp['means'] = jax.random.normal(ks[3], (NROUNDS, NCL, cqk), dtype=jnp.float32)
    return inp


def reference(input_x, w_match, b_match, w_assembly, b_assembly, means):
    # Eval-mode path with shared_att_map=None, kmeans already initted (means buffer given).
    N, _, H, W = input_x.shape
    L = H * W
    x1 = conv2d(input_x, w_match, b_match)                    # (N, C, H, W), C = CH//RED
    x_embed = x1.reshape(N, -1, L).transpose(0, 2, 1)         # (N, L, C)
    y_embed = conv2d(input_x, w_assembly, b_assembly).reshape(N, -1, L).transpose(0, 2, 1)  # (N, L, CH)
    C = x_embed.shape[-1]
    # Kmeans.forward (eval): bucket assignment
    xk = jnp.broadcast_to(x_embed[:, None, :, :], (N, NROUNDS, L, C))
    xk = l2norm(xk, 1e-12)
    dists = jnp.einsum('bhld,hcd->bhlc', xk, means)
    buckets = jnp.argmax(dists, axis=-1)                      # (N, NROUNDS, L)
    offsets = (jnp.arange(NROUNDS) * NCL).reshape(1, -1, 1)
    codes = (buckets + offsets).reshape(N, -1)                # (N, NROUNDS*L)
    indices = jnp.argsort(codes, axis=-1)
    undo_sort = jnp.argsort(indices, axis=-1)
    mod_indices = indices % L
    x_sorted = jnp.take_along_axis(x_embed, mod_indices[:, :, None], axis=1)
    y_sorted = jnp.take_along_axis(y_embed, mod_indices[:, :, None], axis=1)
    padding = (WIN - L % WIN) % WIN
    x_att = x_sorted.reshape(N, NROUNDS, -1, C)
    y_att = y_sorted.reshape(N, NROUNDS, -1, C * RED)
    if padding:
        x_att = jnp.concatenate([x_att, x_att[:, :, -padding:, :]], axis=2)
        y_att = jnp.concatenate([y_att, y_att[:, :, -padding:, :]], axis=2)
    x_att = x_att.reshape(N, NROUNDS, -1, WIN, C)
    y_att = y_att.reshape(N, NROUNDS, -1, WIN, C * RED)
    x_match = l2norm(x_att, 5e-05)
    x_match = add_adjacent(x_match)
    y_att3 = add_adjacent(y_att)
    raw_score = jnp.einsum('bhkie,bhkje->bhkij', x_att, x_match)
    bucket_score = jax.scipy.special.logsumexp(raw_score, axis=-1, keepdims=True)
    score = jnp.exp(raw_score - bucket_score)
    bucket_score = bucket_score.reshape(N, NROUNDS, -1)
    ret = jnp.einsum('bhkij,bhkje->bhkie', score, y_att3)
    ret = ret.reshape(N, NROUNDS, -1, C * RED)
    if padding:
        ret = ret[:, :, :L, :]
        bucket_score = bucket_score[:, :, :L]
    ret = ret.reshape(N, -1, C * RED)
    bucket_score = bucket_score.reshape(N, -1)
    ret = jnp.take_along_axis(ret, undo_sort[:, :, None], axis=1)
    bucket_score = jnp.take_along_axis(bucket_score, undo_sort, axis=1)
    ret = ret.reshape(N, NROUNDS, L, C * RED)
    bucket_score = bucket_score.reshape(N, NROUNDS, L, 1)
    probs = jax.nn.softmax(bucket_score, axis=1)
    ret = jnp.sum(ret * probs, axis=1)                        # (N, L, CH)
    out = ret.transpose(0, 2, 1).reshape(N, -1, H, W) * RES + input_x
    return out

if __name__ == "__main__":
    import jax
    _d = setup_inputs()
    print(jax.jit(kernel)(*tuple(_d.values())))

</pallas_src>

<mosaic_0001>
#map = affine_map<(d0, d1) -> (0, 0)>
#map1 = affine_map<(d0, d1) -> (0)>
module attributes {stable_mosaic.version = 14 : i64} {
  func.func @body(%arg0: i32, %arg1: i32, %arg2: memref<50400x256xf32, #tpu.memory_space<hbm>>, %arg3: memref<50176xi32, #tpu.memory_space<hbm>>, %arg4: memref<50176x256xf32, #tpu.memory_space<hbm>>, %arg5: memref<2x112xi32, #tpu.memory_space<vmem>>, %arg6: memref<2x112x256xf32, #tpu.memory_space<vmem>>, %arg7: memref<!tpu.dma_semaphore, #tpu.memory_space<semaphore_mem>>, %arg8: memref<!tpu.dma_semaphore, #tpu.memory_space<semaphore_mem>>) attributes {dimension_semantics = [#tpu.dimension_semantics<core_parallel>, #tpu.dimension_semantics<subcore_parallel>], iteration_bounds = array<i64: 2, 16>, scalar_prefetch = 0 : i64, scratch_operands = 4 : i64, tpu.core_type = #tpu.core_type<sc_vector_subcore>, window_params = [{transform_indices = #map}, {transform_indices = #map1}, {transform_indices = #map}]} {
    %mul3A = arith.constant 2 : i32
    %mul3A_0 = arith.muli %arg1, %mul3A : i32
    %add3A = arith.addi %mul3A_0, %arg0 : i32
    %mul3A_1 = arith.constant 1568 : i32
    %mul3A_2 = arith.muli %add3A, %mul3A_1 : i32
    %add3A_3 = arith.constant 0 : i32
    %add3A_4 = arith.addi %mul3A_2, %add3A_3 : i32
    %run_scoped3A = arith.constant 0 : i32
    "tpu.region"() ({
      %run_scoped3A_70 = tpu.sem_alloc : memref<!tpu.dma_semaphore, #tpu.memory_space<semaphore_mem>>
      %dma_start3A_71 = arith.constant 0 : i32
      %dma_start3A_72 = tpu.memref_slice %arg5[%run_scoped3A, %dma_start3A_71] : memref<2x112xi32, #tpu.memory_space<vmem>> -> memref<1x112xi32, #tpu.memory_space<vmem>>
      %dma_start3A_73 = tpu.memref_squeeze %dma_start3A_72 : memref<1x112xi32, #tpu.memory_space<vmem>> -> memref<112xi32, #tpu.memory_space<vmem>>
      %dma_start3A_74 = tpu.memref_slice %arg3[%add3A_4] : memref<50176xi32, #tpu.memory_space<hbm>> -> memref<112xi32, #tpu.memory_space<hbm>>
      %dma_start3A_75 = arith.constant 0 : i32
      %dma_start3A_76 = tpu.memref_slice %arg5[%run_scoped3A, %dma_start3A_75] : memref<2x112xi32, #tpu.memory_space<vmem>> -> memref<1x112xi32, #tpu.memory_space<vmem>>
      %dma_start3A_77 = tpu.memref_squeeze %dma_start3A_76 : memref<1x112xi32, #tpu.memory_space<vmem>> -> memref<112xi32, #tpu.memory_space<vmem>>
      %dma_start3A_78 = tpu.memref_slice %arg3[%add3A_4] : memref<50176xi32, #tpu.memory_space<hbm>> -> memref<112xi32, #tpu.memory_space<hbm>>
      tpu.enqueue_dma source(%dma_start3A_78 : memref<112xi32, #tpu.memory_space<hbm>>) target(%dma_start3A_77 : memref<112xi32, #tpu.memory_space<vmem>>) target_semaphore(%run_scoped3A_70 : memref<!tpu.dma_semaphore, #tpu.memory_space<semaphore_mem>>)
      %dma_wait3A_79 = arith.constant 0 : i32
      %dma_wait3A_80 = tpu.memref_slice %arg5[%run_scoped3A, %dma_wait3A_79] : memref<2x112xi32, #tpu.memory_space<vmem>> -> memref<1x112xi32, #tpu.memory_space<vmem>>
      %dma_wait3A_81 = tpu.memref_squeeze %dma_wait3A_80 : memref<1x112xi32, #tpu.memory_space<vmem>> -> memref<112xi32, #tpu.memory_space<vmem>>
      %dma_wait3A_82 = tpu.memref_slice %arg3[%add3A_4] : memref<50176xi32, #tpu.memory_space<hbm>> -> memref<112xi32, #tpu.memory_space<hbm>>
      %dma_wait3A_83 = arith.constant 0 : i32
      %dma_wait3A_84 = tpu.memref_slice %arg5[%run_scoped3A, %dma_wait3A_83] : memref<2x112xi32, #tpu.memory_space<vmem>> -> memref<1x112xi32, #tpu.memory_space<vmem>>
      %dma_wait3A_85 = tpu.memref_squeeze %dma_wait3A_84 : memref<1x112xi32, #tpu.memory_space<vmem>> -> memref<112xi32, #tpu.memory_space<vmem>>
      %dma_wait3A_86 = tpu.memref_slice %arg3[%add3A_4] : memref<50176xi32, #tpu.memory_space<hbm>> -> memref<112xi32, #tpu.memory_space<hbm>>
      tpu.wait_dma2 semaphore(%run_scoped3A_70 : memref<!tpu.dma_semaphore, #tpu.memory_space<semaphore_mem>>) src(%dma_wait3A_86 : memref<112xi32, #tpu.memory_space<hbm>>) dst(%dma_wait3A_85 : memref<112xi32, #tpu.memory_space<vmem>>)
      tpu.yield
    }) : () -> ()
    %dma_start3A = arith.constant 0 : i32
    %dma_start3A_5 = arith.constant 0 : i32
    %dma_start3A_6 = arith.constant 0 : i32
    %dma_start3A_7 = arith.constant 0 : i32
    %dma_start3A_8 = tpu.memref_slice %arg6[%dma_start3A_5, %dma_start3A_6, %dma_start3A_7] : memref<2x112x256xf32, #tpu.memory_space<vmem>> -> memref<1x112x256xf32, #tpu.memory_space<vmem>>
    %dma_start3A_9 = tpu.memref_squeeze %dma_start3A_8 : memref<1x112x256xf32, #tpu.memory_space<vmem>> -> memref<112x256xf32, #tpu.memory_space<vmem>>
    %dma_start3A_10 = arith.constant 0 : i32
    %dma_start3A_11 = tpu.memref_slice %arg5[%dma_start3A, %dma_start3A_10] : memref<2x112xi32, #tpu.memory_space<vmem>> -> memref<1x112xi32, #tpu.memory_space<vmem>>
    %dma_start3A_12 = tpu.memref_squeeze %dma_start3A_11 : memref<1x112xi32, #tpu.memory_space<vmem>> -> memref<112xi32, #tpu.memory_space<vmem>>
    %dma_start3A_13 = arith.constant 0 : i32
    %dma_start3A_14 = arith.constant 0 : i32
    %dma_start3A_15 = tpu.memref_slice %arg2[%dma_start3A_13, %dma_start3A_14] : memref<50400x256xf32, #tpu.memory_space<hbm>> -> memref<50400x256xf32, #tpu.memory_space<hbm>>
    tpu.enqueue_indirect_dma source(%dma_start3A_15 : memref<50400x256xf32, #tpu.memory_space<hbm>>) target(%dma_start3A_9 : memref<112x256xf32, #tpu.memory_space<vmem>>) offsets(%dma_start3A_12 : memref<112xi32, #tpu.memory_space<vmem>>) semaphore(%arg7 : memref<!tpu.dma_semaphore, #tpu.memory_space<semaphore_mem>>)
    %mul3A_16 = arith.constant 1568 : i32
    %mul3A_17 = arith.muli %add3A, %mul3A_16 : i32
    %add3A_18 = arith.constant 112 : i32
    %add3A_19 = arith.addi %mul3A_17, %add3A_18 : i32
    %run_scoped3A_20 = arith.constant 1 : i32
    "tpu.region"() ({
      %run_scoped3A_70 = tpu.sem_alloc : memref<!tpu.dma_semaphore, #tpu.memory_space<semaphore_mem>>
      %dma_start3A_71 = arith.constant 0 : i32
      %dma_start3A_72 = tpu.memref_slice %arg5[%run_scoped3A_20, %dma_start3A_71] : memref<2x112xi32, #tpu.memory_space<vmem>> -> memref<1x112xi32, #tpu.memory_space<vmem>>
      %dma_start3A_73 = tpu.memref_squeeze %dma_start3A_72 : memref<1x112xi32, #tpu.memory_space<vmem>> -> memref<112xi32, #tpu.memory_space<vmem>>
      %dma_start3A_74 = tpu.memref_slice %arg3[%add3A_19] : memref<50176xi32, #tpu.memory_space<hbm>> -> memref<112xi32, #tpu.memory_space<hbm>>
      %dma_start3A_75 = arith.constant 0 : i32
      %dma_start3A_76 = tpu.memref_slice %arg5[%run_scoped3A_20, %dma_start3A_75] : memref<2x112xi32, #tpu.memory_space<vmem>> -> memref<1x112xi32, #tpu.memory_space<vmem>>
      %dma_start3A_77 = tpu.memref_squeeze %dma_start3A_76 : memref<1x112xi32, #tpu.memory_space<vmem>> -> memref<112xi32, #tpu.memory_space<vmem>>
      %dma_start3A_78 = tpu.memref_slice %arg3[%add3A_19] : memref<50176xi32, #tpu.memory_space<hbm>> -> memref<112xi32, #tpu.memory_space<hbm>>
      tpu.enqueue_dma source(%dma_start3A_78 : memref<112xi32, #tpu.memory_space<hbm>>) target(%dma_start3A_77 : memref<112xi32, #tpu.memory_space<vmem>>) target_semaphore(%run_scoped3A_70 : memref<!tpu.dma_semaphore, #tpu.memory_space<semaphore_mem>>)
      %dma_wait3A_79 = arith.constant 0 : i32
      %dma_wait3A_80 = tpu.memref_slice %arg5[%run_scoped3A_20, %dma_wait3A_79] : memref<2x112xi32, #tpu.memory_space<vmem>> -> memref<1x112xi32, #tpu.memory_space<vmem>>
      %dma_wait3A_81 = tpu.memref_squeeze %dma_wait3A_80 : memref<1x112xi32, #tpu.memory_space<vmem>> -> memref<112xi32, #tpu.memory_space<vmem>>
      %dma_wait3A_82 = tpu.memref_slice %arg3[%add3A_19] : memref<50176xi32, #tpu.memory_space<hbm>> -> memref<112xi32, #tpu.memory_space<hbm>>
      %dma_wait3A_83 = arith.constant 0 : i32
      %dma_wait3A_84 = tpu.memref_slice %arg5[%run_scoped3A_20, %dma_wait3A_83] : memref<2x112xi32, #tpu.memory_space<vmem>> -> memref<1x112xi32, #tpu.memory_space<vmem>>
      %dma_wait3A_85 = tpu.memref_squeeze %dma_wait3A_84 : memref<1x112xi32, #tpu.memory_space<vmem>> -> memref<112xi32, #tpu.memory_space<vmem>>
      %dma_wait3A_86 = tpu.memref_slice %arg3[%add3A_19] : memref<50176xi32, #tpu.memory_space<hbm>> -> memref<112xi32, #tpu.memory_space<hbm>>
      tpu.wait_dma2 semaphore(%run_scoped3A_70 : memref<!tpu.dma_semaphore, #tpu.memory_space<semaphore_mem>>) src(%dma_wait3A_86 : memref<112xi32, #tpu.memory_space<hbm>>) dst(%dma_wait3A_85 : memref<112xi32, #tpu.memory_space<vmem>>)
      tpu.yield
    }) : () -> ()
    %dma_start3A_21 = arith.constant 1 : i32
    %dma_start3A_22 = arith.constant 1 : i32
    %dma_start3A_23 = arith.constant 0 : i32
    %dma_start3A_24 = arith.constant 0 : i32
    %dma_start3A_25 = tpu.memref_slice %arg6[%dma_start3A_22, %dma_start3A_23, %dma_start3A_24] : memref<2x112x256xf32, #tpu.memory_space<vmem>> -> memref<1x112x256xf32, #tpu.memory_space<vmem>>
    %dma_start3A_26 = tpu.memref_squeeze %dma_start3A_25 : memref<1x112x256xf32, #tpu.memory_space<vmem>> -> memref<112x256xf32, #tpu.memory_space<vmem>>
    %dma_start3A_27 = arith.constant 0 : i32
    %dma_start3A_28 = tpu.memref_slice %arg5[%dma_start3A_21, %dma_start3A_27] : memref<2x112xi32, #tpu.memory_space<vmem>> -> memref<1x112xi32, #tpu.memory_space<vmem>>
    %dma_start3A_29 = tpu.memref_squeeze %dma_start3A_28 : memref<1x112xi32, #tpu.memory_space<vmem>> -> memref<112xi32, #tpu.memory_space<vmem>>
    %dma_start3A_30 = arith.constant 0 : i32
    %dma_start3A_31 = arith.constant 0 : i32
    %dma_start3A_32 = tpu.memref_slice %arg2[%dma_start3A_30, %dma_start3A_31] : memref<50400x256xf32, #tpu.memory_space<hbm>> -> memref<50400x256xf32, #tpu.memory_space<hbm>>
    tpu.enqueue_indirect_dma source(%dma_start3A_32 : memref<50400x256xf32, #tpu.memory_space<hbm>>) target(%dma_start3A_26 : memref<112x256xf32, #tpu.memory_space<vmem>>) offsets(%dma_start3A_29 : memref<112xi32, #tpu.memory_space<vmem>>) semaphore(%arg8 : memref<!tpu.dma_semaphore, #tpu.memory_space<semaphore_mem>>)
    %scan3A = arith.constant 0 : i32
    %scan3A_33 = arith.constant 6 : i32
    %scan3A_34 = arith.addi %scan3A, %scan3A_33 : i32
    %scan3A_35 = arith.constant 1 : i32
    scf.for %scan3A_70 = %scan3A to %scan3A_34 step %scan3A_35  : i32 {
      %mul3A_71 = arith.constant 1 : i32
      %mul3A_72 = arith.muli %scan3A_70, %mul3A_71 : i32
      %add3A_73 = arith.constant 0 : i32
      %add3A_74 = arith.addi %add3A_73, %mul3A_72 : i32
      %mul3A_75 = arith.constant 2 : i32
      %mul3A_76 = arith.muli %add3A_74, %mul3A_75 : i32
      %add3A_77 = arith.constant 0 : i32
      %add3A_78 = arith.addi %mul3A_76, %add3A_77 : i32
      %dma_wait3A_79 = arith.constant 0 : i32
      %dma_wait3A_80 = arith.constant 0 : i32
      %dma_wait3A_81 = arith.constant 0 : i32
      %dma_wait3A_82 = arith.constant 0 : i32
      %dma_wait3A_83 = tpu.memref_slice %arg6[%dma_wait3A_80, %dma_wait3A_81, %dma_wait3A_82] : memref<2x112x256xf32, #tpu.memory_space<vmem>> -> memref<1x112x256xf32, #tpu.memory_space<vmem>>
      %dma_wait3A_84 = tpu.memref_squeeze %dma_wait3A_83 : memref<1x112x256xf32, #tpu.memory_space<vmem>> -> memref<112x256xf32, #tpu.memory_space<vmem>>
      %dma_wait3A_85 = arith.constant 0 : i32
      %dma_wait3A_86 = tpu.memref_slice %arg5[%dma_wait3A_79, %dma_wait3A_85] : memref<2x112xi32, #tpu.memory_space<vmem>> -> memref<1x112xi32, #tpu.memory_space<vmem>>
      %dma_wait3A_87 = tpu.memref_squeeze %dma_wait3A_86 : memref<1x112xi32, #tpu.memory_space<vmem>> -> memref<112xi32, #tpu.memory_space<vmem>>
      %dma_wait3A_88 = arith.constant 0 : i32
      %dma_wait3A_89 = arith.constant 0 : i32
      %dma_wait3A_90 = tpu.memref_slice %arg2[%dma_wait3A_88, %dma_wait3A_89] : memref<50400x256xf32, #tpu.memory_space<hbm>> -> memref<50400x256xf32, #tpu.memory_space<hbm>>
      tpu.wait_indirect_dma semaphore(%arg7 : memref<!tpu.dma_semaphore, #tpu.memory_space<semaphore_mem>>) src(%dma_wait3A_90 : memref<50400x256xf32, #tpu.memory_space<hbm>>) dst(%dma_wait3A_84 : memref<112x256xf32, #tpu.memory_space<vmem>>)
      %mul3A_91 = arith.constant 1568 : i32
      %mul3A_92 = arith.muli %add3A, %mul3A_91 : i32
      %mul3A_93 = arith.constant 112 : i32
      %mul3A_94 = arith.muli %add3A_78, %mul3A_93 : i32
      %add3A_95 = arith.addi %mul3A_92, %mul3A_94 : i32
      %run_scoped3A_96 = arith.constant 0 : i32
      "tpu.region"() ({
        %run_scoped3A_159 = tpu.sem_alloc : memref<!tpu.dma_semaphore, #tpu.memory_space<semaphore_mem>>
        %dma_start3A_160 = arith.constant 0 : i32
        %dma_start3A_161 = arith.constant 0 : i32
        %dma_start3A_162 = tpu.memref_slice %arg6[%run_scoped3A_96, %dma_start3A_160, %dma_start3A_161] : memref<2x112x256xf32, #tpu.memory_space<vmem>> -> memref<1x112x256xf32, #tpu.memory_space<vmem>>
        %dma_start3A_163 = tpu.memref_squeeze %dma_start3A_162 : memref<1x112x256xf32, #tpu.memory_space<vmem>> -> memref<112x256xf32, #tpu.memory_space<vmem>>
        %dma_start3A_164 = arith.constant 0 : i32
        %dma_start3A_165 = tpu.memref_slice %arg4[%add3A_95, %dma_start3A_164] : memref<50176x256xf32, #tpu.memory_space<hbm>> -> memref<112x256xf32, #tpu.memory_space<hbm>>
        %dma_start3A_166 = arith.constant 0 : i32
        %dma_start3A_167 = tpu.memref_slice %arg4[%add3A_95, %dma_start3A_166] : memref<50176x256xf32, #tpu.memory_space<hbm>> -> memref<112x256xf32, #tpu.memory_space<hbm>>
        %dma_start3A_168 = arith.constant 0 : i32
        %dma_start3A_169 = arith.constant 0 : i32
        %dma_start3A_170 = tpu.memref_slice %arg6[%run_scoped3A_96, %dma_start3A_168, %dma_start3A_169] : memref<2x112x256xf32, #tpu.memory_space<vmem>> -> memref<1x112x256xf32, #tpu.memory_space<vmem>>
        %dma_start3A_171 = tpu.memref_squeeze %dma_start3A_170 : memref<1x112x256xf32, #tpu.memory_space<vmem>> -> memref<112x256xf32, #tpu.memory_space<vmem>>
        tpu.enqueue_dma source(%dma_start3A_171 : memref<112x256xf32, #tpu.memory_space<vmem>>) target(%dma_start3A_167 : memref<112x256xf32, #tpu.memory_space<hbm>>) target_semaphore(%run_scoped3A_159 : memref<!tpu.dma_semaphore, #tpu.memory_space<semaphore_mem>>)
        %dma_wait3A_172 = arith.constant 0 : i32
        %dma_wait3A_173 = arith.constant 0 : i32
        %dma_wait3A_174 = tpu.memref_slice %arg6[%run_scoped3A_96, %dma_wait3A_172, %dma_wait3A_173] : memref<2x112x256xf32, #tpu.memory_space<vmem>> -> memref<1x112x256xf32, #tpu.memory_space<vmem>>
        %dma_wait3A_175 = tpu.memref_squeeze %dma_wait3A_174 : memref<1x112x256xf32, #tpu.memory_space<vmem>> -> memref<112x256xf32, #tpu.memory_space<vmem>>
        %dma_wait3A_176 = arith.constant 0 : i32
        %dma_wait3A_177 = tpu.memref_slice %arg4[%add3A_95, %dma_wait3A_176] : memref<50176x256xf32, #tpu.memory_space<hbm>> -> memref<112x256xf32, #tpu.memory_space<hbm>>
        %dma_wait3A_178 = arith.constant 0 : i32
        %dma_wait3A_179 = tpu.memref_slice %arg4[%add3A_95, %dma_wait3A_178] : memref<50176x256xf32, #tpu.memory_space<hbm>> -> memref<112x256xf32, #tpu.memory_space<hbm>>
        %dma_wait3A_180 = arith.constant 0 : i32
        %dma_wait3A_181 = arith.constant 0 : i32
        %dma_wait3A_182 = tpu.memref_slice %arg6[%run_scoped3A_96, %dma_wait3A_180, %dma_wait3A_181] : memref<2x112x256xf32, #tpu.memory_space<vmem>> -> memref<1x112x256xf32, #tpu.memory_space<vmem>>
        %dma_wait3A_183 = tpu.memref_squeeze %dma_wait3A_182 : memref<1x112x256xf32, #tpu.memory_space<vmem>> -> memref<112x256xf32, #tpu.memory_space<vmem>>
        tpu.wait_dma2 semaphore(%run_scoped3A_159 : memref<!tpu.dma_semaphore, #tpu.memory_space<semaphore_mem>>) src(%dma_wait3A_183 : memref<112x256xf32, #tpu.memory_space<vmem>>) dst(%dma_wait3A_179 : memref<112x256xf32, #tpu.memory_space<hbm>>)
        tpu.yield
      }) : () -> ()
      %add3A_97 = arith.constant 2 : i32
      %add3A_98 = arith.addi %add3A_78, %add3A_97 : i32
      %mul3A_99 = arith.constant 1568 : i32
      %mul3A_100 = arith.muli %add3A, %mul3A_99 : i32
      %mul3A_101 = arith.constant 112 : i32
      %mul3A_102 = arith.muli %add3A_98, %mul3A_101 : i32
      %add3A_103 = arith.addi %mul3A_100, %mul3A_102 : i32
      %run_scoped3A_104 = arith.constant 0 : i32
      "tpu.region"() ({
        %run_scoped3A_159 = tpu.sem_alloc : memref<!tpu.dma_semaphore, #tpu.memory_space<semaphore_mem>>
        %dma_start3A_160 = arith.constant 0 : i32
        %dma_start3A_161 = tpu.memref_slice %arg5[%run_scoped3A_104, %dma_start3A_160] : memref<2x112xi32, #tpu.memory_space<vmem>> -> memref<1x112xi32, #tpu.memory_space<vmem>>
        %dma_start3A_162 = tpu.memref_squeeze %dma_start3A_161 : memref<1x112xi32, #tpu.memory_space<vmem>> -> memref<112xi32, #tpu.memory_space<vmem>>
        %dma_start3A_163 = tpu.memref_slice %arg3[%add3A_103] : memref<50176xi32, #tpu.memory_space<hbm>> -> memref<112xi32, #tpu.memory_space<hbm>>
        %dma_start3A_164 = arith.constant 0 : i32
        %dma_start3A_165 = tpu.memref_slice %arg5[%run_scoped3A_104, %dma_start3A_164] : memref<2x112xi32, #tpu.memory_space<vmem>> -> memref<1x112xi32, #tpu.memory_space<vmem>>
        %dma_start3A_166 = tpu.memref_squeeze %dma_start3A_165 : memref<1x112xi32, #tpu.memory_space<vmem>> -> memref<112xi32, #tpu.memory_space<vmem>>
        %dma_start3A_167 = tpu.memref_slice %arg3[%add3A_103] : memref<50176xi32, #tpu.memory_space<hbm>> -> memref<112xi32, #tpu.memory_space<hbm>>
        tpu.enqueue_dma source(%dma_start3A_167 : memref<112xi32, #tpu.memory_space<hbm>>) target(%dma_start3A_166 : memref<112xi32, #tpu.memory_space<vmem>>) target_semaphore(%run_scoped3A_159 : memref<!tpu.dma_semaphore, #tpu.memory_space<semaphore_mem>>)
        %dma_wait3A_168 = arith.constant 0 : i32
        %dma_wait3A_169 = tpu.memref_slice %arg5[%run_scoped3A_104, %dma_wait3A_168] : memref<2x112xi32, #tpu.memory_space<vmem>> -> memref<1x112xi32, #tpu.memory_space<vmem>>
        %dma_wait3A_170 = tpu.memref_squeeze %dma_wait3A_169 : memref<1x112xi32, #tpu.memory_space<vmem>> -> memref<112xi32, #tpu.memory_space<vmem>>
        %dma_wait3A_171 = tpu.memref_slice %arg3[%add3A_103] : memref<50176xi32, #tpu.memory_space<hbm>> -> memref<112xi32, #tpu.memory_space<hbm>>
        %dma_wait3A_172 = arith.constant 0 : i32
        %dma_wait3A_173 = tpu.memref_slice %arg5[%run_scoped3A_104, %dma_wait3A_172] : memref<2x112xi32, #tpu.memory_space<vmem>> -> memref<1x112xi32, #tpu.memory_space<vmem>>
        %dma_wait3A_174 = tpu.memref_squeeze %dma_wait3A_173 : memref<1x112xi32, #tpu.memory_space<vmem>> -> memref<112xi32, #tpu.memory_space<vmem>>
        %dma_wait3A_175 = tpu.memref_slice %arg3[%add3A_103] : memref<50176xi32, #tpu.memory_space<hbm>> -> memref<112xi32, #tpu.memory_space<hbm>>
        tpu.wait_dma2 semaphore(%run_scoped3A_159 : memref<!tpu.dma_semaphore, #tpu.memory_space<semaphore_mem>>) src(%dma_wait3A_175 : memref<112xi32, #tpu.memory_space<hbm>>) dst(%dma_wait3A_174 : memref<112xi32, #tpu.memory_space<vmem>>)
        tpu.yield
      }) : () -> ()
      %dma_start3A_105 = arith.constant 0 : i32
      %dma_start3A_106 = arith.constant 0 : i32
      %dma_start3A_107 = arith.constant 0 : i32
      %dma_start3A_108 = arith.constant 0 : i32
      %dma_start3A_109 = tpu.memref_slice %arg6[%dma_start3A_106, %dma_start3A_107, %dma_start3A_108] : memref<2x112x256xf32, #tpu.memory_space<vmem>> -> memref<1x112x256xf32, #tpu.memory_space<vmem>>
      %dma_start3A_110 = tpu.memref_squeeze %dma_start3A_109 : memref<1x112x256xf32, #tpu.memory_space<vmem>> -> memref<112x256xf32, #tpu.memory_space<vmem>>
      %dma_start3A_111 = arith.constant 0 : i32
      %dma_start3A_112 = tpu.memref_slice %arg5[%dma_start3A_105, %dma_start3A_111] : memref<2x112xi32, #tpu.memory_space<vmem>> -> memref<1x112xi32, #tpu.memory_space<vmem>>
      %dma_start3A_113 = tpu.memref_squeeze %dma_start3A_112 : memref<1x112xi32, #tpu.memory_space<vmem>> -> memref<112xi32, #tpu.memory_space<vmem>>
      %dma_start3A_114 = arith.constant 0 : i32
      %dma_start3A_115 = arith.constant 0 : i32
      %dma_start3A_116 = tpu.memref_slice %arg2[%dma_start3A_114, %dma_start3A_115] : memref<50400x256xf32, #tpu.memory_space<hbm>> -> memref<50400x256xf32, #tpu.memory_space<hbm>>
      tpu.enqueue_indirect_dma source(%dma_start3A_116 : memref<50400x256xf32, #tpu.memory_space<hbm>>) target(%dma_start3A_110 : memref<112x256xf32, #tpu.memory_space<vmem>>) offsets(%dma_start3A_113 : memref<112xi32, #tpu.memory_space<vmem>>) semaphore(%arg7 : memref<!tpu.dma_semaphore, #tpu.memory_space<semaphore_mem>>)
      %mul3A_117 = arith.constant 2 : i32
      %mul3A_118 = arith.muli %add3A_74, %mul3A_117 : i32
      %add3A_119 = arith.constant 1 : i32
      %add3A_120 = arith.addi %mul3A_118, %add3A_119 : i32
      %dma_wait3A_121 = arith.constant 1 : i32
      %dma_wait3A_122 = arith.constant 1 : i32
      %dma_wait3A_123 = arith.constant 0 : i32
      %dma_wait3A_124 = arith.constant 0 : i32
      %dma_wait3A_125 = tpu.memref_slice %arg6[%dma_wait3A_122, %dma_wait3A_123, %dma_wait3A_124] : memref<2x112x256xf32, #tpu.memory_space<vmem>> -> memref<1x112x256xf32, #tpu.memory_space<vmem>>
      %dma_wait3A_126 = tpu.memref_squeeze %dma_wait3A_125 : memref<1x112x256xf32, #tpu.memory_space<vmem>> -> memref<112x256xf32, #tpu.memory_space<vmem>>
      %dma_wait3A_127 = arith.constant 0 : i32
      %dma_wait3A_128 = tpu.memref_slice %arg5[%dma_wait3A_121, %dma_wait3A_127] : memref<2x112xi32, #tpu.memory_space<vmem>> -> memref<1x112xi32, #tpu.memory_space<vmem>>
      %dma_wait3A_129 = tpu.memref_squeeze %dma_wait3A_128 : memref<1x112xi32, #tpu.memory_space<vmem>> -> memref<112xi32, #tpu.memory_space<vmem>>
      %dma_wait3A_130 = arith.constant 0 : i32
      %dma_wait3A_131 = arith.constant 0 : i32
      %dma_wait3A_132 = tpu.memref_slice %arg2[%dma_wait3A_130, %dma_wait3A_131] : memref<50400x256xf32, #tpu.memory_space<hbm>> -> memref<50400x256xf32, #tpu.memory_space<hbm>>
      tpu.wait_indirect_dma semaphore(%arg8 : memref<!tpu.dma_semaphore, #tpu.memory_space<semaphore_mem>>) src(%dma_wait3A_132 : memref<50400x256xf32, #tpu.memory_space<hbm>>) dst(%dma_wait3A_126 : memref<112x256xf32, #tpu.memory_space<vmem>>)
      %mul3A_133 = arith.constant 1568 : i32
      %mul3A_134 = arith.muli %add3A, %mul3A_133 : i32
      %mul3A_135 = arith.constant 112 : i32
      %mul3A_136 = arith.muli %add3A_120, %mul3A_135 : i32
      %add3A_137 = arith.addi %mul3A_134, %mul3A_136 : i32
      %run_scoped3A_138 = arith.constant 1 : i32
      "tpu.region"() ({
        %run_scoped3A_159 = tpu.sem_alloc : memref<!tpu.dma_semaphore, #tpu.memory_space<semaphore_mem>>
        %dma_start3A_160 = arith.constant 0 : i32
        %dma_start3A_161 = arith.constant 0 : i32
        %dma_start3A_162 = tpu.memref_slice %arg6[%run_scoped3A_138, %dma_start3A_160, %dma_start3A_161] : memref<2x112x256xf32, #tpu.memory_space<vmem>> -> memref<1x112x256xf32, #tpu.memory_space<vmem>>
        %dma_start3A_163 = tpu.memref_squeeze %dma_start3A_162 : memref<1x112x256xf32, #tpu.memory_space<vmem>> -> memref<112x256xf32, #tpu.memory_space<vmem>>
        %dma_start3A_164 = arith.constant 0 : i32
        %dma_start3A_165 = tpu.memref_slice %arg4[%add3A_137, %dma_start3A_164] : memref<50176x256xf32, #tpu.memory_space<hbm>> -> memref<112x256xf32, #tpu.memory_space<hbm>>
        %dma_start3A_166 = arith.constant 0 : i32
        %dma_start3A_167 = tpu.memref_slice %arg4[%add3A_137, %dma_start3A_166] : memref<50176x256xf32, #tpu.memory_space<hbm>> -> memref<112x256xf32, #tpu.memory_space<hbm>>
        %dma_start3A_168 = arith.constant 0 : i32
        %dma_start3A_169 = arith.constant 0 : i32
        %dma_start3A_170 = tpu.memref_slice %arg6[%run_scoped3A_138, %dma_start3A_168, %dma_start3A_169] : memref<2x112x256xf32, #tpu.memory_space<vmem>> -> memref<1x112x256xf32, #tpu.memory_space<vmem>>
        %dma_start3A_171 = tpu.memref_squeeze %dma_start3A_170 : memref<1x112x256xf32, #tpu.memory_space<vmem>> -> memref<112x256xf32, #tpu.memory_space<vmem>>
        tpu.enqueue_dma source(%dma_start3A_171 : memref<112x256xf32, #tpu.memory_space<vmem>>) target(%dma_start3A_167 : memref<112x256xf32, #tpu.memory_space<hbm>>) target_semaphore(%run_scoped3A_159 : memref<!tpu.dma_semaphore, #tpu.memory_space<semaphore_mem>>)
        %dma_wait3A_172 = arith.constant 0 : i32
        %dma_wait3A_173 = arith.constant 0 : i32
        %dma_wait3A_174 = tpu.memref_slice %arg6[%run_scoped3A_138, %dma_wait3A_172, %dma_wait3A_173] : memref<2x112x256xf32, #tpu.memory_space<vmem>> -> memref<1x112x256xf32, #tpu.memory_space<vmem>>
        %dma_wait3A_175 = tpu.memref_squeeze %dma_wait3A_174 : memref<1x112x256xf32, #tpu.memory_space<vmem>> -> memref<112x256xf32, #tpu.memory_space<vmem>>
        %dma_wait3A_176 = arith.constant 0 : i32
        %dma_wait3A_177 = tpu.memref_slice %arg4[%add3A_137, %dma_wait3A_176] : memref<50176x256xf32, #tpu.memory_space<hbm>> -> memref<112x256xf32, #tpu.memory_space<hbm>>
        %dma_wait3A_178 = arith.constant 0 : i32
        %dma_wait3A_179 = tpu.memref_slice %arg4[%add3A_137, %dma_wait3A_178] : memref<50176x256xf32, #tpu.memory_space<hbm>> -> memref<112x256xf32, #tpu.memory_space<hbm>>
        %dma_wait3A_180 = arith.constant 0 : i32
        %dma_wait3A_181 = arith.constant 0 : i32
        %dma_wait3A_182 = tpu.memref_slice %arg6[%run_scoped3A_138, %dma_wait3A_180, %dma_wait3A_181] : memref<2x112x256xf32, #tpu.memory_space<vmem>> -> memref<1x112x256xf32, #tpu.memory_space<vmem>>
        %dma_wait3A_183 = tpu.memref_squeeze %dma_wait3A_182 : memref<1x112x256xf32, #tpu.memory_space<vmem>> -> memref<112x256xf32, #tpu.memory_space<vmem>>
        tpu.wait_dma2 semaphore(%run_scoped3A_159 : memref<!tpu.dma_semaphore, #tpu.memory_space<semaphore_mem>>) src(%dma_wait3A_183 : memref<112x256xf32, #tpu.memory_space<vmem>>) dst(%dma_wait3A_179 : memref<112x256xf32, #tpu.memory_space<hbm>>)
        tpu.yield
      }) : () -> ()
      %add3A_139 = arith.constant 2 : i32
      %add3A_140 = arith.addi %add3A_120, %add3A_139 : i32
      %mul3A_141 = arith.constant 1568 : i32
      %mul3A_142 = arith.muli %add3A, %mul3A_141 : i32
      %mul3A_143 = arith.constant 112 : i32
      %mul3A_144 = arith.muli %add3A_140, %mul3A_143 : i32
      %add3A_145 = arith.addi %mul3A_142, %mul3A_144 : i32
      %run_scoped3A_146 = arith.constant 1 : i32
      "tpu.region"() ({
        %run_scoped3A_159 = tpu.sem_alloc : memref<!tpu.dma_semaphore, #tpu.memory_space<semaphore_mem>>
        %dma_start3A_160 = arith.constant 0 : i32
        %dma_start3A_161 = tpu.memref_slice %arg5[%run_scoped3A_146, %dma_start3A_160] : memref<2x112xi32, #tpu.memory_space<vmem>> -> memref<1x112xi32, #tpu.memory_space<vmem>>
        %dma_start3A_162 = tpu.memref_squeeze %dma_start3A_161 : memref<1x112xi32, #tpu.memory_space<vmem>> -> memref<112xi32, #tpu.memory_space<vmem>>
        %dma_start3A_163 = tpu.memref_slice %arg3[%add3A_145] : memref<50176xi32, #tpu.memory_space<hbm>> -> memref<112xi32, #tpu.memory_space<hbm>>
        %dma_start3A_164 = arith.constant 0 : i32
        %dma_start3A_165 = tpu.memref_slice %arg5[%run_scoped3A_146, %dma_start3A_164] : memref<2x112xi32, #tpu.memory_space<vmem>> -> memref<1x112xi32, #tpu.memory_space<vmem>>
        %dma_start3A_166 = tpu.memref_squeeze %dma_start3A_165 : memref<1x112xi32, #tpu.memory_space<vmem>> -> memref<112xi32, #tpu.memory_space<vmem>>
        %dma_start3A_167 = tpu.memref_slice %arg3[%add3A_145] : memref<50176xi32, #tpu.memory_space<hbm>> -> memref<112xi32, #tpu.memory_space<hbm>>
        tpu.enqueue_dma source(%dma_start3A_167 : memref<112xi32, #tpu.memory_space<hbm>>) target(%dma_start3A_166 : memref<112xi32, #tpu.memory_space<vmem>>) target_semaphore(%run_scoped3A_159 : memref<!tpu.dma_semaphore, #tpu.memory_space<semaphore_mem>>)
        %dma_wait3A_168 = arith.constant 0 : i32
        %dma_wait3A_169 = tpu.memref_slice %arg5[%run_scoped3A_146, %dma_wait3A_168] : memref<2x112xi32, #tpu.memory_space<vmem>> -> memref<1x112xi32, #tpu.memory_space<vmem>>
        %dma_wait3A_170 = tpu.memref_squeeze %dma_wait3A_169 : memref<1x112xi32, #tpu.memory_space<vmem>> -> memref<112xi32, #tpu.memory_space<vmem>>
        %dma_wait3A_171 = tpu.memref_slice %arg3[%add3A_145] : memref<50176xi32, #tpu.memory_space<hbm>> -> memref<112xi32, #tpu.memory_space<hbm>>
        %dma_wait3A_172 = arith.constant 0 : i32
        %dma_wait3A_173 = tpu.memref_slice %arg5[%run_scoped3A_146, %dma_wait3A_172] : memref<2x112xi32, #tpu.memory_space<vmem>> -> memref<1x112xi32, #tpu.memory_space<vmem>>
        %dma_wait3A_174 = tpu.memref_squeeze %dma_wait3A_173 : memref<1x112xi32, #tpu.memory_space<vmem>> -> memref<112xi32, #tpu.memory_space<vmem>>
        %dma_wait3A_175 = tpu.memref_slice %arg3[%add3A_145] : memref<50176xi32, #tpu.memory_space<hbm>> -> memref<112xi32, #tpu.memory_space<hbm>>
        tpu.wait_dma2 semaphore(%run_scoped3A_159 : memref<!tpu.dma_semaphore, #tpu.memory_space<semaphore_mem>>) src(%dma_wait3A_175 : memref<112xi32, #tpu.memory_space<hbm>>) dst(%dma_wait3A_174 : memref<112xi32, #tpu.memory_space<vmem>>)
        tpu.yield
      }) : () -> ()
      %dma_start3A_147 = arith.constant 1 : i32
      %dma_start3A_148 = arith.constant 1 : i32
      %dma_start3A_149 = arith.constant 0 : i32
      %dma_start3A_150 = arith.constant 0 : i32
      %dma_start3A_151 = tpu.memref_slice %arg6[%dma_start3A_148, %dma_start3A_149, %dma_start3A_150] : memref<2x112x256xf32, #tpu.memory_space<vmem>> -> memref<1x112x256xf32, #tpu.memory_space<vmem>>
      %dma_start3A_152 = tpu.memref_squeeze %dma_start3A_151 : memref<1x112x256xf32, #tpu.memory_space<vmem>> -> memref<112x256xf32, #tpu.memory_space<vmem>>
      %dma_start3A_153 = arith.constant 0 : i32
      %dma_start3A_154 = tpu.memref_slice %arg5[%dma_start3A_147, %dma_start3A_153] : memref<2x112xi32, #tpu.memory_space<vmem>> -> memref<1x112xi32, #tpu.memory_space<vmem>>
      %dma_start3A_155 = tpu.memref_squeeze %dma_start3A_154 : memref<1x112xi32, #tpu.memory_space<vmem>> -> memref<112xi32, #tpu.memory_space<vmem>>
      %dma_start3A_156 = arith.constant 0 : i32
      %dma_start3A_157 = arith.constant 0 : i32
      %dma_start3A_158 = tpu.memref_slice %arg2[%dma_start3A_156, %dma_start3A_157] : memref<50400x256xf32, #tpu.memory_space<hbm>> -> memref<50400x256xf32, #tpu.memory_space<hbm>>
      tpu.enqueue_indirect_dma source(%dma_start3A_158 : memref<50400x256xf32, #tpu.memory_space<hbm>>) target(%dma_start3A_152 : memref<112x256xf32, #tpu.memory_space<vmem>>) offsets(%dma_start3A_155 : memref<112xi32, #tpu.memory_space<vmem>>) semaphore(%arg8 : memref<!tpu.dma_semaphore, #tpu.memory_space<semaphore_mem>>)
    }
    %scan3A_36 = arith.constant 6 : i32
    %dma_wait3A = arith.constant 0 : i32
    %dma_wait3A_37 = arith.constant 0 : i32
    %dma_wait3A_38 = arith.constant 0 : i32
    %dma_wait3A_39 = arith.constant 0 : i32
    %dma_wait3A_40 = tpu.memref_slice %arg6[%dma_wait3A_37, %dma_wait3A_38, %dma_wait3A_39] : memref<2x112x256xf32, #tpu.memory_space<vmem>> -> memref<1x112x256xf32, #tpu.memory_space<vmem>>
    %dma_wait3A_41 = tpu.memref_squeeze %dma_wait3A_40 : memref<1x112x256xf32, #tpu.memory_space<vmem>> -> memref<112x256xf32, #tpu.memory_space<vmem>>
    %dma_wait3A_42 = arith.constant 0 : i32
    %dma_wait3A_43 = tpu.memref_slice %arg5[%dma_wait3A, %dma_wait3A_42] : memref<2x112xi32, #tpu.memory_space<vmem>> -> memref<1x112xi32, #tpu.memory_space<vmem>>
    %dma_wait3A_44 = tpu.memref_squeeze %dma_wait3A_43 : memref<1x112xi32, #tpu.memory_space<vmem>> -> memref<112xi32, #tpu.memory_space<vmem>>
    %dma_wait3A_45 = arith.constant 0 : i32
    %dma_wait3A_46 = arith.constant 0 : i32
    %dma_wait3A_47 = tpu.memref_slice %arg2[%dma_wait3A_45, %dma_wait3A_46] : memref<50400x256xf32, #tpu.memory_space<hbm>> -> memref<50400x256xf32, #tpu.memory_space<hbm>>
    tpu.wait_indirect_dma semaphore(%arg7 : memref<!tpu.dma_semaphore, #tpu.memory_space<semaphore_mem>>) src(%dma_wait3A_47 : memref<50400x256xf32, #tpu.memory_space<hbm>>) dst(%dma_wait3A_41 : memref<112x256xf32, #tpu.memory_space<vmem>>)
    %mul3A_48 = arith.constant 1568 : i32
    %mul3A_49 = arith.muli %add3A, %mul3A_48 : i32
    %add3A_50 = arith.constant 1344 : i32
    %add3A_51 = arith.addi %mul3A_49, %add3A_50 : i32
    %run_scoped3A_52 = arith.constant 0 : i32
    "tpu.region"() ({
      %run_scoped3A_70 = tpu.sem_alloc : memref<!tpu.dma_semaphore, #tpu.memory_space<semaphore_mem>>
      %dma_start3A_71 = arith.constant 0 : i32
      %dma_start3A_72 = arith.constant 0 : i32
      %dma_start3A_73 = tpu.memref_slice %arg6[%run_scoped3A_52, %dma_start3A_71, %dma_start3A_72] : memref<2x112x256xf32, #tpu.memory_space<vmem>> -> memref<1x112x256xf32, #tpu.memory_space<vmem>>
      %dma_start3A_74 = tpu.memref_squeeze %dma_start3A_73 : memref<1x112x256xf32, #tpu.memory_space<vmem>> -> memref<112x256xf32, #tpu.memory_space<vmem>>
      %dma_start3A_75 = arith.constant 0 : i32
      %dma_start3A_76 = tpu.memref_slice %arg4[%add3A_51, %dma_start3A_75] : memref<50176x256xf32, #tpu.memory_space<hbm>> -> memref<112x256xf32, #tpu.memory_space<hbm>>
      %dma_start3A_77 = arith.constant 0 : i32
      %dma_start3A_78 = tpu.memref_slice %arg4[%add3A_51, %dma_start3A_77] : memref<50176x256xf32, #tpu.memory_space<hbm>> -> memref<112x256xf32, #tpu.memory_space<hbm>>
      %dma_start3A_79 = arith.constant 0 : i32
      %dma_start3A_80 = arith.constant 0 : i32
      %dma_start3A_81 = tpu.memref_slice %arg6[%run_scoped3A_52, %dma_start3A_79, %dma_start3A_80] : memref<2x112x256xf32, #tpu.memory_space<vmem>> -> memref<1x112x256xf32, #tpu.memory_space<vmem>>
      %dma_start3A_82 = tpu.memref_squeeze %dma_start3A_81 : memref<1x112x256xf32, #tpu.memory_space<vmem>> -> memref<112x256xf32, #tpu.memory_space<vmem>>
      tpu.enqueue_dma source(%dma_start3A_82 : memref<112x256xf32, #tpu.memory_space<vmem>>) target(%dma_start3A_78 : memref<112x256xf32, #tpu.memory_space<hbm>>) target_semaphore(%run_scoped3A_70 : memref<!tpu.dma_semaphore, #tpu.memory_space<semaphore_mem>>)
      %dma_wait3A_83 = arith.constant 0 : i32
      %dma_wait3A_84 = arith.constant 0 : i32
      %dma_wait3A_85 = tpu.memref_slice %arg6[%run_scoped3A_52, %dma_wait3A_83, %dma_wait3A_84] : memref<2x112x256xf32, #tpu.memory_space<vmem>> -> memref<1x112x256xf32, #tpu.memory_space<vmem>>
      %dma_wait3A_86 = tpu.memref_squeeze %dma_wait3A_85 : memref<1x112x256xf32, #tpu.memory_space<vmem>> -> memref<112x256xf32, #tpu.memory_space<vmem>>
      %dma_wait3A_87 = arith.constant 0 : i32
      %dma_wait3A_88 = tpu.memref_slice %arg4[%add3A_51, %dma_wait3A_87] : memref<50176x256xf32, #tpu.memory_space<hbm>> -> memref<112x256xf32, #tpu.memory_space<hbm>>
      %dma_wait3A_89 = arith.constant 0 : i32
      %dma_wait3A_90 = tpu.memref_slice %arg4[%add3A_51, %dma_wait3A_89] : memref<50176x256xf32, #tpu.memory_space<hbm>> -> memref<112x256xf32, #tpu.memory_space<hbm>>
      %dma_wait3A_91 = arith.constant 0 : i32
      %dma_wait3A_92 = arith.constant 0 : i32
      %dma_wait3A_93 = tpu.memref_slice %arg6[%run_scoped3A_52, %dma_wait3A_91, %dma_wait3A_92] : memref<2x112x256xf32, #tpu.memory_space<vmem>> -> memref<1x112x256xf32, #tpu.memory_space<vmem>>
      %dma_wait3A_94 = tpu.memref_squeeze %dma_wait3A_93 : memref<1x112x256xf32, #tpu.memory_space<vmem>> -> memref<112x256xf32, #tpu.memory_space<vmem>>
      tpu.wait_dma2 semaphore(%run_scoped3A_70 : memref<!tpu.dma_semaphore, #tpu.memory_space<semaphore_mem>>) src(%dma_wait3A_94 : memref<112x256xf32, #tpu.memory_space<vmem>>) dst(%dma_wait3A_90 : memref<112x256xf32, #tpu.memory_space<hbm>>)
      tpu.yield
    }) : () -> ()
    %dma_wait3A_53 = arith.constant 1 : i32
    %dma_wait3A_54 = arith.constant 1 : i32
    %dma_wait3A_55 = arith.constant 0 : i32
    %dma_wait3A_56 = arith.constant 0 : i32
    %dma_wait3A_57 = tpu.memref_slice %arg6[%dma_wait3A_54, %dma_wait3A_55, %dma_wait3A_56] : memref<2x112x256xf32, #tpu.memory_space<vmem>> -> memref<1x112x256xf32, #tpu.memory_space<vmem>>
    %dma_wait3A_58 = tpu.memref_squeeze %dma_wait3A_57 : memref<1x112x256xf32, #tpu.memory_space<vmem>> -> memref<112x256xf32, #tpu.memory_space<vmem>>
    %dma_wait3A_59 = arith.constant 0 : i32
    %dma_wait3A_60 = tpu.memref_slice %arg5[%dma_wait3A_53, %dma_wait3A_59] : memref<2x112xi32, #tpu.memory_space<vmem>> -> memref<1x112xi32, #tpu.memory_space<vmem>>
    %dma_wait3A_61 = tpu.memref_squeeze %dma_wait3A_60 : memref<1x112xi32, #tpu.memory_space<vmem>> -> memref<112xi32, #tpu.memory_space<vmem>>
    %dma_wait3A_62 = arith.constant 0 : i32
    %dma_wait3A_63 = arith.constant 0 : i32
    %dma_wait3A_64 = tpu.memref_slice %arg2[%dma_wait3A_62, %dma_wait3A_63] : memref<50400x256xf32, #tpu.memory_space<hbm>> -> memref<50400x256xf32, #tpu.memory_space<hbm>>
    tpu.wait_indirect_dma semaphore(%arg8 : memref<!tpu.dma_semaphore, #tpu.memory_space<semaphore_mem>>) src(%dma_wait3A_64 : memref<50400x256xf32, #tpu.memory_space<hbm>>) dst(%dma_wait3A_58 : memref<112x256xf32, #tpu.memory_space<vmem>>)
    %mul3A_65 = arith.constant 1568 : i32
    %mul3A_66 = arith.muli %add3A, %mul3A_65 : i32
    %add3A_67 = arith.constant 1456 : i32
    %add3A_68 = arith.addi %mul3A_66, %add3A_67 : i32
    %run_scoped3A_69 = arith.constant 1 : i32
    "tpu.region"() ({
      %run_scoped3A_70 = tpu.sem_alloc : memref<!tpu.dma_semaphore, #tpu.memory_space<semaphore_mem>>
      %dma_start3A_71 = arith.constant 0 : i32
      %dma_start3A_72 = arith.constant 0 : i32
      %dma_start3A_73 = tpu.memref_slice %arg6[%run_scoped3A_69, %dma_start3A_71, %dma_start3A_72] : memref<2x112x256xf32, #tpu.memory_space<vmem>> -> memref<1x112x256xf32, #tpu.memory_space<vmem>>
      %dma_start3A_74 = tpu.memref_squeeze %dma_start3A_73 : memref<1x112x256xf32, #tpu.memory_space<vmem>> -> memref<112x256xf32, #tpu.memory_space<vmem>>
      %dma_start3A_75 = arith.constant 0 : i32
      %dma_start3A_76 = tpu.memref_slice %arg4[%add3A_68, %dma_start3A_75] : memref<50176x256xf32, #tpu.memory_space<hbm>> -> memref<112x256xf32, #tpu.memory_space<hbm>>
      %dma_start3A_77 = arith.constant 0 : i32
      %dma_start3A_78 = tpu.memref_slice %arg4[%add3A_68, %dma_start3A_77] : memref<50176x256xf32, #tpu.memory_space<hbm>> -> memref<112x256xf32, #tpu.memory_space<hbm>>
      %dma_start3A_79 = arith.constant 0 : i32
      %dma_start3A_80 = arith.constant 0 : i32
      %dma_start3A_81 = tpu.memref_slice %arg6[%run_scoped3A_69, %dma_start3A_79, %dma_start3A_80] : memref<2x112x256xf32, #tpu.memory_space<vmem>> -> memref<1x112x256xf32, #tpu.memory_space<vmem>>
      %dma_start3A_82 = tpu.memref_squeeze %dma_start3A_81 : memref<1x112x256xf32, #tpu.memory_space<vmem>> -> memref<112x256xf32, #tpu.memory_space<vmem>>
      tpu.enqueue_dma source(%dma_start3A_82 : memref<112x256xf32, #tpu.memory_space<vmem>>) target(%dma_start3A_78 : memref<112x256xf32, #tpu.memory_space<hbm>>) target_semaphore(%run_scoped3A_70 : memref<!tpu.dma_semaphore, #tpu.memory_space<semaphore_mem>>)
      %dma_wait3A_83 = arith.constant 0 : i32
      %dma_wait3A_84 = arith.constant 0 : i32
      %dma_wait3A_85 = tpu.memref_slice %arg6[%run_scoped3A_69, %dma_wait3A_83, %dma_wait3A_84] : memref<2x112x256xf32, #tpu.memory_space<vmem>> -> memref<1x112x256xf32, #tpu.memory_space<vmem>>
      %dma_wait3A_86 = tpu.memref_squeeze %dma_wait3A_85 : memref<1x112x256xf32, #tpu.memory_space<vmem>> -> memref<112x256xf32, #tpu.memory_space<vmem>>
      %dma_wait3A_87 = arith.constant 0 : i32
      %dma_wait3A_88 = tpu.memref_slice %arg4[%add3A_68, %dma_wait3A_87] : memref<50176x256xf32, #tpu.memory_space<hbm>> -> memref<112x256xf32, #tpu.memory_space<hbm>>
      %dma_wait3A_89 = arith.constant 0 : i32
      %dma_wait3A_90 = tpu.memref_slice %arg4[%add3A_68, %dma_wait3A_89] : memref<50176x256xf32, #tpu.memory_space<hbm>> -> memref<112x256xf32, #tpu.memory_space<hbm>>
      %dma_wait3A_91 = arith.constant 0 : i32
      %dma_wait3A_92 = arith.constant 0 : i32
      %dma_wait3A_93 = tpu.memref_slice %arg6[%run_scoped3A_69, %dma_wait3A_91, %dma_wait3A_92] : memref<2x112x256xf32, #tpu.memory_space<vmem>> -> memref<1x112x256xf32, #tpu.memory_space<vmem>>
      %dma_wait3A_94 = tpu.memref_squeeze %dma_wait3A_93 : memref<1x112x256xf32, #tpu.memory_space<vmem>> -> memref<112x256xf32, #tpu.memory_space<vmem>>
      tpu.wait_dma2 semaphore(%run_scoped3A_70 : memref<!tpu.dma_semaphore, #tpu.memory_space<semaphore_mem>>) src(%dma_wait3A_94 : memref<112x256xf32, #tpu.memory_space<vmem>>) dst(%dma_wait3A_90 : memref<112x256xf32, #tpu.memory_space<hbm>>)
      tpu.yield
    }) : () -> ()
    return
  }
}

#map = affine_map<(d0, d1) -> (0, 0)>
#map1 = affine_map<(d0, d1) -> (0)>
module attributes {stable_mosaic.version = 14 : i64} {
  func.func @body(%arg0: i32, %arg1: i32, %arg2: memref<50176x128xf32, #tpu.memory_space<hbm>>, %arg3: memref<50176x256xf32, #tpu.memory_space<hbm>>, %arg4: memref<50176xi32, #tpu.memory_space<hbm>>, %arg5: memref<50176xi32, #tpu.memory_space<hbm>>, %arg6: memref<128xi32, #tpu.memory_space<hbm>>, %arg7: memref<50256x128xf32, #tpu.memory_space<hbm>>, %arg8: memref<50256x256xf32, #tpu.memory_space<hbm>>, %arg9: memref<50176xi32, #tpu.memory_space<hbm>>, %arg10: memref<128xi32, #tpu.memory_space<vmem>>, %arg11: memref<2x112xi32, #tpu.memory_space<vmem>>, %arg12: memref<2x112xi32, #tpu.memory_space<vmem>>, %arg13: memref<2x112xi32, #tpu.memory_space<vmem>>, %arg14: memref<2x112x128xf32, #tpu.memory_space<vmem>>, %arg15: memref<2x112x256xf32, #tpu.memory_space<vmem>>, %arg16: memref<!tpu.dma_semaphore, #tpu.memory_space<semaphore_mem>>, %arg17: memref<!tpu.dma_semaphore, #tpu.memory_space<semaphore_mem>>, %arg18: memref<!tpu.dma_semaphore, #tpu.memory_space<semaphore_mem>>, %arg19: memref<!tpu.dma_semaphore, #tpu.memory_space<semaphore_mem>>) attributes {dimension_semantics = [#tpu.dimension_semantics<core_parallel>, #tpu.dimension_semantics<subcore_parallel>], iteration_bounds = array<i64: 2, 16>, scalar_prefetch = 0 : i64, scratch_operands = 10 : i64, tpu.core_type = #tpu.core_type<sc_vector_subcore>, window_params = [{transform_indices = #map}, {transform_indices = #map}, {transform_indices = #map1}, {transform_indices = #map1}, {transform_indices = #map1}, {transform_indices = #map}, {transform_indices = #map}, {transform_indices = #map1}]} {
    %mul3A = arith.constant 2 : i32
    %mul3A_0 = arith.muli %arg1, %mul3A : i32
    %add3A = arith.addi %mul3A_0, %arg0 : i32
    "tpu.region"() ({
      %run_scoped3A = tpu.sem_alloc : memref<!tpu.dma_semaphore, #tpu.memory_space<semaphore_mem>>
      tpu.enqueue_dma source(%arg6 : memref<128xi32, #tpu.memory_space<hbm>>) target(%arg10 : memref<128xi32, #tpu.memory_space<vmem>>) target_semaphore(%run_scoped3A : memref<!tpu.dma_semaphore, #tpu.memory_space<semaphore_mem>>)
      tpu.wait_dma2 semaphore(%run_scoped3A : memref<!tpu.dma_semaphore, #tpu.memory_space<semaphore_mem>>) src(%arg6 : memref<128xi32, #tpu.memory_space<hbm>>) dst(%arg10 : memref<128xi32, #tpu.memory_space<vmem>>)
      tpu.yield
    }) : () -> ()
    %mul3A_1 = arith.constant 1568 : i32
    %mul3A_2 = arith.muli %add3A, %mul3A_1 : i32
    %add3A_3 = arith.constant 0 : i32
    %add3A_4 = arith.addi %mul3A_2, %add3A_3 : i32
    %dma_start3A = arith.constant 0 : i32
    %dma_start3A_5 = arith.constant 0 : i32
    %dma_start3A_6 = tpu.memref_slice %arg11[%dma_start3A, %dma_start3A_5] : memref<2x112xi32, #tpu.memory_space<vmem>> -> memref<1x112xi32, #tpu.memory_space<vmem>>
    %dma_start3A_7 = tpu.memref_squeeze %dma_start3A_6 : memref<1x112xi32, #tpu.memory_space<vmem>> -> memref<112xi32, #tpu.memory_space<vmem>>
    %dma_start3A_8 = tpu.memref_slice %arg4[%add3A_4] : memref<50176xi32, #tpu.memory_space<hbm>> -> memref<112xi32, #tpu.memory_space<hbm>>
    %dma_start3A_9 = arith.constant 0 : i32
    %dma_start3A_10 = tpu.memref_slice %arg11[%dma_start3A, %dma_start3A_9] : memref<2x112xi32, #tpu.memory_space<vmem>> -> memref<1x112xi32, #tpu.memory_space<vmem>>
    %dma_start3A_11 = tpu.memref_squeeze %dma_start3A_10 : memref<1x112xi32, #tpu.memory_space<vmem>> -> memref<112xi32, #tpu.memory_space<vmem>>
    %dma_start3A_12 = tpu.memref_slice %arg4[%add3A_4] : memref<50176xi32, #tpu.memory_space<hbm>> -> memref<112xi32, #tpu.memory_space<hbm>>
    tpu.enqueue_dma source(%dma_start3A_12 : memref<112xi32, #tpu.memory_space<hbm>>) target(%dma_start3A_11 : memref<112xi32, #tpu.memory_space<vmem>>) target_semaphore(%arg16 : memref<!tpu.dma_semaphore, #tpu.memory_space<semaphore_mem>>)
    %dma_start3A_13 = arith.constant 0 : i32
    %dma_start3A_14 = arith.constant 0 : i32
    %dma_start3A_15 = tpu.memref_slice %arg12[%dma_start3A_13, %dma_start3A_14] : memref<2x112xi32, #tpu.memory_space<vmem>> -> memref<1x112xi32, #tpu.memory_space<vmem>>
    %dma_start3A_16 = tpu.memref_squeeze %dma_start3A_15 : memref<1x112xi32, #tpu.memory_space<vmem>> -> memref<112xi32, #tpu.memory_space<vmem>>
    %dma_start3A_17 = tpu.memref_slice %arg5[%add3A_4] : memref<50176xi32, #tpu.memory_space<hbm>> -> memref<112xi32, #tpu.memory_space<hbm>>
    %dma_start3A_18 = arith.constant 0 : i32
    %dma_start3A_19 = tpu.memref_slice %arg12[%dma_start3A_13, %dma_start3A_18] : memref<2x112xi32, #tpu.memory_space<vmem>> -> memref<1x112xi32, #tpu.memory_space<vmem>>
    %dma_start3A_20 = tpu.memref_squeeze %dma_start3A_19 : memref<1x112xi32, #tpu.memory_space<vmem>> -> memref<112xi32, #tpu.memory_space<vmem>>
    %dma_start3A_21 = tpu.memref_slice %arg5[%add3A_4] : memref<50176xi32, #tpu.memory_space<hbm>> -> memref<112xi32, #tpu.memory_space<hbm>>
    tpu.enqueue_dma source(%dma_start3A_21 : memref<112xi32, #tpu.memory_space<hbm>>) target(%dma_start3A_20 : memref<112xi32, #tpu.memory_space<vmem>>) target_semaphore(%arg16 : memref<!tpu.dma_semaphore, #tpu.memory_space<semaphore_mem>>)
    %dma_start3A_22 = arith.constant 0 : i32
    %dma_start3A_23 = arith.constant 0 : i32
    %dma_start3A_24 = arith.constant 0 : i32
    %dma_start3A_25 = tpu.memref_slice %arg14[%dma_start3A_22, %dma_start3A_23, %dma_start3A_24] : memref<2x112x128xf32, #tpu.memory_space<vmem>> -> memref<1x112x128xf32, #tpu.memory_space<vmem>>
    %dma_start3A_26 = tpu.memref_squeeze %dma_start3A_25 : memref<1x112x128xf32, #tpu.memory_space<vmem>> -> memref<112x128xf32, #tpu.memory_space<vmem>>
    %dma_start3A_27 = arith.constant 0 : i32
    %dma_start3A_28 = tpu.memref_slice %arg2[%add3A_4, %dma_start3A_27] : memref<50176x128xf32, #tpu.memory_space<hbm>> -> memref<112x128xf32, #tpu.memory_space<hbm>>
    %dma_start3A_29 = arith.constant 0 : i32
    %dma_start3A_30 = arith.constant 0 : i32
    %dma_start3A_31 = tpu.memref_slice %arg14[%dma_start3A_22, %dma_start3A_29, %dma_start3A_30] : memref<2x112x128xf32, #tpu.memory_space<vmem>> -> memref<1x112x128xf32, #tpu.memory_space<vmem>>
    %dma_start3A_32 = tpu.memref_squeeze %dma_start3A_31 : memref<1x112x128xf32, #tpu.memory_space<vmem>> -> memref<112x128xf32, #tpu.memory_space<vmem>>
    %dma_start3A_33 = arith.constant 0 : i32
    %dma_start3A_34 = tpu.memref_slice %arg2[%add3A_4, %dma_start3A_33] : memref<50176x128xf32, #tpu.memory_space<hbm>> -> memref<112x128xf32, #tpu.memory_space<hbm>>
    tpu.enqueue_dma source(%dma_start3A_34 : memref<112x128xf32, #tpu.memory_space<hbm>>) target(%dma_start3A_32 : memref<112x128xf32, #tpu.memory_space<vmem>>) target_semaphore(%arg16 : memref<!tpu.dma_semaphore, #tpu.memory_space<semaphore_mem>>)
    %dma_start3A_35 = arith.constant 0 : i32
    %dma_start3A_36 = arith.constant 0 : i32
    %dma_start3A_37 = arith.constant 0 : i32
    %dma_start3A_38 = tpu.memref_slice %arg15[%dma_start3A_35, %dma_start3A_36, %dma_start3A_37] : memref<2x112x256xf32, #tpu.memory_space<vmem>> -> memref<1x112x256xf32, #tpu.memory_space<vmem>>
    %dma_start3A_39 = tpu.memref_squeeze %dma_start3A_38 : memref<1x112x256xf32, #tpu.memory_space<vmem>> -> memref<112x256xf32, #tpu.memory_space<vmem>>
    %dma_start3A_40 = arith.constant 0 : i32
    %dma_start3A_41 = tpu.memref_slice %arg3[%add3A_4, %dma_start3A_40] : memref<50176x256xf32, #tpu.memory_space<hbm>> -> memref<112x256xf32, #tpu.memory_space<hbm>>
    %dma_start3A_42 = arith.constant 0 : i32
    %dma_start3A_43 = arith.constant 0 : i32
    %dma_start3A_44 = tpu.memref_slice %arg15[%dma_start3A_35, %dma_start3A_42, %dma_start3A_43] : memref<2x112x256xf32, #tpu.memory_space<vmem>> -> memref<1x112x256xf32, #tpu.memory_space<vmem>>
    %dma_start3A_45 = tpu.memref_squeeze %dma_start3A_44 : memref<1x112x256xf32, #tpu.memory_space<vmem>> -> memref<112x256xf32, #tpu.memory_space<vmem>>
    %dma_start3A_46 = arith.constant 0 : i32
    %dma_start3A_47 = tpu.memref_slice %arg3[%add3A_4, %dma_start3A_46] : memref<50176x256xf32, #tpu.memory_space<hbm>> -> memref<112x256xf32, #tpu.memory_space<hbm>>
    tpu.enqueue_dma source(%dma_start3A_47 : memref<112x256xf32, #tpu.memory_space<hbm>>) target(%dma_start3A_45 : memref<112x256xf32, #tpu.memory_space<vmem>>) target_semaphore(%arg16 : memref<!tpu.dma_semaphore, #tpu.memory_space<semaphore_mem>>)
    %mul3A_48 = arith.constant 1568 : i32
    %mul3A_49 = arith.muli %add3A, %mul3A_48 : i32
    %add3A_50 = arith.constant 112 : i32
    %add3A_51 = arith.addi %mul3A_49, %add3A_50 : i32
    %dma_start3A_52 = arith.constant 1 : i32
    %dma_start3A_53 = arith.constant 0 : i32
    %dma_start3A_54 = tpu.memref_slice %arg11[%dma_start3A_52, %dma_start3A_53] : memref<2x112xi32, #tpu.memory_space<vmem>> -> memref<1x112xi32, #tpu.memory_space<vmem>>
    %dma_start3A_55 = tpu.memref_squeeze %dma_start3A_54 : memref<1x112xi32, #tpu.memory_space<vmem>> -> memref<112xi32, #tpu.memory_space<vmem>>
    %dma_start3A_56 = tpu.memref_slice %arg4[%add3A_51] : memref<50176xi32, #tpu.memory_space<hbm>> -> memref<112xi32, #tpu.memory_space<hbm>>
    %dma_start3A_57 = arith.constant 0 : i32
    %dma_start3A_58 = tpu.memref_slice %arg11[%dma_start3A_52, %dma_start3A_57] : memref<2x112xi32, #tpu.memory_space<vmem>> -> memref<1x112xi32, #tpu.memory_space<vmem>>
    %dma_start3A_59 = tpu.memref_squeeze %dma_start3A_58 : memref<1x112xi32, #tpu.memory_space<vmem>> -> memref<112xi32, #tpu.memory_space<vmem>>
    %dma_start3A_60 = tpu.memref_slice %arg4[%add3A_51] : memref<50176xi32, #tpu.memory_space<hbm>> -> memref<112xi32, #tpu.memory_space<hbm>>
    tpu.enqueue_dma source(%dma_start3A_60 : memref<112xi32, #tpu.memory_space<hbm>>) target(%dma_start3A_59 : memref<112xi32, #tpu.memory_space<vmem>>) target_semaphore(%arg17 : memref<!tpu.dma_semaphore, #tpu.memory_space<semaphore_mem>>)
    %dma_start3A_61 = arith.constant 1 : i32
    %dma_start3A_62 = arith.constant 0 : i32
    %dma_start3A_63 = tpu.memref_slice %arg12[%dma_start3A_61, %dma_start3A_62] : memref<2x112xi32, #tpu.memory_space<vmem>> -> memref<1x112xi32, #tpu.memory_space<vmem>>
    %dma_start3A_64 = tpu.memref_squeeze %dma_start3A_63 : memref<1x112xi32, #tpu.memory_space<vmem>> -> memref<112xi32, #tpu.memory_space<vmem>>
    %dma_start3A_65 = tpu.memref_slice %arg5[%add3A_51] : memref<50176xi32, #tpu.memory_space<hbm>> -> memref<112xi32, #tpu.memory_space<hbm>>
    %dma_start3A_66 = arith.constant 0 : i32
    %dma_start3A_67 = tpu.memref_slice %arg12[%dma_start3A_61, %dma_start3A_66] : memref<2x112xi32, #tpu.memory_space<vmem>> -> memref<1x112xi32, #tpu.memory_space<vmem>>
    %dma_start3A_68 = tpu.memref_squeeze %dma_start3A_67 : memref<1x112xi32, #tpu.memory_space<vmem>> -> memref<112xi32, #tpu.memory_space<vmem>>
    %dma_start3A_69 = tpu.memref_slice %arg5[%add3A_51] : memref<50176xi32, #tpu.memory_space<hbm>> -> memref<112xi32, #tpu.memory_space<hbm>>
    tpu.enqueue_dma source(%dma_start3A_69 : memref<112xi32, #tpu.memory_space<hbm>>) target(%dma_start3A_68 : memref<112xi32, #tpu.memory_space<vmem>>) target_semaphore(%arg17 : memref<!tpu.dma_semaphore, #tpu.memory_space<semaphore_mem>>)
    %dma_start3A_70 = arith.constant 1 : i32
    %dma_start3A_71 = arith.constant 0 : i32
    %dma_start3A_72 = arith.constant 0 : i32
    %dma_start3A_73 = tpu.memref_slice %arg14[%dma_start3A_70, %dma_start3A_71, %dma_start3A_72] : memref<2x112x128xf32, #tpu.memory_space<vmem>> -> memref<1x112x128xf32, #tpu.memory_space<vmem>>
    %dma_start3A_74 = tpu.memref_squeeze %dma_start3A_73 : memref<1x112x128xf32, #tpu.memory_space<vmem>> -> memref<112x128xf32, #tpu.memory_space<vmem>>
    %dma_start3A_75 = arith.constant 0 : i32
    %dma_start3A_76 = tpu.memref_slice %arg2[%add3A_51, %dma_start3A_75] : memref<50176x128xf32, #tpu.memory_space<hbm>> -> memref<112x128xf32, #tpu.memory_space<hbm>>
    %dma_start3A_77 = arith.constant 0 : i32
    %dma_start3A_78 = arith.constant 0 : i32
    %dma_start3A_79 = tpu.memref_slice %arg14[%dma_start3A_70, %dma_start3A_77, %dma_start3A_78] : memref<2x112x128xf32, #tpu.memory_space<vmem>> -> memref<1x112x128xf32, #tpu.memory_space<vmem>>
    %dma_start3A_80 = tpu.memref_squeeze %dma_start3A_79 : memref<1x112x128xf32, #tpu.memory_space<vmem>> -> memref<112x128xf32, #tpu.memory_space<vmem>>
    %dma_start3A_81 = arith.constant 0 : i32
    %dma_start3A_82 = tpu.memref_slice %arg2[%add3A_51, %dma_start3A_81] : memref<50176x128xf32, #tpu.memory_space<hbm>> -> memref<112x128xf32, #tpu.memory_space<hbm>>
    tpu.enqueue_dma source(%dma_start3A_82 : memref<112x128xf32, #tpu.memory_space<hbm>>) target(%dma_start3A_80 : memref<112x128xf32, #tpu.memory_space<vmem>>) target_semaphore(%arg17 : memref<!tpu.dma_semaphore, #tpu.memory_space<semaphore_mem>>)
    %dma_start3A_83 = arith.constant 1 : i32
    %dma_start3A_84 = arith.constant 0 : i32
    %dma_start3A_85 = arith.constant 0 : i32
    %dma_start3A_86 = tpu.memref_slice %arg15[%dma_start3A_83, %dma_start3A_84, %dma_start3A_85] : memref<2x112x256xf32, #tpu.memory_space<vmem>> -> memref<1x112x256xf32, #tpu.memory_space<vmem>>
    %dma_start3A_87 = tpu.memref_squeeze %dma_start3A_86 : memref<1x112x256xf32, #tpu.memory_space<vmem>> -> memref<112x256xf32, #tpu.memory_space<vmem>>
    %dma_start3A_88 = arith.constant 0 : i32
    %dma_start3A_89 = tpu.memref_slice %arg3[%add3A_51, %dma_start3A_88] : memref<50176x256xf32, #tpu.memory_space<hbm>> -> memref<112x256xf32, #tpu.memory_space<hbm>>
    %dma_start3A_90 = arith.constant 0 : i32
    %dma_start3A_91 = arith.constant 0 : i32
    %dma_start3A_92 = tpu.memref_slice %arg15[%dma_start3A_83, %dma_start3A_90, %dma_start3A_91] : memref<2x112x256xf32, #tpu.memory_space<vmem>> -> memref<1x112x256xf32, #tpu.memory_space<vmem>>
    %dma_start3A_93 = tpu.memref_squeeze %dma_start3A_92 : memref<1x112x256xf32, #tpu.memory_space<vmem>> -> memref<112x256xf32, #tpu.memory_space<vmem>>
    %dma_start3A_94 = arith.constant 0 : i32
    %dma_start3A_95 = tpu.memref_slice %arg3[%add3A_51, %dma_start3A_94] : memref<50176x256xf32, #tpu.memory_space<hbm>> -> memref<112x256xf32, #tpu.memory_space<hbm>>
    tpu.enqueue_dma source(%dma_start3A_95 : memref<112x256xf32, #tpu.memory_space<hbm>>) target(%dma_start3A_93 : memref<112x256xf32, #tpu.memory_space<vmem>>) target_semaphore(%arg17 : memref<!tpu.dma_semaphore, #tpu.memory_space<semaphore_mem>>)
    %scan3A = arith.constant 0 : i32
    %scan3A_96 = arith.constant 7 : i32
    %scan3A_97 = arith.addi %scan3A, %scan3A_96 : i32
    %scan3A_98 = arith.constant 1 : i32
    scf.for %scan3A_147 = %scan3A to %scan3A_97 step %scan3A_98  : i32 {
      %mul3A_148 = arith.constant 1 : i32
      %mul3A_149 = arith.muli %scan3A_147, %mul3A_148 : i32
      %add3A_150 = arith.constant 0 : i32
      %add3A_151 = arith.addi %add3A_150, %mul3A_149 : i32
      %mul3A_152 = arith.constant 2 : i32
      %mul3A_153 = arith.muli %add3A_151, %mul3A_152 : i32
      %add3A_154 = arith.constant 0 : i32
      %add3A_155 = arith.addi %mul3A_153, %add3A_154 : i32
      %mul3A_156 = arith.constant 1568 : i32
      %mul3A_157 = arith.muli %add3A, %mul3A_156 : i32
      %mul3A_158 = arith.constant 112 : i32
      %mul3A_159 = arith.muli %add3A_155, %mul3A_158 : i32
      %add3A_160 = arith.addi %mul3A_157, %mul3A_159 : i32
      %mul3A_161 = arith.constant 1568 : i32
      %mul3A_162 = arith.muli %add3A, %mul3A_161 : i32
      %mul3A_163 = arith.constant 112 : i32
      %mul3A_164 = arith.muli %add3A_155, %mul3A_163 : i32
      %add3A_165 = arith.addi %mul3A_162, %mul3A_164 : i32
      %dma_wait3A_166 = arith.constant 0 : i32
      %dma_wait3A_167 = arith.constant 0 : i32
      %dma_wait3A_168 = tpu.memref_slice %arg11[%dma_wait3A_166, %dma_wait3A_167] : memref<2x112xi32, #tpu.memory_space<vmem>> -> memref<1x112xi32, #tpu.memory_space<vmem>>
      %dma_wait3A_169 = tpu.memref_squeeze %dma_wait3A_168 : memref<1x112xi32, #tpu.memory_space<vmem>> -> memref<112xi32, #tpu.memory_space<vmem>>
      %dma_wait3A_170 = tpu.memref_slice %arg4[%add3A_165] : memref<50176xi32, #tpu.memory_space<hbm>> -> memref<112xi32, #tpu.memory_space<hbm>>
      %dma_wait3A_171 = arith.constant 0 : i32
      %dma_wait3A_172 = tpu.memref_slice %arg11[%dma_wait3A_166, %dma_wait3A_171] : memref<2x112xi32, #tpu.memory_space<vmem>> -> memref<1x112xi32, #tpu.memory_space<vmem>>
      %dma_wait3A_173 = tpu.memref_squeeze %dma_wait3A_172 : memref<1x112xi32, #tpu.memory_space<vmem>> -> memref<112xi32, #tpu.memory_space<vmem>>
      %dma_wait3A_174 = tpu.memref_slice %arg4[%add3A_165] : memref<50176xi32, #tpu.memory_space<hbm>> -> memref<112xi32, #tpu.memory_space<hbm>>
      tpu.wait_dma2 semaphore(%arg16 : memref<!tpu.dma_semaphore, #tpu.memory_space<semaphore_mem>>) src(%dma_wait3A_174 : memref<112xi32, #tpu.memory_space<hbm>>) dst(%dma_wait3A_173 : memref<112xi32, #tpu.memory_space<vmem>>)
      %dma_wait3A_175 = arith.constant 0 : i32
      %dma_wait3A_176 = arith.constant 0 : i32
      %dma_wait3A_177 = tpu.memref_slice %arg12[%dma_wait3A_175, %dma_wait3A_176] : memref<2x112xi32, #tpu.memory_space<vmem>> -> memref<1x112xi32, #tpu.memory_space<vmem>>
      %dma_wait3A_178 = tpu.memref_squeeze %dma_wait3A_177 : memref<1x112xi32, #tpu.memory_space<vmem>> -> memref<112xi32, #tpu.memory_space<vmem>>
      %dma_wait3A_179 = tpu.memref_slice %arg5[%add3A_165] : memref<50176xi32, #tpu.memory_space<hbm>> -> memref<112xi32, #tpu.memory_space<hbm>>
      %dma_wait3A_180 = arith.constant 0 : i32
      %dma_wait3A_181 = tpu.memref_slice %arg12[%dma_wait3A_175, %dma_wait3A_180] : memref<2x112xi32, #tpu.memory_space<vmem>> -> memref<1x112xi32, #tpu.memory_space<vmem>>
      %dma_wait3A_182 = tpu.memref_squeeze %dma_wait3A_181 : memref<1x112xi32, #tpu.memory_space<vmem>> -> memref<112xi32, #tpu.memory_space<vmem>>
      %dma_wait3A_183 = tpu.memref_slice %arg5[%add3A_165] : memref<50176xi32, #tpu.memory_space<hbm>> -> memref<112xi32, #tpu.memory_space<hbm>>
      tpu.wait_dma2 semaphore(%arg16 : memref<!tpu.dma_semaphore, #tpu.memory_space<semaphore_mem>>) src(%dma_wait3A_183 : memref<112xi32, #tpu.memory_space<hbm>>) dst(%dma_wait3A_182 : memref<112xi32, #tpu.memory_space<vmem>>)
      %dma_wait3A_184 = arith.constant 0 : i32
      %dma_wait3A_185 = arith.constant 0 : i32
      %dma_wait3A_186 = arith.constant 0 : i32
      %dma_wait3A_187 = tpu.memref_slice %arg14[%dma_wait3A_184, %dma_wait3A_185, %dma_wait3A_186] : memref<2x112x128xf32, #tpu.memory_space<vmem>> -> memref<1x112x128xf32, #tpu.memory_space<vmem>>
      %dma_wait3A_188 = tpu.memref_squeeze %dma_wait3A_187 : memref<1x112x128xf32, #tpu.memory_space<vmem>> -> memref<112x128xf32, #tpu.memory_space<vmem>>
      %dma_wait3A_189 = arith.constant 0 : i32
      %dma_wait3A_190 = tpu.memref_slice %arg2[%add3A_165, %dma_wait3A_189] : memref<50176x128xf32, #tpu.memory_space<hbm>> -> memref<112x128xf32, #tpu.memory_space<hbm>>
      %dma_wait3A_191 = arith.constant 0 : i32
      %dma_wait3A_192 = arith.constant 0 : i32
      %dma_wait3A_193 = tpu.memref_slice %arg14[%dma_wait3A_184, %dma_wait3A_191, %dma_wait3A_192] : memref<2x112x128xf32, #tpu.memory_space<vmem>> -> memref<1x112x128xf32, #tpu.memory_space<vmem>>
      %dma_wait3A_194 = tpu.memref_squeeze %dma_wait3A_193 : memref<1x112x128xf32, #tpu.memory_space<vmem>> -> memref<112x128xf32, #tpu.memory_space<vmem>>
      %dma_wait3A_195 = arith.constant 0 : i32
      %dma_wait3A_196 = tpu.memref_slice %arg2[%add3A_165, %dma_wait3A_195] : memref<50176x128xf32, #tpu.memory_space<hbm>> -> memref<112x128xf32, #tpu.memory_space<hbm>>
      tpu.wait_dma2 semaphore(%arg16 : memref<!tpu.dma_semaphore, #tpu.memory_space<semaphore_mem>>) src(%dma_wait3A_196 : memref<112x128xf32, #tpu.memory_space<hbm>>) dst(%dma_wait3A_194 : memref<112x128xf32, #tpu.memory_space<vmem>>)
      %dma_wait3A_197 = arith.constant 0 : i32
      %dma_wait3A_198 = arith.constant 0 : i32
      %dma_wait3A_199 = arith.constant 0 : i32
      %dma_wait3A_200 = tpu.memref_slice %arg15[%dma_wait3A_197, %dma_wait3A_198, %dma_wait3A_199] : memref<2x112x256xf32, #tpu.memory_space<vmem>> -> memref<1x112x256xf32, #tpu.memory_space<vmem>>
      %dma_wait3A_201 = tpu.memref_squeeze %dma_wait3A_200 : memref<1x112x256xf32, #tpu.memory_space<vmem>> -> memref<112x256xf32, #tpu.memory_space<vmem>>
      %dma_wait3A_202 = arith.constant 0 : i32
      %dma_wait3A_203 = tpu.memref_slice %arg3[%add3A_165, %dma_wait3A_202] : memref<50176x256xf32, #tpu.memory_space<hbm>> -> memref<112x256xf32, #tpu.memory_space<hbm>>
      %dma_wait3A_204 = arith.constant 0 : i32
      %dma_wait3A_205 = arith.constant 0 : i32
      %dma_wait3A_206 = tpu.memref_slice %arg15[%dma_wait3A_197, %dma_wait3A_204, %dma_wait3A_205] : memref<2x112x256xf32, #tpu.memory_space<vmem>> -> memref<1x112x256xf32, #tpu.memory_space<vmem>>
      %dma_wait3A_207 = tpu.memref_squeeze %dma_wait3A_206 : memref<1x112x256xf32, #tpu.memory_space<vmem>> -> memref<112x256xf32, #tpu.memory_space<vmem>>
      %dma_wait3A_208 = arith.constant 0 : i32
      %dma_wait3A_209 = tpu.memref_slice %arg3[%add3A_165, %dma_wait3A_208] : memref<50176x256xf32, #tpu.memory_space<hbm>> -> memref<112x256xf32, #tpu.memory_space<hbm>>
      tpu.wait_dma2 semaphore(%arg16 : memref<!tpu.dma_semaphore, #tpu.memory_space<semaphore_mem>>) src(%dma_wait3A_209 : memref<112x256xf32, #tpu.memory_space<hbm>>) dst(%dma_wait3A_207 : memref<112x256xf32, #tpu.memory_space<vmem>>)
      %scan3A_210 = arith.constant 0 : i32
      %scan3A_211 = arith.constant 7 : i32
      %scan3A_212 = arith.addi %scan3A_210, %scan3A_211 : i32
      %scan3A_213 = arith.constant 1 : i32
      scf.for %scan3A_338 = %scan3A_210 to %scan3A_212 step %scan3A_213  : i32 {
        %mul3A_339 = arith.constant 1 : i32
        %mul3A_340 = arith.muli %scan3A_338, %mul3A_339 : i32
        %add3A_341 = arith.constant 0 : i32
        %add3A_342 = arith.addi %add3A_341, %mul3A_340 : i32
        %mul3A_343 = arith.constant 16 : i32
        %mul3A_344 = arith.muli %add3A_342, %mul3A_343 : i32
        %get3A = arith.constant 0 : i32
        %get3A_345 = arith.constant 0 : i32
        %get3A_346 = tpu.memref_slice %arg11[%get3A, %get3A_345] : memref<2x112xi32, #tpu.memory_space<vmem>> -> memref<1x112xi32, #tpu.memory_space<vmem>>
        %get3A_347 = tpu.memref_squeeze %get3A_346 : memref<1x112xi32, #tpu.memory_space<vmem>> -> memref<112xi32, #tpu.memory_space<vmem>>
        %get3A_348 = arith.index_cast %mul3A_344 : i32 to index
        %get3A_349 = tpu.vector_load %get3A_347[%get3A_348] {strides = array<i32>} : memref<112xi32, #tpu.memory_space<vmem>>, vector<16xi32>,
        %gather3A = tpu.vector_load_idx %arg10[%get3A_349] : memref<128xi32, #tpu.memory_space<vmem>>[vector<16xi32>], vector<16xi32>,
        %get3A_350 = arith.constant 0 : i32
        %get3A_351 = arith.constant 0 : i32
        %get3A_352 = tpu.memref_slice %arg12[%get3A_350, %get3A_351] : memref<2x112xi32, #tpu.memory_space<vmem>> -> memref<1x112xi32, #tpu.memory_space<vmem>>
        %get3A_353 = tpu.memref_squeeze %get3A_352 : memref<1x112xi32, #tpu.memory_space<vmem>> -> memref<112xi32, #tpu.memory_space<vmem>>
        %get3A_354 = arith.index_cast %mul3A_344 : i32 to index
        %get3A_355 = tpu.vector_load %get3A_353[%get3A_354] {strides = array<i32>} : memref<112xi32, #tpu.memory_space<vmem>>, vector<16xi32>,
        %add3A_356 = arith.addi %get3A_355, %gather3A : vector<16xi32>
        %swap3A = arith.constant 0 : i32
        %swap3A_357 = arith.constant 0 : i32
        %swap3A_358 = tpu.memref_slice %arg13[%swap3A, %swap3A_357] : memref<2x112xi32, #tpu.memory_space<vmem>> -> memref<1x112xi32, #tpu.memory_space<vmem>>
        %swap3A_359 = tpu.memref_squeeze %swap3A_358 : memref<1x112xi32, #tpu.memory_space<vmem>> -> memref<112xi32, #tpu.memory_space<vmem>>
        %swap3A_360 = arith.index_cast %mul3A_344 : i32 to index
        %swap3A_361 = tpu.vector_load %swap3A_359[%swap3A_360] {strides = array<i32>} : memref<112xi32, #tpu.memory_space<vmem>>, vector<16xi32>,
        tpu.vector_store %swap3A_359[%swap3A_360], %add3A_356 {strides = array<i32>} : memref<112xi32, #tpu.memory_space<vmem>>, vector<16xi32>,
      }
      %scan3A_214 = arith.constant 7 : i32
      %dma_start3A_215 = arith.constant 0 : i32
      %dma_start3A_216 = arith.constant 0 : i32
      %dma_start3A_217 = arith.constant 0 : i32
      %dma_start3A_218 = arith.constant 0 : i32
      %dma_start3A_219 = tpu.memref_slice %arg14[%dma_start3A_215, %dma_start3A_217, %dma_start3A_218] : memref<2x112x128xf32, #tpu.memory_space<vmem>> -> memref<1x112x128xf32, #tpu.memory_space<vmem>>
      %dma_start3A_220 = tpu.memref_squeeze %dma_start3A_219 : memref<1x112x128xf32, #tpu.memory_space<vmem>> -> memref<112x128xf32, #tpu.memory_space<vmem>>
      %dma_start3A_221 = arith.constant 0 : i32
      %dma_start3A_222 = tpu.memref_slice %arg13[%dma_start3A_216, %dma_start3A_221] : memref<2x112xi32, #tpu.memory_space<vmem>> -> memref<1x112xi32, #tpu.memory_space<vmem>>
      %dma_start3A_223 = tpu.memref_squeeze %dma_start3A_222 : memref<1x112xi32, #tpu.memory_space<vmem>> -> memref<112xi32, #tpu.memory_space<vmem>>
      %dma_start3A_224 = arith.constant 0 : i32
      %dma_start3A_225 = arith.constant 0 : i32
      %dma_start3A_226 = tpu.memref_slice %arg7[%dma_start3A_224, %dma_start3A_225] : memref<50256x128xf32, #tpu.memory_space<hbm>> -> memref<50256x128xf32, #tpu.memory_space<hbm>>
      tpu.enqueue_indirect_dma source(%dma_start3A_220 : memref<112x128xf32, #tpu.memory_space<vmem>>) target(%dma_start3A_226 : memref<50256x128xf32, #tpu.memory_space<hbm>>) offsets(%dma_start3A_223 : memref<112xi32, #tpu.memory_space<vmem>>) semaphore(%arg18 : memref<!tpu.dma_semaphore, #tpu.memory_space<semaphore_mem>>)
      %dma_start3A_227 = arith.constant 0 : i32
      %dma_start3A_228 = arith.constant 0 : i32
      %dma_start3A_229 = arith.constant 0 : i32
      %dma_start3A_230 = arith.constant 0 : i32
      %dma_start3A_231 = tpu.memref_slice %arg15[%dma_start3A_227, %dma_start3A_229, %dma_start3A_230] : memref<2x112x256xf32, #tpu.memory_space<vmem>> -> memref<1x112x256xf32, #tpu.memory_space<vmem>>
      %dma_start3A_232 = tpu.memref_squeeze %dma_start3A_231 : memref<1x112x256xf32, #tpu.memory_space<vmem>> -> memref<112x256xf32, #tpu.memory_space<vmem>>
      %dma_start3A_233 = arith.constant 0 : i32
      %dma_start3A_234 = tpu.memref_slice %arg13[%dma_start3A_228, %dma_start3A_233] : memref<2x112xi32, #tpu.memory_space<vmem>> -> memref<1x112xi32, #tpu.memory_space<vmem>>
      %dma_start3A_235 = tpu.memref_squeeze %dma_start3A_234 : memref<1x112xi32, #tpu.memory_space<vmem>> -> memref<112xi32, #tpu.memory_space<vmem>>
      %dma_start3A_236 = arith.constant 0 : i32
      %dma_start3A_237 = arith.constant 0 : i32
      %dma_start3A_238 = tpu.memref_slice %arg8[%dma_start3A_236, %dma_start3A_237] : memref<50256x256xf32, #tpu.memory_space<hbm>> -> memref<50256x256xf32, #tpu.memory_space<hbm>>
      tpu.enqueue_indirect_dma source(%dma_start3A_232 : memref<112x256xf32, #tpu.memory_space<vmem>>) target(%dma_start3A_238 : memref<50256x256xf32, #tpu.memory_space<hbm>>) offsets(%dma_start3A_235 : memref<112xi32, #tpu.memory_space<vmem>>) semaphore(%arg18 : memref<!tpu.dma_semaphore, #tpu.memory_space<semaphore_mem>>)
      %run_scoped3A = arith.constant 0 : i32
      "tpu.region"() ({
        %run_scoped3A_338 = tpu.sem_alloc : memref<!tpu.dma_semaphore, #tpu.memory_space<semaphore_mem>>
        %dma_start3A_339 = arith.constant 0 : i32
        %dma_start3A_340 = tpu.memref_slice %arg13[%run_scoped3A, %dma_start3A_339] : memref<2x112xi32, #tpu.memory_space<vmem>> -> memref<1x112xi32, #tpu.memory_space<vmem>>
        %dma_start3A_341 = tpu.memref_squeeze %dma_start3A_340 : memref<1x112xi32, #tpu.memory_space<vmem>> -> memref<112xi32, #tpu.memory_space<vmem>>
        %dma_start3A_342 = tpu.memref_slice %arg9[%add3A_160] : memref<50176xi32, #tpu.memory_space<hbm>> -> memref<112xi32, #tpu.memory_space<hbm>>
        %dma_start3A_343 = tpu.memref_slice %arg9[%add3A_160] : memref<50176xi32, #tpu.memory_space<hbm>> -> memref<112xi32, #tpu.memory_space<hbm>>
        %dma_start3A_344 = arith.constant 0 : i32
        %dma_start3A_345 = tpu.memref_slice %arg13[%run_scoped3A, %dma_start3A_344] : memref<2x112xi32, #tpu.memory_space<vmem>> -> memref<1x112xi32, #tpu.memory_space<vmem>>
        %dma_start3A_346 = tpu.memref_squeeze %dma_start3A_345 : memref<1x112xi32, #tpu.memory_space<vmem>> -> memref<112xi32, #tpu.memory_space<vmem>>
        tpu.enqueue_dma source(%dma_start3A_346 : memref<112xi32, #tpu.memory_space<vmem>>) target(%dma_start3A_343 : memref<112xi32, #tpu.memory_space<hbm>>) target_semaphore(%run_scoped3A_338 : memref<!tpu.dma_semaphore, #tpu.memory_space<semaphore_mem>>)
        %dma_wait3A_347 = arith.constant 0 : i32
        %dma_wait3A_348 = tpu.memref_slice %arg13[%run_scoped3A, %dma_wait3A_347] : memref<2x112xi32, #tpu.memory_space<vmem>> -> memref<1x112xi32, #tpu.memory_space<vmem>>
        %dma_wait3A_349 = tpu.memref_squeeze %dma_wait3A_348 : memref<1x112xi32, #tpu.memory_space<vmem>> -> memref<112xi32, #tpu.memory_space<vmem>>
        %dma_wait3A_350 = tpu.memref_slice %arg9[%add3A_160] : memref<50176xi32, #tpu.memory_space<hbm>> -> memref<112xi32, #tpu.memory_space<hbm>>
        %dma_wait3A_351 = tpu.memref_slice %arg9[%add3A_160] : memref<50176xi32, #tpu.memory_space<hbm>> -> memref<112xi32, #tpu.memory_space<hbm>>
        %dma_wait3A_352 = arith.constant 0 : i32
        %dma_wait3A_353 = tpu.memref_slice %arg13[%run_scoped3A, %dma_wait3A_352] : memref<2x112xi32, #tpu.memory_space<vmem>> -> memref<1x112xi32, #tpu.memory_space<vmem>>
        %dma_wait3A_354 = tpu.memref_squeeze %dma_wait3A_353 : memref<1x112xi32, #tpu.memory_space<vmem>> -> memref<112xi32, #tpu.memory_space<vmem>>
        tpu.wait_dma2 semaphore(%run_scoped3A_338 : memref<!tpu.dma_semaphore, #tpu.memory_space<semaphore_mem>>) src(%dma_wait3A_354 : memref<112xi32, #tpu.memory_space<vmem>>) dst(%dma_wait3A_351 : memref<112xi32, #tpu.memory_space<hbm>>)
        tpu.yield
      }) : () -> ()
      %add3A_239 = arith.constant 2 : i32
      %add3A_240 = arith.addi %add3A_155, %add3A_239 : i32
      %lt3A = arith.constant 14 : i32
      %lt3A_241 = arith.cmpi slt, %add3A_240, %lt3A : i32
      %convert_element_type3A = arith.extui %lt3A_241 : i1 to i32
      %cond3A = arith.constant 0 : i32
      %cond3A_242 = arith.cmpi ne, %convert_element_type3A, %cond3A : i32
      scf.if %cond3A_242 {
        %dma_wait3A_338 = arith.constant 0 : i32
        %dma_wait3A_339 = arith.constant 0 : i32
        %dma_wait3A_340 = arith.constant 0 : i32
        %dma_wait3A_341 = arith.constant 0 : i32
        %dma_wait3A_342 = tpu.memref_slice %arg14[%dma_wait3A_338, %dma_wait3A_340, %dma_wait3A_341] : memref<2x112x128xf32, #tpu.memory_space<vmem>> -> memref<1x112x128xf32, #tpu.memory_space<vmem>>
        %dma_wait3A_343 = tpu.memref_squeeze %dma_wait3A_342 : memref<1x112x128xf32, #tpu.memory_space<vmem>> -> memref<112x128xf32, #tpu.memory_space<vmem>>
        %dma_wait3A_344 = arith.constant 0 : i32
        %dma_wait3A_345 = tpu.memref_slice %arg13[%dma_wait3A_339, %dma_wait3A_344] : memref<2x112xi32, #tpu.memory_space<vmem>> -> memref<1x112xi32, #tpu.memory_space<vmem>>
        %dma_wait3A_346 = tpu.memref_squeeze %dma_wait3A_345 : memref<1x112xi32, #tpu.memory_space<vmem>> -> memref<112xi32, #tpu.memory_space<vmem>>
        %dma_wait3A_347 = arith.constant 0 : i32
        %dma_wait3A_348 = arith.constant 0 : i32
        %dma_wait3A_349 = tpu.memref_slice %arg7[%dma_wait3A_347, %dma_wait3A_348] : memref<50256x128xf32, #tpu.memory_space<hbm>> -> memref<50256x128xf32, #tpu.memory_space<hbm>>
        tpu.wait_indirect_dma semaphore(%arg18 : memref<!tpu.dma_semaphore, #tpu.memory_space<semaphore_mem>>) src(%dma_wait3A_343 : memref<112x128xf32, #tpu.memory_space<vmem>>) dst(%dma_wait3A_349 : memref<50256x128xf32, #tpu.memory_space<hbm>>)
        %dma_wait3A_350 = arith.constant 0 : i32
        %dma_wait3A_351 = arith.constant 0 : i32
        %dma_wait3A_352 = arith.constant 0 : i32
        %dma_wait3A_353 = arith.constant 0 : i32
        %dma_wait3A_354 = tpu.memref_slice %arg15[%dma_wait3A_350, %dma_wait3A_352, %dma_wait3A_353] : memref<2x112x256xf32, #tpu.memory_space<vmem>> -> memref<1x112x256xf32, #tpu.memory_space<vmem>>
        %dma_wait3A_355 = tpu.memref_squeeze %dma_wait3A_354 : memref<1x112x256xf32, #tpu.memory_space<vmem>> -> memref<112x256xf32, #tpu.memory_space<vmem>>
        %dma_wait3A_356 = arith.constant 0 : i32
        %dma_wait3A_357 = tpu.memref_slice %arg13[%dma_wait3A_351, %dma_wait3A_356] : memref<2x112xi32, #tpu.memory_space<vmem>> -> memref<1x112xi32, #tpu.memory_space<vmem>>
        %dma_wait3A_358 = tpu.memref_squeeze %dma_wait3A_357 : memref<1x112xi32, #tpu.memory_space<vmem>> -> memref<112xi32, #tpu.memory_space<vmem>>
        %dma_wait3A_359 = arith.constant 0 : i32
        %dma_wait3A_360 = arith.constant 0 : i32
        %dma_wait3A_361 = tpu.memref_slice %arg8[%dma_wait3A_359, %dma_wait3A_360] : memref<50256x256xf32, #tpu.memory_space<hbm>> -> memref<50256x256xf32, #tpu.memory_space<hbm>>
        tpu.wait_indirect_dma semaphore(%arg18 : memref<!tpu.dma_semaphore, #tpu.memory_space<semaphore_mem>>) src(%dma_wait3A_355 : memref<112x256xf32, #tpu.memory_space<vmem>>) dst(%dma_wait3A_361 : memref<50256x256xf32, #tpu.memory_space<hbm>>)
        %add3A_362 = arith.constant 2 : i32
        %add3A_363 = arith.addi %add3A_155, %add3A_362 : i32
        %mul3A_364 = arith.constant 1568 : i32
        %mul3A_365 = arith.muli %add3A, %mul3A_364 : i32
        %mul3A_366 = arith.constant 112 : i32
        %mul3A_367 = arith.muli %add3A_363, %mul3A_366 : i32
        %add3A_368 = arith.addi %mul3A_365, %mul3A_367 : i32
        %dma_start3A_369 = arith.constant 0 : i32
        %dma_start3A_370 = arith.constant 0 : i32
        %dma_start3A_371 = tpu.memref_slice %arg11[%dma_start3A_369, %dma_start3A_370] : memref<2x112xi32, #tpu.memory_space<vmem>> -> memref<1x112xi32, #tpu.memory_space<vmem>>
        %dma_start3A_372 = tpu.memref_squeeze %dma_start3A_371 : memref<1x112xi32, #tpu.memory_space<vmem>> -> memref<112xi32, #tpu.memory_space<vmem>>
        %dma_start3A_373 = tpu.memref_slice %arg4[%add3A_368] : memref<50176xi32, #tpu.memory_space<hbm>> -> memref<112xi32, #tpu.memory_space<hbm>>
        %dma_start3A_374 = arith.constant 0 : i32
        %dma_start3A_375 = tpu.memref_slice %arg11[%dma_start3A_369, %dma_start3A_374] : memref<2x112xi32, #tpu.memory_space<vmem>> -> memref<1x112xi32, #tpu.memory_space<vmem>>
        %dma_start3A_376 = tpu.memref_squeeze %dma_start3A_375 : memref<1x112xi32, #tpu.memory_space<vmem>> -> memref<112xi32, #tpu.memory_space<vmem>>
        %dma_start3A_377 = tpu.memref_slice %arg4[%add3A_368] : memref<50176xi32, #tpu.memory_space<hbm>> -> memref<112xi32, #tpu.memory_space<hbm>>
        tpu.enqueue_dma source(%dma_start3A_377 : memref<112xi32, #tpu.memory_space<hbm>>) target(%dma_start3A_376 : memref<112xi32, #tpu.memory_space<vmem>>) target_semaphore(%arg16 : memref<!tpu.dma_semaphore, #tpu.memory_space<semaphore_mem>>)
        %dma_start3A_378 = arith.constant 0 : i32
        %dma_start3A_379 = arith.constant 0 : i32
        %dma_start3A_380 = tpu.memref_slice %arg12[%dma_start3A_378, %dma_start3A_379] : memref<2x112xi32, #tpu.memory_space<vmem>> -> memref<1x112xi32, #tpu.memory_space<vmem>>
        %dma_start3A_381 = tpu.memref_squeeze %dma_start3A_380 : memref<1x112xi32, #tpu.memory_space<vmem>> -> memref<112xi32, #tpu.memory_space<vmem>>
        %dma_start3A_382 = tpu.memref_slice %arg5[%add3A_368] : memref<50176xi32, #tpu.memory_space<hbm>> -> memref<112xi32, #tpu.memory_space<hbm>>
        %dma_start3A_383 = arith.constant 0 : i32
        %dma_start3A_384 = tpu.memref_slice %arg12[%dma_start3A_378, %dma_start3A_383] : memref<2x112xi32, #tpu.memory_space<vmem>> -> memref<1x112xi32, #tpu.memory_space<vmem>>
        %dma_start3A_385 = tpu.memref_squeeze %dma_start3A_384 : memref<1x112xi32, #tpu.memory_space<vmem>> -> memref<112xi32, #tpu.memory_space<vmem>>
        %dma_start3A_386 = tpu.memref_slice %arg5[%add3A_368] : memref<50176xi32, #tpu.memory_space<hbm>> -> memref<112xi32, #tpu.memory_space<hbm>>
        tpu.enqueue_dma source(%dma_start3A_386 : memref<112xi32, #tpu.memory_space<hbm>>) target(%dma_start3A_385 : memref<112xi32, #tpu.memory_space<vmem>>) target_semaphore(%arg16 : memref<!tpu.dma_semaphore, #tpu.memory_space<semaphore_mem>>)
        %dma_start3A_387 = arith.constant 0 : i32
        %dma_start3A_388 = arith.constant 0 : i32
        %dma_start3A_389 = arith.constant 0 : i32
        %dma_start3A_390 = tpu.memref_slice %arg14[%dma_start3A_387, %dma_start3A_388, %dma_start3A_389] : memref<2x112x128xf32, #tpu.memory_space<vmem>> -> memref<1x112x128xf32, #tpu.memory_space<vmem>>
        %dma_start3A_391 = tpu.memref_squeeze %dma_start3A_390 : memref<1x112x128xf32, #tpu.memory_space<vmem>> -> memref<112x128xf32, #tpu.memory_space<vmem>>
        %dma_start3A_392 = arith.constant 0 : i32
        %dma_start3A_393 = tpu.memref_slice %arg2[%add3A_368, %dma_start3A_392] : memref<50176x128xf32, #tpu.memory_space<hbm>> -> memref<112x128xf32, #tpu.memory_space<hbm>>
        %dma_start3A_394 = arith.constant 0 : i32
        %dma_start3A_395 = arith.constant 0 : i32
        %dma_start3A_396 = tpu.memref_slice %arg14[%dma_start3A_387, %dma_start3A_394, %dma_start3A_395] : memref<2x112x128xf32, #tpu.memory_space<vmem>> -> memref<1x112x128xf32, #tpu.memory_space<vmem>>
        %dma_start3A_397 = tpu.memref_squeeze %dma_start3A_396 : memref<1x112x128xf32, #tpu.memory_space<vmem>> -> memref<112x128xf32, #tpu.memory_space<vmem>>
        %dma_start3A_398 = arith.constant 0 : i32
        %dma_start3A_399 = tpu.memref_slice %arg2[%add3A_368, %dma_start3A_398] : memref<50176x128xf32, #tpu.memory_space<hbm>> -> memref<112x128xf32, #tpu.memory_space<hbm>>
        tpu.enqueue_dma source(%dma_start3A_399 : memref<112x128xf32, #tpu.memory_space<hbm>>) target(%dma_start3A_397 : memref<112x128xf32, #tpu.memory_space<vmem>>) target_semaphore(%arg16 : memref<!tpu.dma_semaphore, #tpu.memory_space<semaphore_mem>>)
        %dma_start3A_400 = arith.constant 0 : i32
        %dma_start3A_401 = arith.constant 0 : i32
        %dma_start3A_402 = arith.constant 0 : i32
        %dma_start3A_403 = tpu.memref_slice %arg15[%dma_start3A_400, %dma_start3A_401, %dma_start3A_402] : memref<2x112x256xf32, #tpu.memory_space<vmem>> -> memref<1x112x256xf32, #tpu.memory_space<vmem>>
        %dma_start3A_404 = tpu.memref_squeeze %dma_start3A_403 : memref<1x112x256xf32, #tpu.memory_space<vmem>> -> memref<112x256xf32, #tpu.memory_space<vmem>>
        %dma_start3A_405 = arith.constant 0 : i32
        %dma_start3A_406 = tpu.memref_slice %arg3[%add3A_368, %dma_start3A_405] : memref<50176x256xf32, #tpu.memory_space<hbm>> -> memref<112x256xf32, #tpu.memory_space<hbm>>
        %dma_start3A_407 = arith.constant 0 : i32
        %dma_start3A_408 = arith.constant 0 : i32
        %dma_start3A_409 = tpu.memref_slice %arg15[%dma_start3A_400, %dma_start3A_407, %dma_start3A_408] : memref<2x112x256xf32, #tpu.memory_space<vmem>> -> memref<1x112x256xf32, #tpu.memory_space<vmem>>
        %dma_start3A_410 = tpu.memref_squeeze %dma_start3A_409 : memref<1x112x256xf32, #tpu.memory_space<vmem>> -> memref<112x256xf32, #tpu.memory_space<vmem>>
        %dma_start3A_411 = arith.constant 0 : i32
        %dma_start3A_412 = tpu.memref_slice %arg3[%add3A_368, %dma_start3A_411] : memref<50176x256xf32, #tpu.memory_space<hbm>> -> memref<112x256xf32, #tpu.memory_space<hbm>>
        tpu.enqueue_dma source(%dma_start3A_412 : memref<112x256xf32, #tpu.memory_space<hbm>>) target(%dma_start3A_410 : memref<112x256xf32, #tpu.memory_space<vmem>>) target_semaphore(%arg16 : memref<!tpu.dma_semaphore, #tpu.memory_space<semaphore_mem>>)
      } else {
      }
      %mul3A_243 = arith.constant 2 : i32
      %mul3A_244 = arith.muli %add3A_151, %mul3A_243 : i32
      %add3A_245 = arith.constant 1 : i32
      %add3A_246 = arith.addi %mul3A_244, %add3A_245 : i32
      %mul3A_247 = arith.constant 1568 : i32
      %mul3A_248 = arith.muli %add3A, %mul3A_247 : i32
      %mul3A_249 = arith.constant 112 : i32
      %mul3A_250 = arith.muli %add3A_246, %mul3A_249 : i32
      %add3A_251 = arith.addi %mul3A_248, %mul3A_250 : i32
      %mul3A_252 = arith.constant 1568 : i32
      %mul3A_253 = arith.muli %add3A, %mul3A_252 : i32
      %mul3A_254 = arith.constant 112 : i32
      %mul3A_255 = arith.muli %add3A_246, %mul3A_254 : i32
      %add3A_256 = arith.addi %mul3A_253, %mul3A_255 : i32
      %dma_wait3A_257 = arith.constant 1 : i32
      %dma_wait3A_258 = arith.constant 0 : i32
      %dma_wait3A_259 = tpu.memref_slice %arg11[%dma_wait3A_257, %dma_wait3A_258] : memref<2x112xi32, #tpu.memory_space<vmem>> -> memref<1x112xi32, #tpu.memory_space<vmem>>
      %dma_wait3A_260 = tpu.memref_squeeze %dma_wait3A_259 : memref<1x112xi32, #tpu.memory_space<vmem>> -> memref<112xi32, #tpu.memory_space<vmem>>
      %dma_wait3A_261 = tpu.memref_slice %arg4[%add3A_256] : memref<50176xi32, #tpu.memory_space<hbm>> -> memref<112xi32, #tpu.memory_space<hbm>>
      %dma_wait3A_262 = arith.constant 0 : i32
      %dma_wait3A_263 = tpu.memref_slice %arg11[%dma_wait3A_257, %dma_wait3A_262] : memref<2x112xi32, #tpu.memory_space<vmem>> -> memref<1x112xi32, #tpu.memory_space<vmem>>
      %dma_wait3A_264 = tpu.memref_squeeze %dma_wait3A_263 : memref<1x112xi32, #tpu.memory_space<vmem>> -> memref<112xi32, #tpu.memory_space<vmem>>
      %dma_wait3A_265 = tpu.memref_slice %arg4[%add3A_256] : memref<50176xi32, #tpu.memory_space<hbm>> -> memref<112xi32, #tpu.memory_space<hbm>>
      tpu.wait_dma2 semaphore(%arg17 : memref<!tpu.dma_semaphore, #tpu.memory_space<semaphore_mem>>) src(%dma_wait3A_265 : memref<112xi32, #tpu.memory_space<hbm>>) dst(%dma_wait3A_264 : memref<112xi32, #tpu.memory_space<vmem>>)
      %dma_wait3A_266 = arith.constant 1 : i32
      %dma_wait3A_267 = arith.constant 0 : i32
      %dma_wait3A_268 = tpu.memref_slice %arg12[%dma_wait3A_266, %dma_wait3A_267] : memref<2x112xi32, #tpu.memory_space<vmem>> -> memref<1x112xi32, #tpu.memory_space<vmem>>
      %dma_wait3A_269 = tpu.memref_squeeze %dma_wait3A_268 : memref<1x112xi32, #tpu.memory_space<vmem>> -> memref<112xi32, #tpu.memory_space<vmem>>
      %dma_wait3A_270 = tpu.memref_slice %arg5[%add3A_256] : memref<50176xi32, #tpu.memory_space<hbm>> -> memref<112xi32, #tpu.memory_space<hbm>>
      %dma_wait3A_271 = arith.constant 0 : i32
      %dma_wait3A_272 = tpu.memref_slice %arg12[%dma_wait3A_266, %dma_wait3A_271] : memref<2x112xi32, #tpu.memory_space<vmem>> -> memref<1x112xi32, #tpu.memory_space<vmem>>
      %dma_wait3A_273 = tpu.memref_squeeze %dma_wait3A_272 : memref<1x112xi32, #tpu.memory_space<vmem>> -> memref<112xi32, #tpu.memory_space<vmem>>
      %dma_wait3A_274 = tpu.memref_slice %arg5[%add3A_256] : memref<50176xi32, #tpu.memory_space<hbm>> -> memref<112xi32, #tpu.memory_space<hbm>>
      tpu.wait_dma2 semaphore(%arg17 : memref<!tpu.dma_semaphore, #tpu.memory_space<semaphore_mem>>) src(%dma_wait3A_274 : memref<112xi32, #tpu.memory_space<hbm>>) dst(%dma_wait3A_273 : memref<112xi32, #tpu.memory_space<vmem>>)
      %dma_wait3A_275 = arith.constant 1 : i32
      %dma_wait3A_276 = arith.constant 0 : i32
      %dma_wait3A_277 = arith.constant 0 : i32
      %dma_wait3A_278 = tpu.memref_slice %arg14[%dma_wait3A_275, %dma_wait3A_276, %dma_wait3A_277] : memref<2x112x128xf32, #tpu.memory_space<vmem>> -> memref<1x112x128xf32, #tpu.memory_space<vmem>>
      %dma_wait3A_279 = tpu.memref_squeeze %dma_wait3A_278 : memref<1x112x128xf32, #tpu.memory_space<vmem>> -> memref<112x128xf32, #tpu.memory_space<vmem>>
      %dma_wait3A_280 = arith.constant 0 : i32
      %dma_wait3A_281 = tpu.memref_slice %arg2[%add3A_256, %dma_wait3A_280] : memref<50176x128xf32, #tpu.memory_space<hbm>> -> memref<112x128xf32, #tpu.memory_space<hbm>>
      %dma_wait3A_282 = arith.constant 0 : i32
      %dma_wait3A_283 = arith.constant 0 : i32
      %dma_wait3A_284 = tpu.memref_slice %arg14[%dma_wait3A_275, %dma_wait3A_282, %dma_wait3A_283] : memref<2x112x128xf32, #tpu.memory_space<vmem>> -> memref<1x112x128xf32, #tpu.memory_space<vmem>>
      %dma_wait3A_285 = tpu.memref_squeeze %dma_wait3A_284 : memref<1x112x128xf32, #tpu.memory_space<vmem>> -> memref<112x128xf32, #tpu.memory_space<vmem>>
      %dma_wait3A_286 = arith.constant 0 : i32
      %dma_wait3A_287 = tpu.memref_slice %arg2[%add3A_256, %dma_wait3A_286] : memref<50176x128xf32, #tpu.memory_space<hbm>> -> memref<112x128xf32, #tpu.memory_space<hbm>>
      tpu.wait_dma2 semaphore(%arg17 : memref<!tpu.dma_semaphore, #tpu.memory_space<semaphore_mem>>) src(%dma_wait3A_287 : memref<112x128xf32, #tpu.memory_space<hbm>>) dst(%dma_wait3A_285 : memref<112x128xf32, #tpu.memory_space<vmem>>)
      %dma_wait3A_288 = arith.constant 1 : i32
      %dma_wait3A_289 = arith.constant 0 : i32
      %dma_wait3A_290 = arith.constant 0 : i32
      %dma_wait3A_291 = tpu.memref_slice %arg15[%dma_wait3A_288, %dma_wait3A_289, %dma_wait3A_290] : memref<2x112x256xf32, #tpu.memory_space<vmem>> -> memref<1x112x256xf32, #tpu.memory_space<vmem>>
      %dma_wait3A_292 = tpu.memref_squeeze %dma_wait3A_291 : memref<1x112x256xf32, #tpu.memory_space<vmem>> -> memref<112x256xf32, #tpu.memory_space<vmem>>
      %dma_wait3A_293 = arith.constant 0 : i32
      %dma_wait3A_294 = tpu.memref_slice %arg3[%add3A_256, %dma_wait3A_293] : memref<50176x256xf32, #tpu.memory_space<hbm>> -> memref<112x256xf32, #tpu.memory_space<hbm>>
      %dma_wait3A_295 = arith.constant 0 : i32
      %dma_wait3A_296 = arith.constant 0 : i32
      %dma_wait3A_297 = tpu.memref_slice %arg15[%dma_wait3A_288, %dma_wait3A_295, %dma_wait3A_296] : memref<2x112x256xf32, #tpu.memory_space<vmem>> -> memref<1x112x256xf32, #tpu.memory_space<vmem>>
      %dma_wait3A_298 = tpu.memref_squeeze %dma_wait3A_297 : memref<1x112x256xf32, #tpu.memory_space<vmem>> -> memref<112x256xf32, #tpu.memory_space<vmem>>
      %dma_wait3A_299 = arith.constant 0 : i32
      %dma_wait3A_300 = tpu.memref_slice %arg3[%add3A_256, %dma_wait3A_299] : memref<50176x256xf32, #tpu.memory_space<hbm>> -> memref<112x256xf32, #tpu.memory_space<hbm>>
      tpu.wait_dma2 semaphore(%arg17 : memref<!tpu.dma_semaphore, #tpu.memory_space<semaphore_mem>>) src(%dma_wait3A_300 : memref<112x256xf32, #tpu.memory_space<hbm>>) dst(%dma_wait3A_298 : memref<112x256xf32, #tpu.memory_space<vmem>>)
      %scan3A_301 = arith.constant 0 : i32
      %scan3A_302 = arith.constant 7 : i32
      %scan3A_303 = arith.addi %scan3A_301, %scan3A_302 : i32
      %scan3A_304 = arith.constant 1 : i32
      scf.for %scan3A_338 = %scan3A_301 to %scan3A_303 step %scan3A_304  : i32 {
        %mul3A_339 = arith.constant 1 : i32
        %mul3A_340 = arith.muli %scan3A_338, %mul3A_339 : i32
        %add3A_341 = arith.constant 0 : i32
        %add3A_342 = arith.addi %add3A_341, %mul3A_340 : i32
        %mul3A_343 = arith.constant 16 : i32
        %mul3A_344 = arith.muli %add3A_342, %mul3A_343 : i32
        %get3A = arith.constant 1 : i32
        %get3A_345 = arith.constant 0 : i32
        %get3A_346 = tpu.memref_slice %arg11[%get3A, %get3A_345] : memref<2x112xi32, #tpu.memory_space<vmem>> -> memref<1x112xi32, #tpu.memory_space<vmem>>
        %get3A_347 = tpu.memref_squeeze %get3A_346 : memref<1x112xi32, #tpu.memory_space<vmem>> -> memref<112xi32, #tpu.memory_space<vmem>>
        %get3A_348 = arith.index_cast %mul3A_344 : i32 to index
        %get3A_349 = tpu.vector_load %get3A_347[%get3A_348] {strides = array<i32>} : memref<112xi32, #tpu.memory_space<vmem>>, vector<16xi32>,
        %gather3A = tpu.vector_load_idx %arg10[%get3A_349] : memref<128xi32, #tpu.memory_space<vmem>>[vector<16xi32>], vector<16xi32>,
        %get3A_350 = arith.constant 1 : i32
        %get3A_351 = arith.constant 0 : i32
        %get3A_352 = tpu.memref_slice %arg12[%get3A_350, %get3A_351] : memref<2x112xi32, #tpu.memory_space<vmem>> -> memref<1x112xi32, #tpu.memory_space<vmem>>
        %get3A_353 = tpu.memref_squeeze %get3A_352 : memref<1x112xi32, #tpu.memory_space<vmem>> -> memref<112xi32, #tpu.memory_space<vmem>>
        %get3A_354 = arith.index_cast %mul3A_344 : i32 to index
        %get3A_355 = tpu.vector_load %get3A_353[%get3A_354] {strides = array<i32>} : memref<112xi32, #tpu.memory_space<vmem>>, vector<16xi32>,
        %add3A_356 = arith.addi %get3A_355, %gather3A : vector<16xi32>
        %swap3A = arith.constant 1 : i32
        %swap3A_357 = arith.constant 0 : i32
        %swap3A_358 = tpu.memref_slice %arg13[%swap3A, %swap3A_357] : memref<2x112xi32, #tpu.memory_space<vmem>> -> memref<1x112xi32, #tpu.memory_space<vmem>>
        %swap3A_359 = tpu.memref_squeeze %swap3A_358 : memref<1x112xi32, #tpu.memory_space<vmem>> -> memref<112xi32, #tpu.memory_space<vmem>>
        %swap3A_360 = arith.index_cast %mul3A_344 : i32 to index
        %swap3A_361 = tpu.vector_load %swap3A_359[%swap3A_360] {strides = array<i32>} : memref<112xi32, #tpu.memory_space<vmem>>, vector<16xi32>,
        tpu.vector_store %swap3A_359[%swap3A_360], %add3A_356 {strides = array<i32>} : memref<112xi32, #tpu.memory_space<vmem>>, vector<16xi32>,
      }
      %scan3A_305 = arith.constant 7 : i32
      %dma_start3A_306 = arith.constant 1 : i32
      %dma_start3A_307 = arith.constant 1 : i32
      %dma_start3A_308 = arith.constant 0 : i32
      %dma_start3A_309 = arith.constant 0 : i32
      %dma_start3A_310 = tpu.memref_slice %arg14[%dma_start3A_306, %dma_start3A_308, %dma_start3A_309] : memref<2x112x128xf32, #tpu.memory_space<vmem>> -> memref<1x112x128xf32, #tpu.memory_space<vmem>>
      %dma_start3A_311 = tpu.memref_squeeze %dma_start3A_310 : memref<1x112x128xf32, #tpu.memory_space<vmem>> -> memref<112x128xf32, #tpu.memory_space<vmem>>
      %dma_start3A_312 = arith.constant 0 : i32
      %dma_start3A_313 = tpu.memref_slice %arg13[%dma_start3A_307, %dma_start3A_312] : memref<2x112xi32, #tpu.memory_space<vmem>> -> memref<1x112xi32, #tpu.memory_space<vmem>>
      %dma_start3A_314 = tpu.memref_squeeze %dma_start3A_313 : memref<1x112xi32, #tpu.memory_space<vmem>> -> memref<112xi32, #tpu.memory_space<vmem>>
      %dma_start3A_315 = arith.constant 0 : i32
      %dma_start3A_316 = arith.constant 0 : i32
      %dma_start3A_317 = tpu.memref_slice %arg7[%dma_start3A_315, %dma_start3A_316] : memref<50256x128xf32, #tpu.memory_space<hbm>> -> memref<50256x128xf32, #tpu.memory_space<hbm>>
      tpu.enqueue_indirect_dma source(%dma_start3A_311 : memref<112x128xf32, #tpu.memory_space<vmem>>) target(%dma_start3A_317 : memref<50256x128xf32, #tpu.memory_space<hbm>>) offsets(%dma_start3A_314 : memref<112xi32, #tpu.memory_space<vmem>>) semaphore(%arg19 : memref<!tpu.dma_semaphore, #tpu.memory_space<semaphore_mem>>)
      %dma_start3A_318 = arith.constant 1 : i32
      %dma_start3A_319 = arith.constant 1 : i32
      %dma_start3A_320 = arith.constant 0 : i32
      %dma_start3A_321 = arith.constant 0 : i32
      %dma_start3A_322 = tpu.memref_slice %arg15[%dma_start3A_318, %dma_start3A_320, %dma_start3A_321] : memref<2x112x256xf32, #tpu.memory_space<vmem>> -> memref<1x112x256xf32, #tpu.memory_space<vmem>>
      %dma_start3A_323 = tpu.memref_squeeze %dma_start3A_322 : memref<1x112x256xf32, #tpu.memory_space<vmem>> -> memref<112x256xf32, #tpu.memory_space<vmem>>
      %dma_start3A_324 = arith.constant 0 : i32
      %dma_start3A_325 = tpu.memref_slice %arg13[%dma_start3A_319, %dma_start3A_324] : memref<2x112xi32, #tpu.memory_space<vmem>> -> memref<1x112xi32, #tpu.memory_space<vmem>>
      %dma_start3A_326 = tpu.memref_squeeze %dma_start3A_325 : memref<1x112xi32, #tpu.memory_space<vmem>> -> memref<112xi32, #tpu.memory_space<vmem>>
      %dma_start3A_327 = arith.constant 0 : i32
      %dma_start3A_328 = arith.constant 0 : i32
      %dma_start3A_329 = tpu.memref_slice %arg8[%dma_start3A_327, %dma_start3A_328] : memref<50256x256xf32, #tpu.memory_space<hbm>> -> memref<50256x256xf32, #tpu.memory_space<hbm>>
      tpu.enqueue_indirect_dma source(%dma_start3A_323 : memref<112x256xf32, #tpu.memory_space<vmem>>) target(%dma_start3A_329 : memref<50256x256xf32, #tpu.memory_space<hbm>>) offsets(%dma_start3A_326 : memref<112xi32, #tpu.memory_space<vmem>>) semaphore(%arg19 : memref<!tpu.dma_semaphore, #tpu.memory_space<semaphore_mem>>)
      %run_scoped3A_330 = arith.constant 1 : i32
      "tpu.region"() ({
        %run_scoped3A_338 = tpu.sem_alloc : memref<!tpu.dma_semaphore, #tpu.memory_space<semaphore_mem>>
        %dma_start3A_339 = arith.constant 0 : i32
        %dma_start3A_340 = tpu.memref_slice %arg13[%run_scoped3A_330, %dma_start3A_339] : memref<2x112xi32, #tpu.memory_space<vmem>> -> memref<1x112xi32, #tpu.memory_space<vmem>>
        %dma_start3A_341 = tpu.memref_squeeze %dma_start3A_340 : memref<1x112xi32, #tpu.memory_space<vmem>> -> memref<112xi32, #tpu.memory_space<vmem>>
        %dma_start3A_342 = tpu.memref_slice %arg9[%add3A_251] : memref<50176xi32, #tpu.memory_space<hbm>> -> memref<112xi32, #tpu.memory_space<hbm>>
        %dma_start3A_343 = tpu.memref_slice %arg9[%add3A_251] : memref<50176xi32, #tpu.memory_space<hbm>> -> memref<112xi32, #tpu.memory_space<hbm>>
        %dma_start3A_344 = arith.constant 0 : i32
        %dma_start3A_345 = tpu.memref_slice %arg13[%run_scoped3A_330, %dma_start3A_344] : memref<2x112xi32, #tpu.memory_space<vmem>> -> memref<1x112xi32, #tpu.memory_space<vmem>>
        %dma_start3A_346 = tpu.memref_squeeze %dma_start3A_345 : memref<1x112xi32, #tpu.memory_space<vmem>> -> memref<112xi32, #tpu.memory_space<vmem>>
        tpu.enqueue_dma source(%dma_start3A_346 : memref<112xi32, #tpu.memory_space<vmem>>) target(%dma_start3A_343 : memref<112xi32, #tpu.memory_space<hbm>>) target_semaphore(%run_scoped3A_338 : memref<!tpu.dma_semaphore, #tpu.memory_space<semaphore_mem>>)
        %dma_wait3A_347 = arith.constant 0 : i32
        %dma_wait3A_348 = tpu.memref_slice %arg13[%run_scoped3A_330, %dma_wait3A_347] : memref<2x112xi32, #tpu.memory_space<vmem>> -> memref<1x112xi32, #tpu.memory_space<vmem>>
        %dma_wait3A_349 = tpu.memref_squeeze %dma_wait3A_348 : memref<1x112xi32, #tpu.memory_space<vmem>> -> memref<112xi32, #tpu.memory_space<vmem>>
        %dma_wait3A_350 = tpu.memref_slice %arg9[%add3A_251] : memref<50176xi32, #tpu.memory_space<hbm>> -> memref<112xi32, #tpu.memory_space<hbm>>
        %dma_wait3A_351 = tpu.memref_slice %arg9[%add3A_251] : memref<50176xi32, #tpu.memory_space<hbm>> -> memref<112xi32, #tpu.memory_space<hbm>>
        %dma_wait3A_352 = arith.constant 0 : i32
        %dma_wait3A_353 = tpu.memref_slice %arg13[%run_scoped3A_330, %dma_wait3A_352] : memref<2x112xi32, #tpu.memory_space<vmem>> -> memref<1x112xi32, #tpu.memory_space<vmem>>
        %dma_wait3A_354 = tpu.memref_squeeze %dma_wait3A_353 : memref<1x112xi32, #tpu.memory_space<vmem>> -> memref<112xi32, #tpu.memory_space<vmem>>
        tpu.wait_dma2 semaphore(%run_scoped3A_338 : memref<!tpu.dma_semaphore, #tpu.memory_space<semaphore_mem>>) src(%dma_wait3A_354 : memref<112xi32, #tpu.memory_space<vmem>>) dst(%dma_wait3A_351 : memref<112xi32, #tpu.memory_space<hbm>>)
        tpu.yield
      }) : () -> ()
      %add3A_331 = arith.constant 2 : i32
      %add3A_332 = arith.addi %add3A_246, %add3A_331 : i32
      %lt3A_333 = arith.constant 14 : i32
      %lt3A_334 = arith.cmpi slt, %add3A_332, %lt3A_333 : i32
      %convert_element_type3A_335 = arith.extui %lt3A_334 : i1 to i32
      %cond3A_336 = arith.constant 0 : i32
      %cond3A_337 = arith.cmpi ne, %convert_element_type3A_335, %cond3A_336 : i32
      scf.if %cond3A_337 {
        %dma_wait3A_338 = arith.constant 1 : i32
        %dma_wait3A_339 = arith.constant 1 : i32
        %dma_wait3A_340 = arith.constant 0 : i32
        %dma_wait3A_341 = arith.constant 0 : i32
        %dma_wait3A_342 = tpu.memref_slice %arg14[%dma_wait3A_338, %dma_wait3A_340, %dma_wait3A_341] : memref<2x112x128xf32, #tpu.memory_space<vmem>> -> memref<1x112x128xf32, #tpu.memory_space<vmem>>
        %dma_wait3A_343 = tpu.memref_squeeze %dma_wait3A_342 : memref<1x112x128xf32, #tpu.memory_space<vmem>> -> memref<112x128xf32, #tpu.memory_space<vmem>>
        %dma_wait3A_344 = arith.constant 0 : i32
        %dma_wait3A_345 = tpu.memref_slice %arg13[%dma_wait3A_339, %dma_wait3A_344] : memref<2x112xi32, #tpu.memory_space<vmem>> -> memref<1x112xi32, #tpu.memory_space<vmem>>
        %dma_wait3A_346 = tpu.memref_squeeze %dma_wait3A_345 : memref<1x112xi32, #tpu.memory_space<vmem>> -> memref<112xi32, #tpu.memory_space<vmem>>
        %dma_wait3A_347 = arith.constant 0 : i32
        %dma_wait3A_348 = arith.constant 0 : i32
        %dma_wait3A_349 = tpu.memref_slice %arg7[%dma_wait3A_347, %dma_wait3A_348] : memref<50256x128xf32, #tpu.memory_space<hbm>> -> memref<50256x128xf32, #tpu.memory_space<hbm>>
        tpu.wait_indirect_dma semaphore(%arg19 : memref<!tpu.dma_semaphore, #tpu.memory_space<semaphore_mem>>) src(%dma_wait3A_343 : memref<112x128xf32, #tpu.memory_space<vmem>>) dst(%dma_wait3A_349 : memref<50256x128xf32, #tpu.memory_space<hbm>>)
        %dma_wait3A_350 = arith.constant 1 : i32
        %dma_wait3A_351 = arith.constant 1 : i32
        %dma_wait3A_352 = arith.constant 0 : i32
        %dma_wait3A_353 = arith.constant 0 : i32
        %dma_wait3A_354 = tpu.memref_slice %arg15[%dma_wait3A_350, %dma_wait3A_352, %dma_wait3A_353] : memref<2x112x256xf32, #tpu.memory_space<vmem>> -> memref<1x112x256xf32, #tpu.memory_space<vmem>>
        %dma_wait3A_355 = tpu.memref_squeeze %dma_wait3A_354 : memref<1x112x256xf32, #tpu.memory_space<vmem>> -> memref<112x256xf32, #tpu.memory_space<vmem>>
        %dma_wait3A_356 = arith.constant 0 : i32
        %dma_wait3A_357 = tpu.memref_slice %arg13[%dma_wait3A_351, %dma_wait3A_356] : memref<2x112xi32, #tpu.memory_space<vmem>> -> memref<1x112xi32, #tpu.memory_space<vmem>>
        %dma_wait3A_358 = tpu.memref_squeeze %dma_wait3A_357 : memref<1x112xi32, #tpu.memory_space<vmem>> -> memref<112xi32, #tpu.memory_space<vmem>>
        %dma_wait3A_359 = arith.constant 0 : i32
        %dma_wait3A_360 = arith.constant 0 : i32
        %dma_wait3A_361 = tpu.memref_slice %arg8[%dma_wait3A_359, %dma_wait3A_360] : memref<50256x256xf32, #tpu.memory_space<hbm>> -> memref<50256x256xf32, #tpu.memory_space<hbm>>
        tpu.wait_indirect_dma semaphore(%arg19 : memref<!tpu.dma_semaphore, #tpu.memory_space<semaphore_mem>>) src(%dma_wait3A_355 : memref<112x256xf32, #tpu.memory_space<vmem>>) dst(%dma_wait3A_361 : memref<50256x256xf32, #tpu.memory_space<hbm>>)
        %add3A_362 = arith.constant 2 : i32
        %add3A_363 = arith.addi %add3A_246, %add3A_362 : i32
        %mul3A_364 = arith.constant 1568 : i32
        %mul3A_365 = arith.muli %add3A, %mul3A_364 : i32
        %mul3A_366 = arith.constant 112 : i32
        %mul3A_367 = arith.muli %add3A_363, %mul3A_366 : i32
        %add3A_368 = arith.addi %mul3A_365, %mul3A_367 : i32
        %dma_start3A_369 = arith.constant 1 : i32
        %dma_start3A_370 = arith.constant 0 : i32
        %dma_start3A_371 = tpu.memref_slice %arg11[%dma_start3A_369, %dma_start3A_370] : memref<2x112xi32, #tpu.memory_space<vmem>> -> memref<1x112xi32, #tpu.memory_space<vmem>>
        %dma_start3A_372 = tpu.memref_squeeze %dma_start3A_371 : memref<1x112xi32, #tpu.memory_space<vmem>> -> memref<112xi32, #tpu.memory_space<vmem>>
        %dma_start3A_373 = tpu.memref_slice %arg4[%add3A_368] : memref<50176xi32, #tpu.memory_space<hbm>> -> memref<112xi32, #tpu.memory_space<hbm>>
        %dma_start3A_374 = arith.constant 0 : i32
        %dma_start3A_375 = tpu.memref_slice %arg11[%dma_start3A_369, %dma_start3A_374] : memref<2x112xi32, #tpu.memory_space<vmem>> -> memref<1x112xi32, #tpu.memory_space<vmem>>
        %dma_start3A_376 = tpu.memref_squeeze %dma_start3A_375 : memref<1x112xi32, #tpu.memory_space<vmem>> -> memref<112xi32, #tpu.memory_space<vmem>>
        %dma_start3A_377 = tpu.memref_slice %arg4[%add3A_368] : memref<50176xi32, #tpu.memory_space<hbm>> -> memref<112xi32, #tpu.memory_space<hbm>>
        tpu.enqueue_dma source(%dma_start3A_377 : memref<112xi32, #tpu.memory_space<hbm>>) target(%dma_start3A_376 : memref<112xi32, #tpu.memory_space<vmem>>) target_semaphore(%arg17 : memref<!tpu.dma_semaphore, #tpu.memory_space<semaphore_mem>>)
        %dma_start3A_378 = arith.constant 1 : i32
        %dma_start3A_379 = arith.constant 0 : i32
        %dma_start3A_380 = tpu.memref_slice %arg12[%dma_start3A_378, %dma_start3A_379] : memref<2x112xi32, #tpu.memory_space<vmem>> -> memref<1x112xi32, #tpu.memory_space<vmem>>
        %dma_start3A_381 = tpu.memref_squeeze %dma_start3A_380 : memref<1x112xi32, #tpu.memory_space<vmem>> -> memref<112xi32, #tpu.memory_space<vmem>>
        %dma_start3A_382 = tpu.memref_slice %arg5[%add3A_368] : memref<50176xi32, #tpu.memory_space<hbm>> -> memref<112xi32, #tpu.memory_space<hbm>>
        %dma_start3A_383 = arith.constant 0 : i32
        %dma_start3A_384 = tpu.memref_slice %arg12[%dma_start3A_378, %dma_start3A_383] : memref<2x112xi32, #tpu.memory_space<vmem>> -> memref<1x112xi32, #tpu.memory_space<vmem>>
        %dma_start3A_385 = tpu.memref_squeeze %dma_start3A_384 : memref<1x112xi32, #tpu.memory_space<vmem>> -> memref<112xi32, #tpu.memory_space<vmem>>
        %dma_start3A_386 = tpu.memref_slice %arg5[%add3A_368] : memref<50176xi32, #tpu.memory_space<hbm>> -> memref<112xi32, #tpu.memory_space<hbm>>
        tpu.enqueue_dma source(%dma_start3A_386 : memref<112xi32, #tpu.memory_space<hbm>>) target(%dma_start3A_385 : memref<112xi32, #tpu.memory_space<vmem>>) target_semaphore(%arg17 : memref<!tpu.dma_semaphore, #tpu.memory_space<semaphore_mem>>)
        %dma_start3A_387 = arith.constant 1 : i32
        %dma_start3A_388 = arith.constant 0 : i32
        %dma_start3A_389 = arith.constant 0 : i32
        %dma_start3A_390 = tpu.memref_slice %arg14[%dma_start3A_387, %dma_start3A_388, %dma_start3A_389] : memref<2x112x128xf32, #tpu.memory_space<vmem>> -> memref<1x112x128xf32, #tpu.memory_space<vmem>>
        %dma_start3A_391 = tpu.memref_squeeze %dma_start3A_390 : memref<1x112x128xf32, #tpu.memory_space<vmem>> -> memref<112x128xf32, #tpu.memory_space<vmem>>
        %dma_start3A_392 = arith.constant 0 : i32
        %dma_start3A_393 = tpu.memref_slice %arg2[%add3A_368, %dma_start3A_392] : memref<50176x128xf32, #tpu.memory_space<hbm>> -> memref<112x128xf32, #tpu.memory_space<hbm>>
        %dma_start3A_394 = arith.constant 0 : i32
        %dma_start3A_395 = arith.constant 0 : i32
        %dma_start3A_396 = tpu.memref_slice %arg14[%dma_start3A_387, %dma_start3A_394, %dma_start3A_395] : memref<2x112x128xf32, #tpu.memory_space<vmem>> -> memref<1x112x128xf32, #tpu.memory_space<vmem>>
        %dma_start3A_397 = tpu.memref_squeeze %dma_start3A_396 : memref<1x112x128xf32, #tpu.memory_space<vmem>> -> memref<112x128xf32, #tpu.memory_space<vmem>>
        %dma_start3A_398 = arith.constant 0 : i32
        %dma_start3A_399 = tpu.memref_slice %arg2[%add3A_368, %dma_start3A_398] : memref<50176x128xf32, #tpu.memory_space<hbm>> -> memref<112x128xf32, #tpu.memory_space<hbm>>
        tpu.enqueue_dma source(%dma_start3A_399 : memref<112x128xf32, #tpu.memory_space<hbm>>) target(%dma_start3A_397 : memref<112x128xf32, #tpu.memory_space<vmem>>) target_semaphore(%arg17 : memref<!tpu.dma_semaphore, #tpu.memory_space<semaphore_mem>>)
        %dma_start3A_400 = arith.constant 1 : i32
        %dma_start3A_401 = arith.constant 0 : i32
        %dma_start3A_402 = arith.constant 0 : i32
        %dma_start3A_403 = tpu.memref_slice %arg15[%dma_start3A_400, %dma_start3A_401, %dma_start3A_402] : memref<2x112x256xf32, #tpu.memory_space<vmem>> -> memref<1x112x256xf32, #tpu.memory_space<vmem>>
        %dma_start3A_404 = tpu.memref_squeeze %dma_start3A_403 : memref<1x112x256xf32, #tpu.memory_space<vmem>> -> memref<112x256xf32, #tpu.memory_space<vmem>>
        %dma_start3A_405 = arith.constant 0 : i32
        %dma_start3A_406 = tpu.memref_slice %arg3[%add3A_368, %dma_start3A_405] : memref<50176x256xf32, #tpu.memory_space<hbm>> -> memref<112x256xf32, #tpu.memory_space<hbm>>
        %dma_start3A_407 = arith.constant 0 : i32
        %dma_start3A_408 = arith.constant 0 : i32
        %dma_start3A_409 = tpu.memref_slice %arg15[%dma_start3A_400, %dma_start3A_407, %dma_start3A_408] : memref<2x112x256xf32, #tpu.memory_space<vmem>> -> memref<1x112x256xf32, #tpu.memory_space<vmem>>
        %dma_start3A_410 = tpu.memref_squeeze %dma_start3A_409 : memref<1x112x256xf32, #tpu.memory_space<vmem>> -> memref<112x256xf32, #tpu.memory_space<vmem>>
        %dma_start3A_411 = arith.constant 0 : i32
        %dma_start3A_412 = tpu.memref_slice %arg3[%add3A_368, %dma_start3A_411] : memref<50176x256xf32, #tpu.memory_space<hbm>> -> memref<112x256xf32, #tpu.memory_space<hbm>>
        tpu.enqueue_dma source(%dma_start3A_412 : memref<112x256xf32, #tpu.memory_space<hbm>>) target(%dma_start3A_410 : memref<112x256xf32, #tpu.memory_space<vmem>>) target_semaphore(%arg17 : memref<!tpu.dma_semaphore, #tpu.memory_space<semaphore_mem>>)
      } else {
      }
    }
    %scan3A_99 = arith.constant 7 : i32
    %dma_wait3A = arith.constant 0 : i32
    %dma_wait3A_100 = arith.constant 0 : i32
    %dma_wait3A_101 = arith.constant 0 : i32
    %dma_wait3A_102 = arith.constant 0 : i32
    %dma_wait3A_103 = tpu.memref_slice %arg14[%dma_wait3A, %dma_wait3A_101, %dma_wait3A_102] : memref<2x112x128xf32, #tpu.memory_space<vmem>> -> memref<1x112x128xf32, #tpu.memory_space<vmem>>
    %dma_wait3A_104 = tpu.memref_squeeze %dma_wait3A_103 : memref<1x112x128xf32, #tpu.memory_space<vmem>> -> memref<112x128xf32, #tpu.memory_space<vmem>>
    %dma_wait3A_105 = arith.constant 0 : i32
    %dma_wait3A_106 = tpu.memref_slice %arg13[%dma_wait3A_100, %dma_wait3A_105] : memref<2x112xi32, #tpu.memory_space<vmem>> -> memref<1x112xi32, #tpu.memory_space<vmem>>
    %dma_wait3A_107 = tpu.memref_squeeze %dma_wait3A_106 : memref<1x112xi32, #tpu.memory_space<vmem>> -> memref<112xi32, #tpu.memory_space<vmem>>
    %dma_wait3A_108 = arith.constant 0 : i32
    %dma_wait3A_109 = arith.constant 0 : i32
    %dma_wait3A_110 = tpu.memref_slice %arg7[%dma_wait3A_108, %dma_wait3A_109] : memref<50256x128xf32, #tpu.memory_space<hbm>> -> memref<50256x128xf32, #tpu.memory_space<hbm>>
    tpu.wait_indirect_dma semaphore(%arg18 : memref<!tpu.dma_semaphore, #tpu.memory_space<semaphore_mem>>) src(%dma_wait3A_104 : memref<112x128xf32, #tpu.memory_space<vmem>>) dst(%dma_wait3A_110 : memref<50256x128xf32, #tpu.memory_space<hbm>>)
    %dma_wait3A_111 = arith.constant 0 : i32
    %dma_wait3A_112 = arith.constant 0 : i32
    %dma_wait3A_113 = arith.constant 0 : i32
    %dma_wait3A_114 = arith.constant 0 : i32
    %dma_wait3A_115 = tpu.memref_slice %arg15[%dma_wait3A_111, %dma_wait3A_113, %dma_wait3A_114] : memref<2x112x256xf32, #tpu.memory_space<vmem>> -> memref<1x112x256xf32, #tpu.memory_space<vmem>>
    %dma_wait3A_116 = tpu.memref_squeeze %dma_wait3A_115 : memref<1x112x256xf32, #tpu.memory_space<vmem>> -> memref<112x256xf32, #tpu.memory_space<vmem>>
    %dma_wait3A_117 = arith.constant 0 : i32
    %dma_wait3A_118 = tpu.memref_slice %arg13[%dma_wait3A_112, %dma_wait3A_117] : memref<2x112xi32, #tpu.memory_space<vmem>> -> memref<1x112xi32, #tpu.memory_space<vmem>>
    %dma_wait3A_119 = tpu.memref_squeeze %dma_wait3A_118 : memref<1x112xi32, #tpu.memory_space<vmem>> -> memref<112xi32, #tpu.memory_space<vmem>>
    %dma_wait3A_120 = arith.constant 0 : i32
    %dma_wait3A_121 = arith.constant 0 : i32
    %dma_wait3A_122 = tpu.memref_slice %arg8[%dma_wait3A_120, %dma_wait3A_121] : memref<50256x256xf32, #tpu.memory_space<hbm>> -> memref<50256x256xf32, #tpu.memory_space<hbm>>
    tpu.wait_indirect_dma semaphore(%arg18 : memref<!tpu.dma_semaphore, #tpu.memory_space<semaphore_mem>>) src(%dma_wait3A_116 : memref<112x256xf32, #tpu.memory_space<vmem>>) dst(%dma_wait3A_122 : memref<50256x256xf32, #tpu.memory_space<hbm>>)
    %dma_wait3A_123 = arith.constant 1 : i32
    %dma_wait3A_124 = arith.constant 1 : i32
    %dma_wait3A_125 = arith.constant 0 : i32
    %dma_wait3A_126 = arith.constant 0 : i32
    %dma_wait3A_127 = tpu.memref_slice %arg14[%dma_wait3A_123, %dma_wait3A_125, %dma_wait3A_126] : memref<2x112x128xf32, #tpu.memory_space<vmem>> -> memref<1x112x128xf32, #tpu.memory_space<vmem>>
    %dma_wait3A_128 = tpu.memref_squeeze %dma_wait3A_127 : memref<1x112x128xf32, #tpu.memory_space<vmem>> -> memref<112x128xf32, #tpu.memory_space<vmem>>
    %dma_wait3A_129 = arith.constant 0 : i32
    %dma_wait3A_130 = tpu.memref_slice %arg13[%dma_wait3A_124, %dma_wait3A_129] : memref<2x112xi32, #tpu.memory_space<vmem>> -> memref<1x112xi32, #tpu.memory_space<vmem>>
    %dma_wait3A_131 = tpu.memref_squeeze %dma_wait3A_130 : memref<1x112xi32, #tpu.memory_space<vmem>> -> memref<112xi32, #tpu.memory_space<vmem>>
    %dma_wait3A_132 = arith.constant 0 : i32
    %dma_wait3A_133 = arith.constant 0 : i32
    %dma_wait3A_134 = tpu.memref_slice %arg7[%dma_wait3A_132, %dma_wait3A_133] : memref<50256x128xf32, #tpu.memory_space<hbm>> -> memref<50256x128xf32, #tpu.memory_space<hbm>>
    tpu.wait_indirect_dma semaphore(%arg19 : memref<!tpu.dma_semaphore, #tpu.memory_space<semaphore_mem>>) src(%dma_wait3A_128 : memref<112x128xf32, #tpu.memory_space<vmem>>) dst(%dma_wait3A_134 : memref<50256x128xf32, #tpu.memory_space<hbm>>)
    %dma_wait3A_135 = arith.constant 1 : i32
    %dma_wait3A_136 = arith.constant 1 : i32
    %dma_wait3A_137 = arith.constant 0 : i32
    %dma_wait3A_138 = arith.constant 0 : i32
    %dma_wait3A_139 = tpu.memref_slice %arg15[%dma_wait3A_135, %dma_wait3A_137, %dma_wait3A_138] : memref<2x112x256xf32, #tpu.memory_space<vmem>> -> memref<1x112x256xf32, #tpu.memory_space<vmem>>
    %dma_wait3A_140 = tpu.memref_squeeze %dma_wait3A_139 : memref<1x112x256xf32, #tpu.memory_space<vmem>> -> memref<112x256xf32, #tpu.memory_space<vmem>>
    %dma_wait3A_141 = arith.constant 0 : i32
    %dma_wait3A_142 = tpu.memref_slice %arg13[%dma_wait3A_136, %dma_wait3A_141] : memref<2x112xi32, #tpu.memory_space<vmem>> -> memref<1x112xi32, #tpu.memory_space<vmem>>
    %dma_wait3A_143 = tpu.memref_squeeze %dma_wait3A_142 : memref<1x112xi32, #tpu.memory_space<vmem>> -> memref<112xi32, #tpu.memory_space<vmem>>
    %dma_wait3A_144 = arith.constant 0 : i32
    %dma_wait3A_145 = arith.constant 0 : i32
    %dma_wait3A_146 = tpu.memref_slice %arg8[%dma_wait3A_144, %dma_wait3A_145] : memref<50256x256xf32, #tpu.memory_space<hbm>> -> memref<50256x256xf32, #tpu.memory_space<hbm>>
    tpu.wait_indirect_dma semaphore(%arg19 : memref<!tpu.dma_semaphore, #tpu.memory_space<semaphore_mem>>) src(%dma_wait3A_140 : memref<112x256xf32, #tpu.memory_space<vmem>>) dst(%dma_wait3A_146 : memref<50256x256xf32, #tpu.memory_space<hbm>>)
    return
  }
}

module attributes {stable_mosaic.version = 14 : i64} {
  func.func @_padcopy_body(%arg0: i32, %arg1: memref<16x128xf32, #tpu.memory_space<vmem>>, %arg2: memref<16x256xf32, #tpu.memory_space<vmem>>, %arg3: memref<16x128xf32, #tpu.memory_space<vmem>>, %arg4: memref<16x256xf32, #tpu.memory_space<vmem>>) attributes {dimension_semantics = [#tpu.dimension_semantics<arbitrary>], iteration_bounds = array<i64: 5>, scalar_prefetch = 0 : i64, scratch_operands = 0 : i64, tpu.core_type = #tpu.core_type<tc>, window_params = [{transform_indices = @transform_0, window_bounds = array<i64: 16, 128>}, {transform_indices = @transform_1, window_bounds = array<i64: 16, 256>}, {transform_indices = @transform_2, window_bounds = array<i64: 16, 128>}, {transform_indices = @transform_3, window_bounds = array<i64: 16, 256>}]} {
    %get3A = arith.constant 0 : index
    %get3A_0 = arith.constant 0 : index
    %get3A_1 = vector.load %arg1[%get3A, %get3A_0] : memref<16x128xf32, #tpu.memory_space<vmem>>, vector<16x128xf32>
    %swap3A = arith.constant 0 : index
    %swap3A_2 = arith.constant 0 : index
    %swap3A_3 = vector.load %arg3[%swap3A, %swap3A_2] : memref<16x128xf32, #tpu.memory_space<vmem>>, vector<16x128xf32>
    tpu.vector_store %arg3[%swap3A, %swap3A_2], %get3A_1 {strides = array<i32>} : memref<16x128xf32, #tpu.memory_space<vmem>>, vector<16x128xf32>,
    %get3A_4 = arith.constant 0 : index
    %get3A_5 = arith.constant 0 : index
    %get3A_6 = vector.load %arg2[%get3A_4, %get3A_5] : memref<16x256xf32, #tpu.memory_space<vmem>>, vector<16x256xf32>
    %swap3A_7 = arith.constant 0 : index
    %swap3A_8 = arith.constant 0 : index
    %swap3A_9 = vector.load %arg4[%swap3A_7, %swap3A_8] : memref<16x256xf32, #tpu.memory_space<vmem>>, vector<16x256xf32>
    tpu.vector_store %arg4[%swap3A_7, %swap3A_8], %get3A_6 {strides = array<i32>} : memref<16x256xf32, #tpu.memory_space<vmem>>, vector<16x256xf32>,
    return
  }
  func.func @transform_0(%arg0: i32) -> (i32, i32) {
    %add3A = arith.constant 3131 : i32
    %add3A_0 = arith.addi %add3A, %arg0 : i32
    %c0_i32 = arith.constant 0 : i32
    %c0_i32_1 = arith.constant 0 : i32
    return %add3A_0, %c0_i32 : i32, i32
  }
  func.func @transform_1(%arg0: i32) -> (i32, i32) {
    %add3A = arith.constant 3131 : i32
    %add3A_0 = arith.addi %add3A, %arg0 : i32
    %c0_i32 = arith.constant 0 : i32
    %c0_i32_1 = arith.constant 0 : i32
    return %add3A_0, %c0_i32 : i32, i32
  }
  func.func @transform_2(%arg0: i32) -> (i32, i32) {
    %add3A = arith.constant 3136 : i32
    %add3A_0 = arith.addi %add3A, %arg0 : i32
    %c0_i32 = arith.constant 0 : i32
    %c0_i32_1 = arith.constant 0 : i32
    return %add3A_0, %c0_i32 : i32, i32
  }
  func.func @transform_3(%arg0: i32) -> (i32, i32) {
    %add3A = arith.constant 3136 : i32
    %add3A_0 = arith.addi %add3A, %arg0 : i32
    %c0_i32 = arith.constant 0 : i32
    %c0_i32_1 = arith.constant 0 : i32
    return %add3A_0, %c0_i32 : i32, i32
  }
}

module attributes {stable_mosaic.version = 14 : i64} {
  func.func @_p4_body(%arg0: i32, %arg1: memref<512x256xf32, #tpu.memory_space<vmem>>, %arg2: memref<256x512xf32, #tpu.memory_space<vmem>>, %arg3: memref<256x512xf32, #tpu.memory_space<vmem>>) attributes {dimension_semantics = [#tpu.dimension_semantics<arbitrary>], iteration_bounds = array<i64: 98>, scalar_prefetch = 0 : i64, scratch_operands = 0 : i64, tpu.core_type = #tpu.core_type<tc>, window_params = [{transform_indices = @transform_0, window_bounds = array<i64: 512, 256>}, {transform_indices = @transform_1, window_bounds = array<i64: 256, 512>}, {transform_indices = @transform_2, window_bounds = array<i64: 256, 512>}]} {
    %get3A = arith.constant 0 : index
    %get3A_0 = arith.constant 0 : index
    %get3A_1 = vector.load %arg1[%get3A, %get3A_0] : memref<512x256xf32, #tpu.memory_space<vmem>>, vector<512x256xf32>
    %transpose3A = tpu.transpose %get3A_1, [1, 0] : vector<512x256xf32> -> vector<256x512xf32>
    %mul3A = arith.constant 1.000000e-01 : f32
    %mul3A_2 = vector.broadcast %mul3A : f32 to vector<256x512xf32>
    %mul3A_3 = arith.mulf %transpose3A, %mul3A_2 : vector<256x512xf32>
    %get3A_4 = arith.constant 0 : index
    %get3A_5 = arith.constant 0 : index
    %get3A_6 = vector.load %arg2[%get3A_4, %get3A_5] : memref<256x512xf32, #tpu.memory_space<vmem>>, vector<256x512xf32>
    %add3A = arith.addf %mul3A_3, %get3A_6 : vector<256x512xf32>
    %swap3A = arith.constant 0 : index
    %swap3A_7 = arith.constant 0 : index
    %swap3A_8 = vector.load %arg3[%swap3A, %swap3A_7] : memref<256x512xf32, #tpu.memory_space<vmem>>, vector<256x512xf32>
    tpu.vector_store %arg3[%swap3A, %swap3A_7], %add3A {strides = array<i32>} : memref<256x512xf32, #tpu.memory_space<vmem>>, vector<256x512xf32>,
    return
  }
  func.func @transform_0(%arg0: i32) -> (i32, i32) {
    %c0_i32 = arith.constant 0 : i32
    %c0_i32_0 = arith.constant 0 : i32
    return %arg0, %c0_i32 : i32, i32
  }
  func.func @transform_1(%arg0: i32) -> (i32, i32) {
    %c0_i32 = arith.constant 0 : i32
    %c0_i32_0 = arith.constant 0 : i32
    return %c0_i32, %arg0 : i32, i32
  }
  func.func @transform_2(%arg0: i32) -> (i32, i32) {
    %c0_i32 = arith.constant 0 : i32
    %c0_i32_0 = arith.constant 0 : i32
    return %c0_i32, %arg0 : i32, i32
  }
}

module attributes {stable_mosaic.version = 14 : i64} {
  func.func @_p1_body(%arg0: i32, %arg1: memref<256x1792xf32, #tpu.memory_space<vmem>>, %arg2: memref<256x1792xf32, #tpu.memory_space<vmem>>, %arg3: memref<256x1792xf32, #tpu.memory_space<vmem>>, %arg4: memref<9x64x256xf32, #tpu.memory_space<vmem>>, %arg5: memref<256x256xf32, #tpu.memory_space<vmem>>, %arg6: memref<1x64xf32, #tpu.memory_space<vmem>>, %arg7: memref<1x256xf32, #tpu.memory_space<vmem>>, %arg8: memref<128x64xf32, #tpu.memory_space<vmem>>, %arg9: memref<1792x128xf32, #tpu.memory_space<vmem>>, %arg10: memref<1792x256xf32, #tpu.memory_space<vmem>>, %arg11: memref<1x1x1792xi32, #tpu.memory_space<vmem>>, %arg12: memref<1x1x1792xi32, #tpu.memory_space<vmem>>, %arg13: memref<1x128xi32, #tpu.memory_space<vmem>>, %arg14: memref<128x1xf32, #tpu.memory_space<vmem>>) attributes {dimension_semantics = [#tpu.dimension_semantics<arbitrary>], iteration_bounds = array<i64: 28>, scalar_prefetch = 0 : i64, scratch_operands = 1 : i64, tpu.core_type = #tpu.core_type<tc>, window_params = [{transform_indices = @transform_0, window_bounds = array<i64: 256, 1792>}, {transform_indices = @transform_1, window_bounds = array<i64: 256, 1792>}, {transform_indices = @transform_2, window_bounds = array<i64: 256, 1792>}, {pipeline_mode = #tpu.pipeline_mode<synchronous>, transform_indices = @transform_3, window_bounds = array<i64: 9, 64, 256>}, {pipeline_mode = #tpu.pipeline_mode<synchronous>, transform_indices = @transform_4, window_bounds = array<i64: 256, 256>}, {pipeline_mode = #tpu.pipeline_mode<synchronous>, transform_indices = @transform_5, window_bounds = array<i64: 1, 64>}, {pipeline_mode = #tpu.pipeline_mode<synchronous>, transform_indices = @transform_6, window_bounds = array<i64: 1, 256>}, {pipeline_mode = #tpu.pipeline_mode<synchronous>, transform_indices = @transform_7, window_bounds = array<i64: 128, 64>}, {transform_indices = @transform_8, window_bounds = array<i64: 1792, 128>}, {transform_indices = @transform_9, window_bounds = array<i64: 1792, 256>}, {transform_indices = @transform_10, window_bounds = array<i64: 1, 1, 1792>}, {transform_indices = @transform_11, window_bounds = array<i64: 1, 1, 1792>}, {pipeline_mode = #tpu.pipeline_mode<synchronous>, transform_indices = @transform_12, window_bounds = array<i64: 1, 128>}]} {
    %eq3A = arith.constant 0 : i32
    %eq3A_0 = arith.cmpi eq, %arg0, %eq3A : i32
    %convert_element_type3A = arith.extui %eq3A_0 : i1 to i32
    %cond3A = arith.constant 0 : i32
    %cond3A_1 = arith.cmpi ne, %convert_element_type3A, %cond3A : i32
    scf.if %cond3A_1 {
      %broadcast_in_dim3A_565 = arith.constant 0.000000e+00 : f32
      %broadcast_in_dim3A_566 = vector.broadcast %broadcast_in_dim3A_565 : f32 to vector<128x1xf32>
      %swap3A_567 = arith.constant 0 : index
      %swap3A_568 = arith.constant 0 : index
      %swap3A_569 = vector.load %arg14[%swap3A_567, %swap3A_568] : memref<128x1xf32, #tpu.memory_space<vmem>>, vector<128x1xf32>
      tpu.vector_store %arg14[%swap3A_567, %swap3A_568], %broadcast_in_dim3A_566 {strides = array<i32>} : memref<128x1xf32, #tpu.memory_space<vmem>>, vector<128x1xf32>,
    } else {
    }
    %get3A = arith.constant 0 : index
    %get3A_2 = arith.constant 0 : index
    %get3A_3 = vector.load %arg2[%get3A, %get3A_2] : memref<256x1792xf32, #tpu.memory_space<vmem>>, vector<256x1792xf32>
    %eq3A_4 = arith.constant 0 : i32
    %eq3A_5 = arith.cmpi eq, %arg0, %eq3A_4 : i32
    %jit3A = arith.constant 0.000000e+00 : f32
    %jit3A_6 = arith.constant 1.000000e+00 : f32
    %select_n3A = arith.select %eq3A_5, %jit3A, %jit3A_6 : f32
    %eq3A_7 = arith.constant 27 : i32
    %eq3A_8 = arith.cmpi eq, %arg0, %eq3A_7 : i32
    %jit3A_9 = arith.constant 0.000000e+00 : f32
    %jit3A_10 = arith.constant 1.000000e+00 : f32
    %select_n3A_11 = arith.select %eq3A_8, %jit3A_9, %jit3A_10 : f32
    %get3A_12 = arith.constant 0 : index
    %get3A_13 = arith.constant 1536 : index
    %get3A_14 = vector.load %arg1[%get3A_12, %get3A_13] : memref<256x1792xf32, #tpu.memory_space<vmem>>, vector<256x256xf32>
    %mul3A = vector.broadcast %select_n3A : f32 to vector<256x256xf32>
    %mul3A_15 = arith.mulf %get3A_14, %mul3A : vector<256x256xf32>
    %get3A_16 = arith.constant 0 : index
    %get3A_17 = arith.constant 0 : index
    %get3A_18 = vector.load %arg3[%get3A_16, %get3A_17] : memref<256x1792xf32, #tpu.memory_space<vmem>>, vector<256x256xf32>
    %mul3A_19 = vector.broadcast %select_n3A_11 : f32 to vector<256x256xf32>
    %mul3A_20 = arith.mulf %get3A_18, %mul3A_19 : vector<256x256xf32>
    %concatenate3A = tpu.concatenate %mul3A_15, %get3A_3, %mul3A_20 in 1 : vector<256x256xf32>, vector<256x1792xf32>, vector<256x256xf32> -> vector<256x2304xf32>
    %iota3A = tpu.iota {dimensions = array<i32: 1>} : vector<1x1792xi32>
    %jit3A_21 = arith.constant 224 : i32
    %eq3A_22 = arith.constant 0 : i32
    %eq3A_23 = arith.cmpi eq, %jit3A_21, %eq3A_22 : i32
    %jit3A_24 = arith.constant 1 : i32
    %select_n3A_25 = arith.select %eq3A_23, %jit3A_24, %jit3A_21 : i32
    %rem3A = vector.broadcast %select_n3A_25 : i32 to vector<1x1792xi32>
    %rem3A_26 = arith.remsi %iota3A, %rem3A : vector<1x1792xi32>
    %ne3A = arith.constant 0 : i32
    %ne3A_27 = vector.broadcast %ne3A : i32 to vector<1x1792xi32>
    %ne3A_28 = arith.cmpi ne, %rem3A_26, %ne3A_27 : vector<1x1792xi32>
    %lt3A = arith.constant 0 : i32
    %lt3A_29 = vector.broadcast %lt3A : i32 to vector<1x1792xi32>
    %lt3A_30 = arith.cmpi slt, %rem3A_26, %lt3A_29 : vector<1x1792xi32>
    %lt3A_31 = arith.constant 0 : i32
    %lt3A_32 = arith.cmpi slt, %select_n3A_25, %lt3A_31 : i32
    %ne3A_33 = vector.broadcast %lt3A_32 : i1 to vector<1x1792xi1>
    %ne3A_34 = vector.broadcast %ne3A_33 : vector<1x1792xi1> to vector<1x1792xi1>
    %ne3A_35 = arith.xori %lt3A_30, %ne3A_34 : vector<1x1792xi1>
    %and3A = arith.andi %ne3A_35, %ne3A_28 : vector<1x1792xi1>
    %add3A = vector.broadcast %select_n3A_25 : i32 to vector<1x1792xi32>
    %add3A_36 = arith.addi %rem3A_26, %add3A : vector<1x1792xi32>
    %select_n3A_37 = arith.select %and3A, %add3A_36, %rem3A_26 : vector<1x1792xi1>, vector<1x1792xi32>
    %ne3A_38 = arith.constant 0 : i32
    %ne3A_39 = vector.broadcast %ne3A_38 : i32 to vector<1x1792xi32>
    %ne3A_40 = arith.cmpi ne, %select_n3A_37, %ne3A_39 : vector<1x1792xi32>
    %convert_element_type3A_41 = arith.extui %ne3A_40 : vector<1x1792xi1> to vector<1x1792xi32>
    %convert_element_type3A_42 = arith.sitofp %convert_element_type3A_41 : vector<1x1792xi32> to vector<1x1792xf32>
    %ne3A_43 = arith.constant 223 : i32
    %ne3A_44 = vector.broadcast %ne3A_43 : i32 to vector<1x1792xi32>
    %ne3A_45 = arith.cmpi ne, %select_n3A_37, %ne3A_44 : vector<1x1792xi32>
    %convert_element_type3A_46 = arith.extui %ne3A_45 : vector<1x1792xi1> to vector<1x1792xi32>
    %convert_element_type3A_47 = arith.sitofp %convert_element_type3A_46 : vector<1x1792xi32> to vector<1x1792xf32>
    %convert_element_type3A_48 = arith.truncf %concatenate3A : vector<256x2304xf32> to vector<256x2304xbf16>
    %convert_element_type3A_49 = arith.extf %convert_element_type3A_48 : vector<256x2304xbf16> to vector<256x2304xf32>
    %sub3A = arith.subf %concatenate3A, %convert_element_type3A_49 : vector<256x2304xf32>
    %convert_element_type3A_50 = arith.truncf %sub3A : vector<256x2304xf32> to vector<256x2304xbf16>
    %broadcast_in_dim3A = arith.constant 0.000000e+00 : f32
    %broadcast_in_dim3A_51 = vector.broadcast %broadcast_in_dim3A : f32 to vector<64x1792xf32>
    %get3A_52 = arith.constant 0 : index
    %get3A_53 = arith.constant 0 : index
    %get3A_54 = arith.constant 0 : index
    %get3A_55 = vector.load %arg4[%get3A_52, %get3A_53, %get3A_54] : memref<9x64x256xf32, #tpu.memory_space<vmem>>, vector<1x64x256xf32>
    %get3A_56 = vector.shape_cast %get3A_55 : vector<1x64x256xf32> to vector<64x256xf32>
    %convert_element_type3A_57 = arith.truncf %get3A_56 : vector<64x256xf32> to vector<64x256xbf16>
    %convert_element_type3A_58 = arith.extf %convert_element_type3A_57 : vector<64x256xbf16> to vector<64x256xf32>
    %sub3A_59 = arith.subf %get3A_56, %convert_element_type3A_58 : vector<64x256xf32>
    %convert_element_type3A_60 = arith.truncf %sub3A_59 : vector<64x256xf32> to vector<64x256xbf16>
    %slice3A = vector.extract_strided_slice %convert_element_type3A_48 {offsets = [0, 31], sizes = [256, 1792], strides = [1, 1]} : vector<256x2304xbf16> to vector<256x1792xbf16>
    %slice3A_61 = vector.extract_strided_slice %convert_element_type3A_50 {offsets = [0, 31], sizes = [256, 1792], strides = [1, 1]} : vector<256x2304xbf16> to vector<256x1792xbf16>
    %dot_general3A = arith.constant dense<0.000000e+00> : vector<64x1792xf32>
    %dot_general3A_62 = tpu.matmul %convert_element_type3A_57, %slice3A, %dot_general3A {dimension_numbers = #tpu.dot_dimension_numbers<[1], [0], [0], [1], [0, 0, 1, 1], [], []>, transpose_lhs_hint = false} : vector<64x256xbf16>, vector<256x1792xbf16>, vector<64x1792xf32> -> vector<64x1792xf32>
    %dot_general3A_63 = arith.constant dense<0.000000e+00> : vector<64x1792xf32>
    %dot_general3A_64 = tpu.matmul %convert_element_type3A_57, %slice3A_61, %dot_general3A_63 {dimension_numbers = #tpu.dot_dimension_numbers<[1], [0], [0], [1], [0, 0, 1, 1], [], []>, transpose_lhs_hint = false} : vector<64x256xbf16>, vector<256x1792xbf16>, vector<64x1792xf32> -> vector<64x1792xf32>
    %add3A_65 = arith.addf %dot_general3A_62, %dot_general3A_64 : vector<64x1792xf32>
    %dot_general3A_66 = arith.constant dense<0.000000e+00> : vector<64x1792xf32>
    %dot_general3A_67 = tpu.matmul %convert_element_type3A_60, %slice3A, %dot_general3A_66 {dimension_numbers = #tpu.dot_dimension_numbers<[1], [0], [0], [1], [0, 0, 1, 1], [], []>, transpose_lhs_hint = false} : vector<64x256xbf16>, vector<256x1792xbf16>, vector<64x1792xf32> -> vector<64x1792xf32>
    %add3A_68 = arith.addf %add3A_65, %dot_general3A_67 : vector<64x1792xf32>
    %add3A_69 = arith.addf %broadcast_in_dim3A_51, %add3A_68 : vector<64x1792xf32>
    %get3A_70 = arith.constant 3 : index
    %get3A_71 = arith.constant 0 : index
    %get3A_72 = arith.constant 0 : index
    %get3A_73 = vector.load %arg4[%get3A_70, %get3A_71, %get3A_72] : memref<9x64x256xf32, #tpu.memory_space<vmem>>, vector<1x64x256xf32>
    %get3A_74 = vector.shape_cast %get3A_73 : vector<1x64x256xf32> to vector<64x256xf32>
    %convert_element_type3A_75 = arith.truncf %get3A_74 : vector<64x256xf32> to vector<64x256xbf16>
    %convert_element_type3A_76 = arith.extf %convert_element_type3A_75 : vector<64x256xbf16> to vector<64x256xf32>
    %sub3A_77 = arith.subf %get3A_74, %convert_element_type3A_76 : vector<64x256xf32>
    %convert_element_type3A_78 = arith.truncf %sub3A_77 : vector<64x256xf32> to vector<64x256xbf16>
    %slice3A_79 = vector.extract_strided_slice %convert_element_type3A_48 {offsets = [0, 255], sizes = [256, 1792], strides = [1, 1]} : vector<256x2304xbf16> to vector<256x1792xbf16>
    %slice3A_80 = vector.extract_strided_slice %convert_element_type3A_50 {offsets = [0, 255], sizes = [256, 1792], strides = [1, 1]} : vector<256x2304xbf16> to vector<256x1792xbf16>
    %dot_general3A_81 = arith.constant dense<0.000000e+00> : vector<64x1792xf32>
    %dot_general3A_82 = tpu.matmul %convert_element_type3A_75, %slice3A_79, %dot_general3A_81 {dimension_numbers = #tpu.dot_dimension_numbers<[1], [0], [0], [1], [0, 0, 1, 1], [], []>, transpose_lhs_hint = false} : vector<64x256xbf16>, vector<256x1792xbf16>, vector<64x1792xf32> -> vector<64x1792xf32>
    %dot_general3A_83 = arith.constant dense<0.000000e+00> : vector<64x1792xf32>
    %dot_general3A_84 = tpu.matmul %convert_element_type3A_75, %slice3A_80, %dot_general3A_83 {dimension_numbers = #tpu.dot_dimension_numbers<[1], [0], [0], [1], [0, 0, 1, 1], [], []>, transpose_lhs_hint = false} : vector<64x256xbf16>, vector<256x1792xbf16>, vector<64x1792xf32> -> vector<64x1792xf32>
    %add3A_85 = arith.addf %dot_general3A_82, %dot_general3A_84 : vector<64x1792xf32>
    %dot_general3A_86 = arith.constant dense<0.000000e+00> : vector<64x1792xf32>
    %dot_general3A_87 = tpu.matmul %convert_element_type3A_78, %slice3A_79, %dot_general3A_86 {dimension_numbers = #tpu.dot_dimension_numbers<[1], [0], [0], [1], [0, 0, 1, 1], [], []>, transpose_lhs_hint = false} : vector<64x256xbf16>, vector<256x1792xbf16>, vector<64x1792xf32> -> vector<64x1792xf32>
    %add3A_88 = arith.addf %add3A_85, %dot_general3A_87 : vector<64x1792xf32>
    %add3A_89 = arith.addf %add3A_69, %add3A_88 : vector<64x1792xf32>
    %get3A_90 = arith.constant 6 : index
    %get3A_91 = arith.constant 0 : index
    %get3A_92 = arith.constant 0 : index
    %get3A_93 = vector.load %arg4[%get3A_90, %get3A_91, %get3A_92] : memref<9x64x256xf32, #tpu.memory_space<vmem>>, vector<1x64x256xf32>
    %get3A_94 = vector.shape_cast %get3A_93 : vector<1x64x256xf32> to vector<64x256xf32>
    %convert_element_type3A_95 = arith.truncf %get3A_94 : vector<64x256xf32> to vector<64x256xbf16>
    %convert_element_type3A_96 = arith.extf %convert_element_type3A_95 : vector<64x256xbf16> to vector<64x256xf32>
    %sub3A_97 = arith.subf %get3A_94, %convert_element_type3A_96 : vector<64x256xf32>
    %convert_element_type3A_98 = arith.truncf %sub3A_97 : vector<64x256xf32> to vector<64x256xbf16>
    %slice3A_99 = vector.extract_strided_slice %convert_element_type3A_48 {offsets = [0, 479], sizes = [256, 1792], strides = [1, 1]} : vector<256x2304xbf16> to vector<256x1792xbf16>
    %slice3A_100 = vector.extract_strided_slice %convert_element_type3A_50 {offsets = [0, 479], sizes = [256, 1792], strides = [1, 1]} : vector<256x2304xbf16> to vector<256x1792xbf16>
    %dot_general3A_101 = arith.constant dense<0.000000e+00> : vector<64x1792xf32>
    %dot_general3A_102 = tpu.matmul %convert_element_type3A_95, %slice3A_99, %dot_general3A_101 {dimension_numbers = #tpu.dot_dimension_numbers<[1], [0], [0], [1], [0, 0, 1, 1], [], []>, transpose_lhs_hint = false} : vector<64x256xbf16>, vector<256x1792xbf16>, vector<64x1792xf32> -> vector<64x1792xf32>
    %dot_general3A_103 = arith.constant dense<0.000000e+00> : vector<64x1792xf32>
    %dot_general3A_104 = tpu.matmul %convert_element_type3A_95, %slice3A_100, %dot_general3A_103 {dimension_numbers = #tpu.dot_dimension_numbers<[1], [0], [0], [1], [0, 0, 1, 1], [], []>, transpose_lhs_hint = false} : vector<64x256xbf16>, vector<256x1792xbf16>, vector<64x1792xf32> -> vector<64x1792xf32>
    %add3A_105 = arith.addf %dot_general3A_102, %dot_general3A_104 : vector<64x1792xf32>
    %dot_general3A_106 = arith.constant dense<0.000000e+00> : vector<64x1792xf32>
    %dot_general3A_107 = tpu.matmul %convert_element_type3A_98, %slice3A_99, %dot_general3A_106 {dimension_numbers = #tpu.dot_dimension_numbers<[1], [0], [0], [1], [0, 0, 1, 1], [], []>, transpose_lhs_hint = false} : vector<64x256xbf16>, vector<256x1792xbf16>, vector<64x1792xf32> -> vector<64x1792xf32>
    %add3A_108 = arith.addf %add3A_105, %dot_general3A_107 : vector<64x1792xf32>
    %add3A_109 = arith.addf %add3A_89, %add3A_108 : vector<64x1792xf32>
    %broadcast_in_dim3A_110 = arith.constant 0.000000e+00 : f32
    %broadcast_in_dim3A_111 = vector.broadcast %broadcast_in_dim3A_110 : f32 to vector<64x1792xf32>
    %get3A_112 = arith.constant 1 : index
    %get3A_113 = arith.constant 0 : index
    %get3A_114 = arith.constant 0 : index
    %get3A_115 = vector.load %arg4[%get3A_112, %get3A_113, %get3A_114] : memref<9x64x256xf32, #tpu.memory_space<vmem>>, vector<1x64x256xf32>
    %get3A_116 = vector.shape_cast %get3A_115 : vector<1x64x256xf32> to vector<64x256xf32>
    %convert_element_type3A_117 = arith.truncf %get3A_116 : vector<64x256xf32> to vector<64x256xbf16>
    %convert_element_type3A_118 = arith.extf %convert_element_type3A_117 : vector<64x256xbf16> to vector<64x256xf32>
    %sub3A_119 = arith.subf %get3A_116, %convert_element_type3A_118 : vector<64x256xf32>
    %convert_element_type3A_120 = arith.truncf %sub3A_119 : vector<64x256xf32> to vector<64x256xbf16>
    %slice3A_121 = vector.extract_strided_slice %convert_element_type3A_48 {offsets = [0, 32], sizes = [256, 1792], strides = [1, 1]} : vector<256x2304xbf16> to vector<256x1792xbf16>
    %slice3A_122 = vector.extract_strided_slice %convert_element_type3A_50 {offsets = [0, 32], sizes = [256, 1792], strides = [1, 1]} : vector<256x2304xbf16> to vector<256x1792xbf16>
    %dot_general3A_123 = arith.constant dense<0.000000e+00> : vector<64x1792xf32>
    %dot_general3A_124 = tpu.matmul %convert_element_type3A_117, %slice3A_121, %dot_general3A_123 {dimension_numbers = #tpu.dot_dimension_numbers<[1], [0], [0], [1], [0, 0, 1, 1], [], []>, transpose_lhs_hint = false} : vector<64x256xbf16>, vector<256x1792xbf16>, vector<64x1792xf32> -> vector<64x1792xf32>
    %dot_general3A_125 = arith.constant dense<0.000000e+00> : vector<64x1792xf32>
    %dot_general3A_126 = tpu.matmul %convert_element_type3A_117, %slice3A_122, %dot_general3A_125 {dimension_numbers = #tpu.dot_dimension_numbers<[1], [0], [0], [1], [0, 0, 1, 1], [], []>, transpose_lhs_hint = false} : vector<64x256xbf16>, vector<256x1792xbf16>, vector<64x1792xf32> -> vector<64x1792xf32>
    %add3A_127 = arith.addf %dot_general3A_124, %dot_general3A_126 : vector<64x1792xf32>
    %dot_general3A_128 = arith.constant dense<0.000000e+00> : vector<64x1792xf32>
    %dot_general3A_129 = tpu.matmul %convert_element_type3A_120, %slice3A_121, %dot_general3A_128 {dimension_numbers = #tpu.dot_dimension_numbers<[1], [0], [0], [1], [0, 0, 1, 1], [], []>, transpose_lhs_hint = false} : vector<64x256xbf16>, vector<256x1792xbf16>, vector<64x1792xf32> -> vector<64x1792xf32>
    %add3A_130 = arith.addf %add3A_127, %dot_general3A_129 : vector<64x1792xf32>
    %add3A_131 = arith.addf %broadcast_in_dim3A_111, %add3A_130 : vector<64x1792xf32>
    %get3A_132 = arith.constant 4 : index
    %get3A_133 = arith.constant 0 : index
    %get3A_134 = arith.constant 0 : index
    %get3A_135 = vector.load %arg4[%get3A_132, %get3A_133, %get3A_134] : memref<9x64x256xf32, #tpu.memory_space<vmem>>, vector<1x64x256xf32>
    %get3A_136 = vector.shape_cast %get3A_135 : vector<1x64x256xf32> to vector<64x256xf32>
    %convert_element_type3A_137 = arith.truncf %get3A_136 : vector<64x256xf32> to vector<64x256xbf16>
    %convert_element_type3A_138 = arith.extf %convert_element_type3A_137 : vector<64x256xbf16> to vector<64x256xf32>
    %sub3A_139 = arith.subf %get3A_136, %convert_element_type3A_138 : vector<64x256xf32>
    %convert_element_type3A_140 = arith.truncf %sub3A_139 : vector<64x256xf32> to vector<64x256xbf16>
    %slice3A_141 = vector.extract_strided_slice %convert_element_type3A_48 {offsets = [0, 256], sizes = [256, 1792], strides = [1, 1]} : vector<256x2304xbf16> to vector<256x1792xbf16>
    %slice3A_142 = vector.extract_strided_slice %convert_element_type3A_50 {offsets = [0, 256], sizes = [256, 1792], strides = [1, 1]} : vector<256x2304xbf16> to vector<256x1792xbf16>
    %dot_general3A_143 = arith.constant dense<0.000000e+00> : vector<64x1792xf32>
    %dot_general3A_144 = tpu.matmul %convert_element_type3A_137, %slice3A_141, %dot_general3A_143 {dimension_numbers = #tpu.dot_dimension_numbers<[1], [0], [0], [1], [0, 0, 1, 1], [], []>, transpose_lhs_hint = false} : vector<64x256xbf16>, vector<256x1792xbf16>, vector<64x1792xf32> -> vector<64x1792xf32>
    %dot_general3A_145 = arith.constant dense<0.000000e+00> : vector<64x1792xf32>
    %dot_general3A_146 = tpu.matmul %convert_element_type3A_137, %slice3A_142, %dot_general3A_145 {dimension_numbers = #tpu.dot_dimension_numbers<[1], [0], [0], [1], [0, 0, 1, 1], [], []>, transpose_lhs_hint = false} : vector<64x256xbf16>, vector<256x1792xbf16>, vector<64x1792xf32> -> vector<64x1792xf32>
    %add3A_147 = arith.addf %dot_general3A_144, %dot_general3A_146 : vector<64x1792xf32>
    %dot_general3A_148 = arith.constant dense<0.000000e+00> : vector<64x1792xf32>
    %dot_general3A_149 = tpu.matmul %convert_element_type3A_140, %slice3A_141, %dot_general3A_148 {dimension_numbers = #tpu.dot_dimension_numbers<[1], [0], [0], [1], [0, 0, 1, 1], [], []>, transpose_lhs_hint = false} : vector<64x256xbf16>, vector<256x1792xbf16>, vector<64x1792xf32> -> vector<64x1792xf32>
    %add3A_150 = arith.addf %add3A_147, %dot_general3A_149 : vector<64x1792xf32>
    %add3A_151 = arith.addf %add3A_131, %add3A_150 : vector<64x1792xf32>
    %get3A_152 = arith.constant 7 : index
    %get3A_153 = arith.constant 0 : index
    %get3A_154 = arith.constant 0 : index
    %get3A_155 = vector.load %arg4[%get3A_152, %get3A_153, %get3A_154] : memref<9x64x256xf32, #tpu.memory_space<vmem>>, vector<1x64x256xf32>
    %get3A_156 = vector.shape_cast %get3A_155 : vector<1x64x256xf32> to vector<64x256xf32>
    %convert_element_type3A_157 = arith.truncf %get3A_156 : vector<64x256xf32> to vector<64x256xbf16>
    %convert_element_type3A_158 = arith.extf %convert_element_type3A_157 : vector<64x256xbf16> to vector<64x256xf32>
    %sub3A_159 = arith.subf %get3A_156, %convert_element_type3A_158 : vector<64x256xf32>
    %convert_element_type3A_160 = arith.truncf %sub3A_159 : vector<64x256xf32> to vector<64x256xbf16>
    %slice3A_161 = vector.extract_strided_slice %convert_element_type3A_48 {offsets = [0, 480], sizes = [256, 1792], strides = [1, 1]} : vector<256x2304xbf16> to vector<256x1792xbf16>
    %slice3A_162 = vector.extract_strided_slice %convert_element_type3A_50 {offsets = [0, 480], sizes = [256, 1792], strides = [1, 1]} : vector<256x2304xbf16> to vector<256x1792xbf16>
    %dot_general3A_163 = arith.constant dense<0.000000e+00> : vector<64x1792xf32>
    %dot_general3A_164 = tpu.matmul %convert_element_type3A_157, %slice3A_161, %dot_general3A_163 {dimension_numbers = #tpu.dot_dimension_numbers<[1], [0], [0], [1], [0, 0, 1, 1], [], []>, transpose_lhs_hint = false} : vector<64x256xbf16>, vector<256x1792xbf16>, vector<64x1792xf32> -> vector<64x1792xf32>
    %dot_general3A_165 = arith.constant dense<0.000000e+00> : vector<64x1792xf32>
    %dot_general3A_166 = tpu.matmul %convert_element_type3A_157, %slice3A_162, %dot_general3A_165 {dimension_numbers = #tpu.dot_dimension_numbers<[1], [0], [0], [1], [0, 0, 1, 1], [], []>, transpose_lhs_hint = false} : vector<64x256xbf16>, vector<256x1792xbf16>, vector<64x1792xf32> -> vector<64x1792xf32>
    %add3A_167 = arith.addf %dot_general3A_164, %dot_general3A_166 : vector<64x1792xf32>
    %dot_general3A_168 = arith.constant dense<0.000000e+00> : vector<64x1792xf32>
    %dot_general3A_169 = tpu.matmul %convert_element_type3A_160, %slice3A_161, %dot_general3A_168 {dimension_numbers = #tpu.dot_dimension_numbers<[1], [0], [0], [1], [0, 0, 1, 1], [], []>, transpose_lhs_hint = false} : vector<64x256xbf16>, vector<256x1792xbf16>, vector<64x1792xf32> -> vector<64x1792xf32>
    %add3A_170 = arith.addf %add3A_167, %dot_general3A_169 : vector<64x1792xf32>
    %add3A_171 = arith.addf %add3A_151, %add3A_170 : vector<64x1792xf32>
    %broadcast_in_dim3A_172 = arith.constant 0.000000e+00 : f32
    %broadcast_in_dim3A_173 = vector.broadcast %broadcast_in_dim3A_172 : f32 to vector<64x1792xf32>
    %get3A_174 = arith.constant 2 : index
    %get3A_175 = arith.constant 0 : index
    %get3A_176 = arith.constant 0 : index
    %get3A_177 = vector.load %arg4[%get3A_174, %get3A_175, %get3A_176] : memref<9x64x256xf32, #tpu.memory_space<vmem>>, vector<1x64x256xf32>
    %get3A_178 = vector.shape_cast %get3A_177 : vector<1x64x256xf32> to vector<64x256xf32>
    %convert_element_type3A_179 = arith.truncf %get3A_178 : vector<64x256xf32> to vector<64x256xbf16>
    %convert_element_type3A_180 = arith.extf %convert_element_type3A_179 : vector<64x256xbf16> to vector<64x256xf32>
    %sub3A_181 = arith.subf %get3A_178, %convert_element_type3A_180 : vector<64x256xf32>
    %convert_element_type3A_182 = arith.truncf %sub3A_181 : vector<64x256xf32> to vector<64x256xbf16>
    %slice3A_183 = vector.extract_strided_slice %convert_element_type3A_48 {offsets = [0, 33], sizes = [256, 1792], strides = [1, 1]} : vector<256x2304xbf16> to vector<256x1792xbf16>
    %slice3A_184 = vector.extract_strided_slice %convert_element_type3A_50 {offsets = [0, 33], sizes = [256, 1792], strides = [1, 1]} : vector<256x2304xbf16> to vector<256x1792xbf16>
    %dot_general3A_185 = arith.constant dense<0.000000e+00> : vector<64x1792xf32>
    %dot_general3A_186 = tpu.matmul %convert_element_type3A_179, %slice3A_183, %dot_general3A_185 {dimension_numbers = #tpu.dot_dimension_numbers<[1], [0], [0], [1], [0, 0, 1, 1], [], []>, transpose_lhs_hint = false} : vector<64x256xbf16>, vector<256x1792xbf16>, vector<64x1792xf32> -> vector<64x1792xf32>
    %dot_general3A_187 = arith.constant dense<0.000000e+00> : vector<64x1792xf32>
    %dot_general3A_188 = tpu.matmul %convert_element_type3A_179, %slice3A_184, %dot_general3A_187 {dimension_numbers = #tpu.dot_dimension_numbers<[1], [0], [0], [1], [0, 0, 1, 1], [], []>, transpose_lhs_hint = false} : vector<64x256xbf16>, vector<256x1792xbf16>, vector<64x1792xf32> -> vector<64x1792xf32>
    %add3A_189 = arith.addf %dot_general3A_186, %dot_general3A_188 : vector<64x1792xf32>
    %dot_general3A_190 = arith.constant dense<0.000000e+00> : vector<64x1792xf32>
    %dot_general3A_191 = tpu.matmul %convert_element_type3A_182, %slice3A_183, %dot_general3A_190 {dimension_numbers = #tpu.dot_dimension_numbers<[1], [0], [0], [1], [0, 0, 1, 1], [], []>, transpose_lhs_hint = false} : vector<64x256xbf16>, vector<256x1792xbf16>, vector<64x1792xf32> -> vector<64x1792xf32>
    %add3A_192 = arith.addf %add3A_189, %dot_general3A_191 : vector<64x1792xf32>
    %add3A_193 = arith.addf %broadcast_in_dim3A_173, %add3A_192 : vector<64x1792xf32>
    %get3A_194 = arith.constant 5 : index
    %get3A_195 = arith.constant 0 : index
    %get3A_196 = arith.constant 0 : index
    %get3A_197 = vector.load %arg4[%get3A_194, %get3A_195, %get3A_196] : memref<9x64x256xf32, #tpu.memory_space<vmem>>, vector<1x64x256xf32>
    %get3A_198 = vector.shape_cast %get3A_197 : vector<1x64x256xf32> to vector<64x256xf32>
    %convert_element_type3A_199 = arith.truncf %get3A_198 : vector<64x256xf32> to vector<64x256xbf16>
    %convert_element_type3A_200 = arith.extf %convert_element_type3A_199 : vector<64x256xbf16> to vector<64x256xf32>
    %sub3A_201 = arith.subf %get3A_198, %convert_element_type3A_200 : vector<64x256xf32>
    %convert_element_type3A_202 = arith.truncf %sub3A_201 : vector<64x256xf32> to vector<64x256xbf16>
    %slice3A_203 = vector.extract_strided_slice %convert_element_type3A_48 {offsets = [0, 257], sizes = [256, 1792], strides = [1, 1]} : vector<256x2304xbf16> to vector<256x1792xbf16>
    %slice3A_204 = vector.extract_strided_slice %convert_element_type3A_50 {offsets = [0, 257], sizes = [256, 1792], strides = [1, 1]} : vector<256x2304xbf16> to vector<256x1792xbf16>
    %dot_general3A_205 = arith.constant dense<0.000000e+00> : vector<64x1792xf32>
    %dot_general3A_206 = tpu.matmul %convert_element_type3A_199, %slice3A_203, %dot_general3A_205 {dimension_numbers = #tpu.dot_dimension_numbers<[1], [0], [0], [1], [0, 0, 1, 1], [], []>, transpose_lhs_hint = false} : vector<64x256xbf16>, vector<256x1792xbf16>, vector<64x1792xf32> -> vector<64x1792xf32>
    %dot_general3A_207 = arith.constant dense<0.000000e+00> : vector<64x1792xf32>
    %dot_general3A_208 = tpu.matmul %convert_element_type3A_199, %slice3A_204, %dot_general3A_207 {dimension_numbers = #tpu.dot_dimension_numbers<[1], [0], [0], [1], [0, 0, 1, 1], [], []>, transpose_lhs_hint = false} : vector<64x256xbf16>, vector<256x1792xbf16>, vector<64x1792xf32> -> vector<64x1792xf32>
    %add3A_209 = arith.addf %dot_general3A_206, %dot_general3A_208 : vector<64x1792xf32>
    %dot_general3A_210 = arith.constant dense<0.000000e+00> : vector<64x1792xf32>
    %dot_general3A_211 = tpu.matmul %convert_element_type3A_202, %slice3A_203, %dot_general3A_210 {dimension_numbers = #tpu.dot_dimension_numbers<[1], [0], [0], [1], [0, 0, 1, 1], [], []>, transpose_lhs_hint = false} : vector<64x256xbf16>, vector<256x1792xbf16>, vector<64x1792xf32> -> vector<64x1792xf32>
    %add3A_212 = arith.addf %add3A_209, %dot_general3A_211 : vector<64x1792xf32>
    %add3A_213 = arith.addf %add3A_193, %add3A_212 : vector<64x1792xf32>
    %get3A_214 = arith.constant 8 : index
    %get3A_215 = arith.constant 0 : index
    %get3A_216 = arith.constant 0 : index
    %get3A_217 = vector.load %arg4[%get3A_214, %get3A_215, %get3A_216] : memref<9x64x256xf32, #tpu.memory_space<vmem>>, vector<1x64x256xf32>
    %get3A_218 = vector.shape_cast %get3A_217 : vector<1x64x256xf32> to vector<64x256xf32>
    %convert_element_type3A_219 = arith.truncf %get3A_218 : vector<64x256xf32> to vector<64x256xbf16>
    %convert_element_type3A_220 = arith.extf %convert_element_type3A_219 : vector<64x256xbf16> to vector<64x256xf32>
    %sub3A_221 = arith.subf %get3A_218, %convert_element_type3A_220 : vector<64x256xf32>
    %convert_element_type3A_222 = arith.truncf %sub3A_221 : vector<64x256xf32> to vector<64x256xbf16>
    %slice3A_223 = vector.extract_strided_slice %convert_element_type3A_48 {offsets = [0, 481], sizes = [256, 1792], strides = [1, 1]} : vector<256x2304xbf16> to vector<256x1792xbf16>
    %slice3A_224 = vector.extract_strided_slice %convert_element_type3A_50 {offsets = [0, 481], sizes = [256, 1792], strides = [1, 1]} : vector<256x2304xbf16> to vector<256x1792xbf16>
    %dot_general3A_225 = arith.constant dense<0.000000e+00> : vector<64x1792xf32>
    %dot_general3A_226 = tpu.matmul %convert_element_type3A_219, %slice3A_223, %dot_general3A_225 {dimension_numbers = #tpu.dot_dimension_numbers<[1], [0], [0], [1], [0, 0, 1, 1], [], []>, transpose_lhs_hint = false} : vector<64x256xbf16>, vector<256x1792xbf16>, vector<64x1792xf32> -> vector<64x1792xf32>
    %dot_general3A_227 = arith.constant dense<0.000000e+00> : vector<64x1792xf32>
    %dot_general3A_228 = tpu.matmul %convert_element_type3A_219, %slice3A_224, %dot_general3A_227 {dimension_numbers = #tpu.dot_dimension_numbers<[1], [0], [0], [1], [0, 0, 1, 1], [], []>, transpose_lhs_hint = false} : vector<64x256xbf16>, vector<256x1792xbf16>, vector<64x1792xf32> -> vector<64x1792xf32>
    %add3A_229 = arith.addf %dot_general3A_226, %dot_general3A_228 : vector<64x1792xf32>
    %dot_general3A_230 = arith.constant dense<0.000000e+00> : vector<64x1792xf32>
    %dot_general3A_231 = tpu.matmul %convert_element_type3A_222, %slice3A_223, %dot_general3A_230 {dimension_numbers = #tpu.dot_dimension_numbers<[1], [0], [0], [1], [0, 0, 1, 1], [], []>, transpose_lhs_hint = false} : vector<64x256xbf16>, vector<256x1792xbf16>, vector<64x1792xf32> -> vector<64x1792xf32>
    %add3A_232 = arith.addf %add3A_229, %dot_general3A_231 : vector<64x1792xf32>
    %add3A_233 = arith.addf %add3A_213, %add3A_232 : vector<64x1792xf32>
    %mul3A_234 = vector.broadcast %convert_element_type3A_42 : vector<1x1792xf32> to vector<64x1792xf32>
    %mul3A_235 = arith.mulf %add3A_109, %mul3A_234 : vector<64x1792xf32>
    %add3A_236 = arith.addf %mul3A_235, %add3A_171 : vector<64x1792xf32>
    %mul3A_237 = vector.broadcast %convert_element_type3A_47 : vector<1x1792xf32> to vector<64x1792xf32>
    %mul3A_238 = arith.mulf %add3A_233, %mul3A_237 : vector<64x1792xf32>
    %add3A_239 = arith.addf %add3A_236, %mul3A_238 : vector<64x1792xf32>
    %get3A_240 = arith.constant 0 : index
    %get3A_241 = arith.constant 0 : index
    %get3A_242 = vector.load %arg6[%get3A_240, %get3A_241] : memref<1x64xf32, #tpu.memory_space<vmem>>, vector<1x64xf32>
    %reshape3A = vector.shape_cast %get3A_242 : vector<1x64xf32> to vector<64x1xf32>
    %add3A_243 = vector.broadcast %reshape3A : vector<64x1xf32> to vector<64x1792xf32>
    %add3A_244 = arith.addf %add3A_239, %add3A_243 : vector<64x1792xf32>
    %get3A_245 = arith.constant 0 : index
    %get3A_246 = arith.constant 0 : index
    %get3A_247 = vector.load %arg5[%get3A_245, %get3A_246] : memref<256x256xf32, #tpu.memory_space<vmem>>, vector<256x256xf32>
    %dot_general3A_248 = arith.constant dense<0.000000e+00> : vector<256x1792xf32>
    %dot_general3A_249 = tpu.matmul %get3A_247, %get3A_3, %dot_general3A_248 {dimension_numbers = #tpu.dot_dimension_numbers<[1], [0], [0], [1], [0, 0, 1, 1], [], []>, transpose_lhs_hint = false} : vector<256x256xf32>, vector<256x1792xf32>, vector<256x1792xf32> -> vector<256x1792xf32>
    %get3A_250 = arith.constant 0 : index
    %get3A_251 = arith.constant 0 : index
    %get3A_252 = vector.load %arg7[%get3A_250, %get3A_251] : memref<1x256xf32, #tpu.memory_space<vmem>>, vector<1x256xf32>
    %reshape3A_253 = vector.shape_cast %get3A_252 : vector<1x256xf32> to vector<256x1xf32>
    %add3A_254 = vector.broadcast %reshape3A_253 : vector<256x1xf32> to vector<256x1792xf32>
    %add3A_255 = arith.addf %dot_general3A_249, %add3A_254 : vector<256x1792xf32>
    %mul3A_256 = arith.mulf %add3A_244, %add3A_244 : vector<64x1792xf32>
    %reduce_sum3A = arith.constant dense<0.000000e+00> : vector<1792xf32>
    %reduce_sum3A_257 = vector.multi_reduction <add>, %mul3A_256, %reduce_sum3A [0] : vector<64x1792xf32> to vector<1792xf32>
    %broadcast_in_dim3A_258 = vector.shape_cast %reduce_sum3A_257 : vector<1792xf32> to vector<1x1792xf32>
    %sqrt3A = math.sqrt %broadcast_in_dim3A_258 : vector<1x1792xf32>
    %max3A = arith.constant 5.000000e-05 : f32
    %max3A_259 = vector.broadcast %max3A : f32 to vector<1x1792xf32>
    %max3A_260 = arith.maximumf %sqrt3A, %max3A_259 : vector<1x1792xf32>
    %div3A = arith.constant 1.000000e+00 : f32
    %div3A_261 = vector.broadcast %div3A : f32 to vector<1x1792xf32>
    %div3A_262 = arith.divf %div3A_261, %max3A_260 : vector<1x1792xf32>
    %mul3A_263 = vector.broadcast %div3A_262 : vector<1x1792xf32> to vector<64x1792xf32>
    %mul3A_264 = arith.mulf %add3A_244, %mul3A_263 : vector<64x1792xf32>
    %transpose3A = tpu.transpose %mul3A_264, [1, 0] : vector<64x1792xf32> -> vector<1792x64xf32>
    %transpose3A_265 = tpu.transpose %max3A_260, [1, 0] : vector<1x1792xf32> -> vector<1792x1xf32>
    %broadcast_in_dim3A_266 = arith.constant 0.000000e+00 : f32
    %broadcast_in_dim3A_267 = vector.broadcast %broadcast_in_dim3A_266 : f32 to vector<1792x63xf32>
    %concatenate3A_268 = tpu.concatenate %transpose3A, %transpose3A_265, %broadcast_in_dim3A_267 in 1 : vector<1792x64xf32>, vector<1792x1xf32>, vector<1792x63xf32> -> vector<1792x128xf32>
    %swap3A = arith.constant 0 : index
    %swap3A_269 = arith.constant 0 : index
    %swap3A_270 = vector.load %arg9[%swap3A, %swap3A_269] : memref<1792x128xf32, #tpu.memory_space<vmem>>, vector<1792x128xf32>
    tpu.vector_store %arg9[%swap3A, %swap3A_269], %concatenate3A_268 {strides = array<i32>} : memref<1792x128xf32, #tpu.memory_space<vmem>>, vector<1792x128xf32>,
    %transpose3A_271 = tpu.transpose %add3A_255, [1, 0] : vector<256x1792xf32> -> vector<1792x256xf32>
    %swap3A_272 = arith.constant 0 : index
    %swap3A_273 = arith.constant 0 : index
    %swap3A_274 = vector.load %arg10[%swap3A_272, %swap3A_273] : memref<1792x256xf32, #tpu.memory_space<vmem>>, vector<1792x256xf32>
    tpu.vector_store %arg10[%swap3A_272, %swap3A_273], %transpose3A_271 {strides = array<i32>} : memref<1792x256xf32, #tpu.memory_space<vmem>>, vector<1792x256xf32>,
    %max3A_275 = arith.constant 9.99999996E-13 : f32
    %max3A_276 = vector.broadcast %max3A_275 : f32 to vector<1x1792xf32>
    %max3A_277 = arith.maximumf %sqrt3A, %max3A_276 : vector<1x1792xf32>
    %div3A_278 = arith.constant 1.000000e+00 : f32
    %div3A_279 = vector.broadcast %div3A_278 : f32 to vector<1x1792xf32>
    %div3A_280 = arith.divf %div3A_279, %max3A_277 : vector<1x1792xf32>
    %mul3A_281 = vector.broadcast %div3A_280 : vector<1x1792xf32> to vector<64x1792xf32>
    %mul3A_282 = arith.mulf %add3A_244, %mul3A_281 : vector<64x1792xf32>
    %get3A_283 = arith.constant 0 : index
    %get3A_284 = arith.constant 0 : index
    %get3A_285 = vector.load %arg8[%get3A_283, %get3A_284] : memref<128x64xf32, #tpu.memory_space<vmem>>, vector<128x64xf32>
    %dot_general3A_286 = arith.constant dense<0.000000e+00> : vector<128x1792xf32>
    %dot_general3A_287 = tpu.matmul %get3A_285, %mul3A_282, %dot_general3A_286 {dimension_numbers = #tpu.dot_dimension_numbers<[1], [0], [0], [1], [0, 0, 1, 1], [], []>, precision = #tpu.contract_precision<fp32>, transpose_lhs_hint = false} : vector<128x64xf32>, vector<64x1792xf32>, vector<128x1792xf32> -> vector<128x1792xf32>
    %reduce_max3A = arith.constant dense<0xFF800000> : vector<1792xf32>
    %reduce_max3A_288 = vector.multi_reduction <maximumf>, %dot_general3A_287, %reduce_max3A [0] : vector<128x1792xf32> to vector<1792xf32>
    %broadcast_in_dim3A_289 = vector.shape_cast %reduce_max3A_288 : vector<1792xf32> to vector<1x1792xf32>
    %iota3A_290 = tpu.iota {dimensions = array<i32: 0>} : vector<128x1792xi32>
    %eq3A_291 = vector.broadcast %broadcast_in_dim3A_289 : vector<1x1792xf32> to vector<128x1792xf32>
    %eq3A_292 = arith.cmpf oeq, %dot_general3A_287, %eq3A_291 : vector<128x1792xf32>
    %jit3A_293 = arith.constant 128 : i32
    %broadcast_in_dim3A_294 = vector.broadcast %jit3A_293 : i32 to vector<128x1792xi32>
    %select_n3A_295 = arith.select %eq3A_292, %iota3A_290, %broadcast_in_dim3A_294 : vector<128x1792xi1>, vector<128x1792xi32>
    %reduce_min3A = arith.constant dense<2147483647> : vector<1792xi32>
    %reduce_min3A_296 = vector.multi_reduction <minsi>, %select_n3A_295, %reduce_min3A [0] : vector<128x1792xi32> to vector<1792xi32>
    %broadcast_in_dim3A_297 = vector.shape_cast %reduce_min3A_296 : vector<1792xi32> to vector<1x1792xi32>
    %reshape3A_298 = vector.shape_cast %broadcast_in_dim3A_297 : vector<1x1792xi32> to vector<1x1x1792xi32>
    %swap3A_299 = arith.constant 0 : index
    %swap3A_300 = arith.constant 0 : index
    %swap3A_301 = arith.constant 0 : index
    %swap3A_302 = vector.load %arg11[%swap3A_299, %swap3A_300, %swap3A_301] : memref<1x1x1792xi32, #tpu.memory_space<vmem>>, vector<1x1x1792xi32>
    tpu.vector_store %arg11[%swap3A_299, %swap3A_300, %swap3A_301], %reshape3A_298 {strides = array<i32>} : memref<1x1x1792xi32, #tpu.memory_space<vmem>>, vector<1x1x1792xi32>,
    %iota3A_303 = tpu.iota {dimensions = array<i32: 0>} : vector<128x128xi32>
    %iota3A_304 = tpu.iota {dimensions = array<i32: 0>} : vector<128x128xi32>
    %iota3A_305 = tpu.iota {dimensions = array<i32: 1>} : vector<128x128xi32>
    %lt3A_306 = arith.cmpi slt, %iota3A_304, %iota3A_305 : vector<128x128xi32>
    %convert_element_type3A_307 = arith.extui %lt3A_306 : vector<128x128xi1> to vector<128x128xi32>
    %convert_element_type3A_308 = arith.sitofp %convert_element_type3A_307 : vector<128x128xi32> to vector<128x128xf32>
    %get3A_309 = arith.constant 0 : index
    %get3A_310 = arith.constant 0 : index
    %get3A_311 = vector.load %arg14[%get3A_309, %get3A_310] : memref<128x1xf32, #tpu.memory_space<vmem>>, vector<128x1xf32>
    %slice3A_312 = vector.extract_strided_slice %broadcast_in_dim3A_297 {offsets = [0, 0], sizes = [1, 128], strides = [1, 1]} : vector<1x1792xi32> to vector<1x128xi32>
    %eq3A_313 = vector.broadcast %slice3A_312 : vector<1x128xi32> to vector<128x128xi32>
    %eq3A_314 = arith.cmpi eq, %iota3A_303, %eq3A_313 : vector<128x128xi32>
    %convert_element_type3A_315 = arith.extui %eq3A_314 : vector<128x128xi1> to vector<128x128xi32>
    %convert_element_type3A_316 = arith.sitofp %convert_element_type3A_315 : vector<128x128xi32> to vector<128x128xf32>
    %dot_general3A_317 = arith.constant dense<0.000000e+00> : vector<128x128xf32>
    %dot_general3A_318 = tpu.matmul %convert_element_type3A_316, %convert_element_type3A_308, %dot_general3A_317 {dimension_numbers = #tpu.dot_dimension_numbers<[1], [0], [0], [1], [0, 0, 1, 1], [], []>, transpose_lhs_hint = false} : vector<128x128xf32>, vector<128x128xf32>, vector<128x128xf32> -> vector<128x128xf32>
    %add3A_319 = vector.broadcast %get3A_311 : vector<128x1xf32> to vector<128x128xf32>
    %add3A_320 = arith.addf %add3A_319, %dot_general3A_318 : vector<128x128xf32>
    %mul3A_321 = arith.mulf %convert_element_type3A_316, %add3A_320 : vector<128x128xf32>
    %reduce_sum3A_322 = arith.constant dense<0.000000e+00> : vector<128xf32>
    %reduce_sum3A_323 = vector.multi_reduction <add>, %mul3A_321, %reduce_sum3A_322 [0] : vector<128x128xf32> to vector<128xf32>
    %broadcast_in_dim3A_324 = vector.shape_cast %reduce_sum3A_323 : vector<128xf32> to vector<1x128xf32>
    %reduce_sum3A_325 = arith.constant dense<0.000000e+00> : vector<128xf32>
    %reduce_sum3A_326 = vector.multi_reduction <add>, %convert_element_type3A_316, %reduce_sum3A_325 [1] : vector<128x128xf32> to vector<128xf32>
    %broadcast_in_dim3A_327 = vector.shape_cast %reduce_sum3A_326 : vector<128xf32> to vector<128x1xf32>
    %add3A_328 = arith.addf %get3A_311, %broadcast_in_dim3A_327 : vector<128x1xf32>
    %slice3A_329 = vector.extract_strided_slice %broadcast_in_dim3A_297 {offsets = [0, 128], sizes = [1, 128], strides = [1, 1]} : vector<1x1792xi32> to vector<1x128xi32>
    %eq3A_330 = vector.broadcast %slice3A_329 : vector<1x128xi32> to vector<128x128xi32>
    %eq3A_331 = arith.cmpi eq, %iota3A_303, %eq3A_330 : vector<128x128xi32>
    %convert_element_type3A_332 = arith.extui %eq3A_331 : vector<128x128xi1> to vector<128x128xi32>
    %convert_element_type3A_333 = arith.sitofp %convert_element_type3A_332 : vector<128x128xi32> to vector<128x128xf32>
    %dot_general3A_334 = arith.constant dense<0.000000e+00> : vector<128x128xf32>
    %dot_general3A_335 = tpu.matmul %convert_element_type3A_333, %convert_element_type3A_308, %dot_general3A_334 {dimension_numbers = #tpu.dot_dimension_numbers<[1], [0], [0], [1], [0, 0, 1, 1], [], []>, transpose_lhs_hint = false} : vector<128x128xf32>, vector<128x128xf32>, vector<128x128xf32> -> vector<128x128xf32>
    %add3A_336 = vector.broadcast %add3A_328 : vector<128x1xf32> to vector<128x128xf32>
    %add3A_337 = arith.addf %add3A_336, %dot_general3A_335 : vector<128x128xf32>
    %mul3A_338 = arith.mulf %convert_element_type3A_333, %add3A_337 : vector<128x128xf32>
    %reduce_sum3A_339 = arith.constant dense<0.000000e+00> : vector<128xf32>
    %reduce_sum3A_340 = vector.multi_reduction <add>, %mul3A_338, %reduce_sum3A_339 [0] : vector<128x128xf32> to vector<128xf32>
    %broadcast_in_dim3A_341 = vector.shape_cast %reduce_sum3A_340 : vector<128xf32> to vector<1x128xf32>
    %reduce_sum3A_342 = arith.constant dense<0.000000e+00> : vector<128xf32>
    %reduce_sum3A_343 = vector.multi_reduction <add>, %convert_element_type3A_333, %reduce_sum3A_342 [1] : vector<128x128xf32> to vector<128xf32>
    %broadcast_in_dim3A_344 = vector.shape_cast %reduce_sum3A_343 : vector<128xf32> to vector<128x1xf32>
    %add3A_345 = arith.addf %add3A_328, %broadcast_in_dim3A_344 : vector<128x1xf32>
    %slice3A_346 = vector.extract_strided_slice %broadcast_in_dim3A_297 {offsets = [0, 256], sizes = [1, 128], strides = [1, 1]} : vector<1x1792xi32> to vector<1x128xi32>
    %eq3A_347 = vector.broadcast %slice3A_346 : vector<1x128xi32> to vector<128x128xi32>
    %eq3A_348 = arith.cmpi eq, %iota3A_303, %eq3A_347 : vector<128x128xi32>
    %convert_element_type3A_349 = arith.extui %eq3A_348 : vector<128x128xi1> to vector<128x128xi32>
    %convert_element_type3A_350 = arith.sitofp %convert_element_type3A_349 : vector<128x128xi32> to vector<128x128xf32>
    %dot_general3A_351 = arith.constant dense<0.000000e+00> : vector<128x128xf32>
    %dot_general3A_352 = tpu.matmul %convert_element_type3A_350, %convert_element_type3A_308, %dot_general3A_351 {dimension_numbers = #tpu.dot_dimension_numbers<[1], [0], [0], [1], [0, 0, 1, 1], [], []>, transpose_lhs_hint = false} : vector<128x128xf32>, vector<128x128xf32>, vector<128x128xf32> -> vector<128x128xf32>
    %add3A_353 = vector.broadcast %add3A_345 : vector<128x1xf32> to vector<128x128xf32>
    %add3A_354 = arith.addf %add3A_353, %dot_general3A_352 : vector<128x128xf32>
    %mul3A_355 = arith.mulf %convert_element_type3A_350, %add3A_354 : vector<128x128xf32>
    %reduce_sum3A_356 = arith.constant dense<0.000000e+00> : vector<128xf32>
    %reduce_sum3A_357 = vector.multi_reduction <add>, %mul3A_355, %reduce_sum3A_356 [0] : vector<128x128xf32> to vector<128xf32>
    %broadcast_in_dim3A_358 = vector.shape_cast %reduce_sum3A_357 : vector<128xf32> to vector<1x128xf32>
    %reduce_sum3A_359 = arith.constant dense<0.000000e+00> : vector<128xf32>
    %reduce_sum3A_360 = vector.multi_reduction <add>, %convert_element_type3A_350, %reduce_sum3A_359 [1] : vector<128x128xf32> to vector<128xf32>
    %broadcast_in_dim3A_361 = vector.shape_cast %reduce_sum3A_360 : vector<128xf32> to vector<128x1xf32>
    %add3A_362 = arith.addf %add3A_345, %broadcast_in_dim3A_361 : vector<128x1xf32>
    %slice3A_363 = vector.extract_strided_slice %broadcast_in_dim3A_297 {offsets = [0, 384], sizes = [1, 128], strides = [1, 1]} : vector<1x1792xi32> to vector<1x128xi32>
    %eq3A_364 = vector.broadcast %slice3A_363 : vector<1x128xi32> to vector<128x128xi32>
    %eq3A_365 = arith.cmpi eq, %iota3A_303, %eq3A_364 : vector<128x128xi32>
    %convert_element_type3A_366 = arith.extui %eq3A_365 : vector<128x128xi1> to vector<128x128xi32>
    %convert_element_type3A_367 = arith.sitofp %convert_element_type3A_366 : vector<128x128xi32> to vector<128x128xf32>
    %dot_general3A_368 = arith.constant dense<0.000000e+00> : vector<128x128xf32>
    %dot_general3A_369 = tpu.matmul %convert_element_type3A_367, %convert_element_type3A_308, %dot_general3A_368 {dimension_numbers = #tpu.dot_dimension_numbers<[1], [0], [0], [1], [0, 0, 1, 1], [], []>, transpose_lhs_hint = false} : vector<128x128xf32>, vector<128x128xf32>, vector<128x128xf32> -> vector<128x128xf32>
    %add3A_370 = vector.broadcast %add3A_362 : vector<128x1xf32> to vector<128x128xf32>
    %add3A_371 = arith.addf %add3A_370, %dot_general3A_369 : vector<128x128xf32>
    %mul3A_372 = arith.mulf %convert_element_type3A_367, %add3A_371 : vector<128x128xf32>
    %reduce_sum3A_373 = arith.constant dense<0.000000e+00> : vector<128xf32>
    %reduce_sum3A_374 = vector.multi_reduction <add>, %mul3A_372, %reduce_sum3A_373 [0] : vector<128x128xf32> to vector<128xf32>
    %broadcast_in_dim3A_375 = vector.shape_cast %reduce_sum3A_374 : vector<128xf32> to vector<1x128xf32>
    %reduce_sum3A_376 = arith.constant dense<0.000000e+00> : vector<128xf32>
    %reduce_sum3A_377 = vector.multi_reduction <add>, %convert_element_type3A_367, %reduce_sum3A_376 [1] : vector<128x128xf32> to vector<128xf32>
    %broadcast_in_dim3A_378 = vector.shape_cast %reduce_sum3A_377 : vector<128xf32> to vector<128x1xf32>
    %add3A_379 = arith.addf %add3A_362, %broadcast_in_dim3A_378 : vector<128x1xf32>
    %slice3A_380 = vector.extract_strided_slice %broadcast_in_dim3A_297 {offsets = [0, 512], sizes = [1, 128], strides = [1, 1]} : vector<1x1792xi32> to vector<1x128xi32>
    %eq3A_381 = vector.broadcast %slice3A_380 : vector<1x128xi32> to vector<128x128xi32>
    %eq3A_382 = arith.cmpi eq, %iota3A_303, %eq3A_381 : vector<128x128xi32>
    %convert_element_type3A_383 = arith.extui %eq3A_382 : vector<128x128xi1> to vector<128x128xi32>
    %convert_element_type3A_384 = arith.sitofp %convert_element_type3A_383 : vector<128x128xi32> to vector<128x128xf32>
    %dot_general3A_385 = arith.constant dense<0.000000e+00> : vector<128x128xf32>
    %dot_general3A_386 = tpu.matmul %convert_element_type3A_384, %convert_element_type3A_308, %dot_general3A_385 {dimension_numbers = #tpu.dot_dimension_numbers<[1], [0], [0], [1], [0, 0, 1, 1], [], []>, transpose_lhs_hint = false} : vector<128x128xf32>, vector<128x128xf32>, vector<128x128xf32> -> vector<128x128xf32>
    %add3A_387 = vector.broadcast %add3A_379 : vector<128x1xf32> to vector<128x128xf32>
    %add3A_388 = arith.addf %add3A_387, %dot_general3A_386 : vector<128x128xf32>
    %mul3A_389 = arith.mulf %convert_element_type3A_384, %add3A_388 : vector<128x128xf32>
    %reduce_sum3A_390 = arith.constant dense<0.000000e+00> : vector<128xf32>
    %reduce_sum3A_391 = vector.multi_reduction <add>, %mul3A_389, %reduce_sum3A_390 [0] : vector<128x128xf32> to vector<128xf32>
    %broadcast_in_dim3A_392 = vector.shape_cast %reduce_sum3A_391 : vector<128xf32> to vector<1x128xf32>
    %reduce_sum3A_393 = arith.constant dense<0.000000e+00> : vector<128xf32>
    %reduce_sum3A_394 = vector.multi_reduction <add>, %convert_element_type3A_384, %reduce_sum3A_393 [1] : vector<128x128xf32> to vector<128xf32>
    %broadcast_in_dim3A_395 = vector.shape_cast %reduce_sum3A_394 : vector<128xf32> to vector<128x1xf32>
    %add3A_396 = arith.addf %add3A_379, %broadcast_in_dim3A_395 : vector<128x1xf32>
    %slice3A_397 = vector.extract_strided_slice %broadcast_in_dim3A_297 {offsets = [0, 640], sizes = [1, 128], strides = [1, 1]} : vector<1x1792xi32> to vector<1x128xi32>
    %eq3A_398 = vector.broadcast %slice3A_397 : vector<1x128xi32> to vector<128x128xi32>
    %eq3A_399 = arith.cmpi eq, %iota3A_303, %eq3A_398 : vector<128x128xi32>
    %convert_element_type3A_400 = arith.extui %eq3A_399 : vector<128x128xi1> to vector<128x128xi32>
    %convert_element_type3A_401 = arith.sitofp %convert_element_type3A_400 : vector<128x128xi32> to vector<128x128xf32>
    %dot_general3A_402 = arith.constant dense<0.000000e+00> : vector<128x128xf32>
    %dot_general3A_403 = tpu.matmul %convert_element_type3A_401, %convert_element_type3A_308, %dot_general3A_402 {dimension_numbers = #tpu.dot_dimension_numbers<[1], [0], [0], [1], [0, 0, 1, 1], [], []>, transpose_lhs_hint = false} : vector<128x128xf32>, vector<128x128xf32>, vector<128x128xf32> -> vector<128x128xf32>
    %add3A_404 = vector.broadcast %add3A_396 : vector<128x1xf32> to vector<128x128xf32>
    %add3A_405 = arith.addf %add3A_404, %dot_general3A_403 : vector<128x128xf32>
    %mul3A_406 = arith.mulf %convert_element_type3A_401, %add3A_405 : vector<128x128xf32>
    %reduce_sum3A_407 = arith.constant dense<0.000000e+00> : vector<128xf32>
    %reduce_sum3A_408 = vector.multi_reduction <add>, %mul3A_406, %reduce_sum3A_407 [0] : vector<128x128xf32> to vector<128xf32>
    %broadcast_in_dim3A_409 = vector.shape_cast %reduce_sum3A_408 : vector<128xf32> to vector<1x128xf32>
    %reduce_sum3A_410 = arith.constant dense<0.000000e+00> : vector<128xf32>
    %reduce_sum3A_411 = vector.multi_reduction <add>, %convert_element_type3A_401, %reduce_sum3A_410 [1] : vector<128x128xf32> to vector<128xf32>
    %broadcast_in_dim3A_412 = vector.shape_cast %reduce_sum3A_411 : vector<128xf32> to vector<128x1xf32>
    %add3A_413 = arith.addf %add3A_396, %broadcast_in_dim3A_412 : vector<128x1xf32>
    %slice3A_414 = vector.extract_strided_slice %broadcast_in_dim3A_297 {offsets = [0, 768], sizes = [1, 128], strides = [1, 1]} : vector<1x1792xi32> to vector<1x128xi32>
    %eq3A_415 = vector.broadcast %slice3A_414 : vector<1x128xi32> to vector<128x128xi32>
    %eq3A_416 = arith.cmpi eq, %iota3A_303, %eq3A_415 : vector<128x128xi32>
    %convert_element_type3A_417 = arith.extui %eq3A_416 : vector<128x128xi1> to vector<128x128xi32>
    %convert_element_type3A_418 = arith.sitofp %convert_element_type3A_417 : vector<128x128xi32> to vector<128x128xf32>
    %dot_general3A_419 = arith.constant dense<0.000000e+00> : vector<128x128xf32>
    %dot_general3A_420 = tpu.matmul %convert_element_type3A_418, %convert_element_type3A_308, %dot_general3A_419 {dimension_numbers = #tpu.dot_dimension_numbers<[1], [0], [0], [1], [0, 0, 1, 1], [], []>, transpose_lhs_hint = false} : vector<128x128xf32>, vector<128x128xf32>, vector<128x128xf32> -> vector<128x128xf32>
    %add3A_421 = vector.broadcast %add3A_413 : vector<128x1xf32> to vector<128x128xf32>
    %add3A_422 = arith.addf %add3A_421, %dot_general3A_420 : vector<128x128xf32>
    %mul3A_423 = arith.mulf %convert_element_type3A_418, %add3A_422 : vector<128x128xf32>
    %reduce_sum3A_424 = arith.constant dense<0.000000e+00> : vector<128xf32>
    %reduce_sum3A_425 = vector.multi_reduction <add>, %mul3A_423, %reduce_sum3A_424 [0] : vector<128x128xf32> to vector<128xf32>
    %broadcast_in_dim3A_426 = vector.shape_cast %reduce_sum3A_425 : vector<128xf32> to vector<1x128xf32>
    %reduce_sum3A_427 = arith.constant dense<0.000000e+00> : vector<128xf32>
    %reduce_sum3A_428 = vector.multi_reduction <add>, %convert_element_type3A_418, %reduce_sum3A_427 [1] : vector<128x128xf32> to vector<128xf32>
    %broadcast_in_dim3A_429 = vector.shape_cast %reduce_sum3A_428 : vector<128xf32> to vector<128x1xf32>
    %add3A_430 = arith.addf %add3A_413, %broadcast_in_dim3A_429 : vector<128x1xf32>
    %slice3A_431 = vector.extract_strided_slice %broadcast_in_dim3A_297 {offsets = [0, 896], sizes = [1, 128], strides = [1, 1]} : vector<1x1792xi32> to vector<1x128xi32>
    %eq3A_432 = vector.broadcast %slice3A_431 : vector<1x128xi32> to vector<128x128xi32>
    %eq3A_433 = arith.cmpi eq, %iota3A_303, %eq3A_432 : vector<128x128xi32>
    %convert_element_type3A_434 = arith.extui %eq3A_433 : vector<128x128xi1> to vector<128x128xi32>
    %convert_element_type3A_435 = arith.sitofp %convert_element_type3A_434 : vector<128x128xi32> to vector<128x128xf32>
    %dot_general3A_436 = arith.constant dense<0.000000e+00> : vector<128x128xf32>
    %dot_general3A_437 = tpu.matmul %convert_element_type3A_435, %convert_element_type3A_308, %dot_general3A_436 {dimension_numbers = #tpu.dot_dimension_numbers<[1], [0], [0], [1], [0, 0, 1, 1], [], []>, transpose_lhs_hint = false} : vector<128x128xf32>, vector<128x128xf32>, vector<128x128xf32> -> vector<128x128xf32>
    %add3A_438 = vector.broadcast %add3A_430 : vector<128x1xf32> to vector<128x128xf32>
    %add3A_439 = arith.addf %add3A_438, %dot_general3A_437 : vector<128x128xf32>
    %mul3A_440 = arith.mulf %convert_element_type3A_435, %add3A_439 : vector<128x128xf32>
    %reduce_sum3A_441 = arith.constant dense<0.000000e+00> : vector<128xf32>
    %reduce_sum3A_442 = vector.multi_reduction <add>, %mul3A_440, %reduce_sum3A_441 [0] : vector<128x128xf32> to vector<128xf32>
    %broadcast_in_dim3A_443 = vector.shape_cast %reduce_sum3A_442 : vector<128xf32> to vector<1x128xf32>
    %reduce_sum3A_444 = arith.constant dense<0.000000e+00> : vector<128xf32>
    %reduce_sum3A_445 = vector.multi_reduction <add>, %convert_element_type3A_435, %reduce_sum3A_444 [1] : vector<128x128xf32> to vector<128xf32>
    %broadcast_in_dim3A_446 = vector.shape_cast %reduce_sum3A_445 : vector<128xf32> to vector<128x1xf32>
    %add3A_447 = arith.addf %add3A_430, %broadcast_in_dim3A_446 : vector<128x1xf32>
    %slice3A_448 = vector.extract_strided_slice %broadcast_in_dim3A_297 {offsets = [0, 1024], sizes = [1, 128], strides = [1, 1]} : vector<1x1792xi32> to vector<1x128xi32>
    %eq3A_449 = vector.broadcast %slice3A_448 : vector<1x128xi32> to vector<128x128xi32>
    %eq3A_450 = arith.cmpi eq, %iota3A_303, %eq3A_449 : vector<128x128xi32>
    %convert_element_type3A_451 = arith.extui %eq3A_450 : vector<128x128xi1> to vector<128x128xi32>
    %convert_element_type3A_452 = arith.sitofp %convert_element_type3A_451 : vector<128x128xi32> to vector<128x128xf32>
    %dot_general3A_453 = arith.constant dense<0.000000e+00> : vector<128x128xf32>
    %dot_general3A_454 = tpu.matmul %convert_element_type3A_452, %convert_element_type3A_308, %dot_general3A_453 {dimension_numbers = #tpu.dot_dimension_numbers<[1], [0], [0], [1], [0, 0, 1, 1], [], []>, transpose_lhs_hint = false} : vector<128x128xf32>, vector<128x128xf32>, vector<128x128xf32> -> vector<128x128xf32>
    %add3A_455 = vector.broadcast %add3A_447 : vector<128x1xf32> to vector<128x128xf32>
    %add3A_456 = arith.addf %add3A_455, %dot_general3A_454 : vector<128x128xf32>
    %mul3A_457 = arith.mulf %convert_element_type3A_452, %add3A_456 : vector<128x128xf32>
    %reduce_sum3A_458 = arith.constant dense<0.000000e+00> : vector<128xf32>
    %reduce_sum3A_459 = vector.multi_reduction <add>, %mul3A_457, %reduce_sum3A_458 [0] : vector<128x128xf32> to vector<128xf32>
    %broadcast_in_dim3A_460 = vector.shape_cast %reduce_sum3A_459 : vector<128xf32> to vector<1x128xf32>
    %reduce_sum3A_461 = arith.constant dense<0.000000e+00> : vector<128xf32>
    %reduce_sum3A_462 = vector.multi_reduction <add>, %convert_element_type3A_452, %reduce_sum3A_461 [1] : vector<128x128xf32> to vector<128xf32>
    %broadcast_in_dim3A_463 = vector.shape_cast %reduce_sum3A_462 : vector<128xf32> to vector<128x1xf32>
    %add3A_464 = arith.addf %add3A_447, %broadcast_in_dim3A_463 : vector<128x1xf32>
    %slice3A_465 = vector.extract_strided_slice %broadcast_in_dim3A_297 {offsets = [0, 1152], sizes = [1, 128], strides = [1, 1]} : vector<1x1792xi32> to vector<1x128xi32>
    %eq3A_466 = vector.broadcast %slice3A_465 : vector<1x128xi32> to vector<128x128xi32>
    %eq3A_467 = arith.cmpi eq, %iota3A_303, %eq3A_466 : vector<128x128xi32>
    %convert_element_type3A_468 = arith.extui %eq3A_467 : vector<128x128xi1> to vector<128x128xi32>
    %convert_element_type3A_469 = arith.sitofp %convert_element_type3A_468 : vector<128x128xi32> to vector<128x128xf32>
    %dot_general3A_470 = arith.constant dense<0.000000e+00> : vector<128x128xf32>
    %dot_general3A_471 = tpu.matmul %convert_element_type3A_469, %convert_element_type3A_308, %dot_general3A_470 {dimension_numbers = #tpu.dot_dimension_numbers<[1], [0], [0], [1], [0, 0, 1, 1], [], []>, transpose_lhs_hint = false} : vector<128x128xf32>, vector<128x128xf32>, vector<128x128xf32> -> vector<128x128xf32>
    %add3A_472 = vector.broadcast %add3A_464 : vector<128x1xf32> to vector<128x128xf32>
    %add3A_473 = arith.addf %add3A_472, %dot_general3A_471 : vector<128x128xf32>
    %mul3A_474 = arith.mulf %convert_element_type3A_469, %add3A_473 : vector<128x128xf32>
    %reduce_sum3A_475 = arith.constant dense<0.000000e+00> : vector<128xf32>
    %reduce_sum3A_476 = vector.multi_reduction <add>, %mul3A_474, %reduce_sum3A_475 [0] : vector<128x128xf32> to vector<128xf32>
    %broadcast_in_dim3A_477 = vector.shape_cast %reduce_sum3A_476 : vector<128xf32> to vector<1x128xf32>
    %reduce_sum3A_478 = arith.constant dense<0.000000e+00> : vector<128xf32>
    %reduce_sum3A_479 = vector.multi_reduction <add>, %convert_element_type3A_469, %reduce_sum3A_478 [1] : vector<128x128xf32> to vector<128xf32>
    %broadcast_in_dim3A_480 = vector.shape_cast %reduce_sum3A_479 : vector<128xf32> to vector<128x1xf32>
    %add3A_481 = arith.addf %add3A_464, %broadcast_in_dim3A_480 : vector<128x1xf32>
    %slice3A_482 = vector.extract_strided_slice %broadcast_in_dim3A_297 {offsets = [0, 1280], sizes = [1, 128], strides = [1, 1]} : vector<1x1792xi32> to vector<1x128xi32>
    %eq3A_483 = vector.broadcast %slice3A_482 : vector<1x128xi32> to vector<128x128xi32>
    %eq3A_484 = arith.cmpi eq, %iota3A_303, %eq3A_483 : vector<128x128xi32>
    %convert_element_type3A_485 = arith.extui %eq3A_484 : vector<128x128xi1> to vector<128x128xi32>
    %convert_element_type3A_486 = arith.sitofp %convert_element_type3A_485 : vector<128x128xi32> to vector<128x128xf32>
    %dot_general3A_487 = arith.constant dense<0.000000e+00> : vector<128x128xf32>
    %dot_general3A_488 = tpu.matmul %convert_element_type3A_486, %convert_element_type3A_308, %dot_general3A_487 {dimension_numbers = #tpu.dot_dimension_numbers<[1], [0], [0], [1], [0, 0, 1, 1], [], []>, transpose_lhs_hint = false} : vector<128x128xf32>, vector<128x128xf32>, vector<128x128xf32> -> vector<128x128xf32>
    %add3A_489 = vector.broadcast %add3A_481 : vector<128x1xf32> to vector<128x128xf32>
    %add3A_490 = arith.addf %add3A_489, %dot_general3A_488 : vector<128x128xf32>
    %mul3A_491 = arith.mulf %convert_element_type3A_486, %add3A_490 : vector<128x128xf32>
    %reduce_sum3A_492 = arith.constant dense<0.000000e+00> : vector<128xf32>
    %reduce_sum3A_493 = vector.multi_reduction <add>, %mul3A_491, %reduce_sum3A_492 [0] : vector<128x128xf32> to vector<128xf32>
    %broadcast_in_dim3A_494 = vector.shape_cast %reduce_sum3A_493 : vector<128xf32> to vector<1x128xf32>
    %reduce_sum3A_495 = arith.constant dense<0.000000e+00> : vector<128xf32>
    %reduce_sum3A_496 = vector.multi_reduction <add>, %convert_element_type3A_486, %reduce_sum3A_495 [1] : vector<128x128xf32> to vector<128xf32>
    %broadcast_in_dim3A_497 = vector.shape_cast %reduce_sum3A_496 : vector<128xf32> to vector<128x1xf32>
    %add3A_498 = arith.addf %add3A_481, %broadcast_in_dim3A_497 : vector<128x1xf32>
    %slice3A_499 = vector.extract_strided_slice %broadcast_in_dim3A_297 {offsets = [0, 1408], sizes = [1, 128], strides = [1, 1]} : vector<1x1792xi32> to vector<1x128xi32>
    %eq3A_500 = vector.broadcast %slice3A_499 : vector<1x128xi32> to vector<128x128xi32>
    %eq3A_501 = arith.cmpi eq, %iota3A_303, %eq3A_500 : vector<128x128xi32>
    %convert_element_type3A_502 = arith.extui %eq3A_501 : vector<128x128xi1> to vector<128x128xi32>
    %convert_element_type3A_503 = arith.sitofp %convert_element_type3A_502 : vector<128x128xi32> to vector<128x128xf32>
    %dot_general3A_504 = arith.constant dense<0.000000e+00> : vector<128x128xf32>
    %dot_general3A_505 = tpu.matmul %convert_element_type3A_503, %convert_element_type3A_308, %dot_general3A_504 {dimension_numbers = #tpu.dot_dimension_numbers<[1], [0], [0], [1], [0, 0, 1, 1], [], []>, transpose_lhs_hint = false} : vector<128x128xf32>, vector<128x128xf32>, vector<128x128xf32> -> vector<128x128xf32>
    %add3A_506 = vector.broadcast %add3A_498 : vector<128x1xf32> to vector<128x128xf32>
    %add3A_507 = arith.addf %add3A_506, %dot_general3A_505 : vector<128x128xf32>
    %mul3A_508 = arith.mulf %convert_element_type3A_503, %add3A_507 : vector<128x128xf32>
    %reduce_sum3A_509 = arith.constant dense<0.000000e+00> : vector<128xf32>
    %reduce_sum3A_510 = vector.multi_reduction <add>, %mul3A_508, %reduce_sum3A_509 [0] : vector<128x128xf32> to vector<128xf32>
    %broadcast_in_dim3A_511 = vector.shape_cast %reduce_sum3A_510 : vector<128xf32> to vector<1x128xf32>
    %reduce_sum3A_512 = arith.constant dense<0.000000e+00> : vector<128xf32>
    %reduce_sum3A_513 = vector.multi_reduction <add>, %convert_element_type3A_503, %reduce_sum3A_512 [1] : vector<128x128xf32> to vector<128xf32>
    %broadcast_in_dim3A_514 = vector.shape_cast %reduce_sum3A_513 : vector<128xf32> to vector<128x1xf32>
    %add3A_515 = arith.addf %add3A_498, %broadcast_in_dim3A_514 : vector<128x1xf32>
    %slice3A_516 = vector.extract_strided_slice %broadcast_in_dim3A_297 {offsets = [0, 1536], sizes = [1, 128], strides = [1, 1]} : vector<1x1792xi32> to vector<1x128xi32>
    %eq3A_517 = vector.broadcast %slice3A_516 : vector<1x128xi32> to vector<128x128xi32>
    %eq3A_518 = arith.cmpi eq, %iota3A_303, %eq3A_517 : vector<128x128xi32>
    %convert_element_type3A_519 = arith.extui %eq3A_518 : vector<128x128xi1> to vector<128x128xi32>
    %convert_element_type3A_520 = arith.sitofp %convert_element_type3A_519 : vector<128x128xi32> to vector<128x128xf32>
    %dot_general3A_521 = arith.constant dense<0.000000e+00> : vector<128x128xf32>
    %dot_general3A_522 = tpu.matmul %convert_element_type3A_520, %convert_element_type3A_308, %dot_general3A_521 {dimension_numbers = #tpu.dot_dimension_numbers<[1], [0], [0], [1], [0, 0, 1, 1], [], []>, transpose_lhs_hint = false} : vector<128x128xf32>, vector<128x128xf32>, vector<128x128xf32> -> vector<128x128xf32>
    %add3A_523 = vector.broadcast %add3A_515 : vector<128x1xf32> to vector<128x128xf32>
    %add3A_524 = arith.addf %add3A_523, %dot_general3A_522 : vector<128x128xf32>
    %mul3A_525 = arith.mulf %convert_element_type3A_520, %add3A_524 : vector<128x128xf32>
    %reduce_sum3A_526 = arith.constant dense<0.000000e+00> : vector<128xf32>
    %reduce_sum3A_527 = vector.multi_reduction <add>, %mul3A_525, %reduce_sum3A_526 [0] : vector<128x128xf32> to vector<128xf32>
    %broadcast_in_dim3A_528 = vector.shape_cast %reduce_sum3A_527 : vector<128xf32> to vector<1x128xf32>
    %reduce_sum3A_529 = arith.constant dense<0.000000e+00> : vector<128xf32>
    %reduce_sum3A_530 = vector.multi_reduction <add>, %convert_element_type3A_520, %reduce_sum3A_529 [1] : vector<128x128xf32> to vector<128xf32>
    %broadcast_in_dim3A_531 = vector.shape_cast %reduce_sum3A_530 : vector<128xf32> to vector<128x1xf32>
    %add3A_532 = arith.addf %add3A_515, %broadcast_in_dim3A_531 : vector<128x1xf32>
    %slice3A_533 = vector.extract_strided_slice %broadcast_in_dim3A_297 {offsets = [0, 1664], sizes = [1, 128], strides = [1, 1]} : vector<1x1792xi32> to vector<1x128xi32>
    %eq3A_534 = vector.broadcast %slice3A_533 : vector<1x128xi32> to vector<128x128xi32>
    %eq3A_535 = arith.cmpi eq, %iota3A_303, %eq3A_534 : vector<128x128xi32>
    %convert_element_type3A_536 = arith.extui %eq3A_535 : vector<128x128xi1> to vector<128x128xi32>
    %convert_element_type3A_537 = arith.sitofp %convert_element_type3A_536 : vector<128x128xi32> to vector<128x128xf32>
    %dot_general3A_538 = arith.constant dense<0.000000e+00> : vector<128x128xf32>
    %dot_general3A_539 = tpu.matmul %convert_element_type3A_537, %convert_element_type3A_308, %dot_general3A_538 {dimension_numbers = #tpu.dot_dimension_numbers<[1], [0], [0], [1], [0, 0, 1, 1], [], []>, transpose_lhs_hint = false} : vector<128x128xf32>, vector<128x128xf32>, vector<128x128xf32> -> vector<128x128xf32>
    %add3A_540 = vector.broadcast %add3A_532 : vector<128x1xf32> to vector<128x128xf32>
    %add3A_541 = arith.addf %add3A_540, %dot_general3A_539 : vector<128x128xf32>
    %mul3A_542 = arith.mulf %convert_element_type3A_537, %add3A_541 : vector<128x128xf32>
    %reduce_sum3A_543 = arith.constant dense<0.000000e+00> : vector<128xf32>
    %reduce_sum3A_544 = vector.multi_reduction <add>, %mul3A_542, %reduce_sum3A_543 [0] : vector<128x128xf32> to vector<128xf32>
    %broadcast_in_dim3A_545 = vector.shape_cast %reduce_sum3A_544 : vector<128xf32> to vector<1x128xf32>
    %reduce_sum3A_546 = arith.constant dense<0.000000e+00> : vector<128xf32>
    %reduce_sum3A_547 = vector.multi_reduction <add>, %convert_element_type3A_537, %reduce_sum3A_546 [1] : vector<128x128xf32> to vector<128xf32>
    %broadcast_in_dim3A_548 = vector.shape_cast %reduce_sum3A_547 : vector<128xf32> to vector<128x1xf32>
    %add3A_549 = arith.addf %add3A_532, %broadcast_in_dim3A_548 : vector<128x1xf32>
    %swap3A_550 = arith.constant 0 : index
    %swap3A_551 = arith.constant 0 : index
    %swap3A_552 = vector.load %arg14[%swap3A_550, %swap3A_551] : memref<128x1xf32, #tpu.memory_space<vmem>>, vector<128x1xf32>
    tpu.vector_store %arg14[%swap3A_550, %swap3A_551], %add3A_549 {strides = array<i32>} : memref<128x1xf32, #tpu.memory_space<vmem>>, vector<128x1xf32>,
    %concatenate3A_553 = tpu.concatenate %broadcast_in_dim3A_324, %broadcast_in_dim3A_341, %broadcast_in_dim3A_358, %broadcast_in_dim3A_375, %broadcast_in_dim3A_392, %broadcast_in_dim3A_409, %broadcast_in_dim3A_426, %broadcast_in_dim3A_443, %broadcast_in_dim3A_460, %broadcast_in_dim3A_477, %broadcast_in_dim3A_494, %broadcast_in_dim3A_511, %broadcast_in_dim3A_528, %broadcast_in_dim3A_545 in 1 : vector<1x128xf32>, vector<1x128xf32>, vector<1x128xf32>, vector<1x128xf32>, vector<1x128xf32>, vector<1x128xf32>, vector<1x128xf32>, vector<1x128xf32>, vector<1x128xf32>, vector<1x128xf32>, vector<1x128xf32>, vector<1x128xf32>, vector<1x128xf32>, vector<1x128xf32> -> vector<1x1792xf32>
    %convert_element_type3A_554 = arith.fptosi %concatenate3A_553 : vector<1x1792xf32> to vector<1x1792xi32>
    %reshape3A_555 = vector.shape_cast %convert_element_type3A_554 : vector<1x1792xi32> to vector<1x1x1792xi32>
    %swap3A_556 = arith.constant 0 : index
    %swap3A_557 = arith.constant 0 : index
    %swap3A_558 = arith.constant 0 : index
    %swap3A_559 = vector.load %arg12[%swap3A_556, %swap3A_557, %swap3A_558] : memref<1x1x1792xi32, #tpu.memory_space<vmem>>, vector<1x1x1792xi32>
    tpu.vector_store %arg12[%swap3A_556, %swap3A_557, %swap3A_558], %reshape3A_555 {strides = array<i32>} : memref<1x1x1792xi32, #tpu.memory_space<vmem>>, vector<1x1x1792xi32>,
    %eq3A_560 = arith.constant 27 : i32
    %eq3A_561 = arith.cmpi eq, %arg0, %eq3A_560 : i32
    %convert_element_type3A_562 = arith.extui %eq3A_561 : i1 to i32
    %cond3A_563 = arith.constant 0 : i32
    %cond3A_564 = arith.cmpi ne, %convert_element_type3A_562, %cond3A_563 : i32
    scf.if %cond3A_564 {
      %reshape3A_565 = vector.shape_cast %add3A_549 : vector<128x1xf32> to vector<1x128xf32>
      %broadcast_in_dim3A_566 = arith.constant 0.000000e+00 : f32
      %broadcast_in_dim3A_567 = vector.broadcast %broadcast_in_dim3A_566 : f32 to vector<1x1xf32>
      %slice3A_568 = vector.extract_strided_slice %reshape3A_565 {offsets = [0, 0], sizes = [1, 127], strides = [1, 1]} : vector<1x128xf32> to vector<1x127xf32>
      %concatenate3A_569 = tpu.concatenate %broadcast_in_dim3A_567, %slice3A_568 in 1 : vector<1x1xf32>, vector<1x127xf32> -> vector<1x128xf32>
      %add3A_570 = arith.addf %reshape3A_565, %concatenate3A_569 : vector<1x128xf32>
      %broadcast_in_dim3A_571 = arith.constant 0.000000e+00 : f32
      %broadcast_in_dim3A_572 = vector.broadcast %broadcast_in_dim3A_571 : f32 to vector<1x2xf32>
      %slice3A_573 = vector.extract_strided_slice %add3A_570 {offsets = [0, 0], sizes = [1, 126], strides = [1, 1]} : vector<1x128xf32> to vector<1x126xf32>
      %concatenate3A_574 = tpu.concatenate %broadcast_in_dim3A_572, %slice3A_573 in 1 : vector<1x2xf32>, vector<1x126xf32> -> vector<1x128xf32>
      %add3A_575 = arith.addf %add3A_570, %concatenate3A_574 : vector<1x128xf32>
      %broadcast_in_dim3A_576 = arith.constant 0.000000e+00 : f32
      %broadcast_in_dim3A_577 = vector.broadcast %broadcast_in_dim3A_576 : f32 to vector<1x4xf32>
      %slice3A_578 = vector.extract_strided_slice %add3A_575 {offsets = [0, 0], sizes = [1, 124], strides = [1, 1]} : vector<1x128xf32> to vector<1x124xf32>
      %concatenate3A_579 = tpu.concatenate %broadcast_in_dim3A_577, %slice3A_578 in 1 : vector<1x4xf32>, vector<1x124xf32> -> vector<1x128xf32>
      %add3A_580 = arith.addf %add3A_575, %concatenate3A_579 : vector<1x128xf32>
      %broadcast_in_dim3A_581 = arith.constant 0.000000e+00 : f32
      %broadcast_in_dim3A_582 = vector.broadcast %broadcast_in_dim3A_581 : f32 to vector<1x8xf32>
      %slice3A_583 = vector.extract_strided_slice %add3A_580 {offsets = [0, 0], sizes = [1, 120], strides = [1, 1]} : vector<1x128xf32> to vector<1x120xf32>
      %concatenate3A_584 = tpu.concatenate %broadcast_in_dim3A_582, %slice3A_583 in 1 : vector<1x8xf32>, vector<1x120xf32> -> vector<1x128xf32>
      %add3A_585 = arith.addf %add3A_580, %concatenate3A_584 : vector<1x128xf32>
      %broadcast_in_dim3A_586 = arith.constant 0.000000e+00 : f32
      %broadcast_in_dim3A_587 = vector.broadcast %broadcast_in_dim3A_586 : f32 to vector<1x16xf32>
      %slice3A_588 = vector.extract_strided_slice %add3A_585 {offsets = [0, 0], sizes = [1, 112], strides = [1, 1]} : vector<1x128xf32> to vector<1x112xf32>
      %concatenate3A_589 = tpu.concatenate %broadcast_in_dim3A_587, %slice3A_588 in 1 : vector<1x16xf32>, vector<1x112xf32> -> vector<1x128xf32>
      %add3A_590 = arith.addf %add3A_585, %concatenate3A_589 : vector<1x128xf32>
      %broadcast_in_dim3A_591 = arith.constant 0.000000e+00 : f32
      %broadcast_in_dim3A_592 = vector.broadcast %broadcast_in_dim3A_591 : f32 to vector<1x32xf32>
      %slice3A_593 = vector.extract_strided_slice %add3A_590 {offsets = [0, 0], sizes = [1, 96], strides = [1, 1]} : vector<1x128xf32> to vector<1x96xf32>
      %concatenate3A_594 = tpu.concatenate %broadcast_in_dim3A_592, %slice3A_593 in 1 : vector<1x32xf32>, vector<1x96xf32> -> vector<1x128xf32>
      %add3A_595 = arith.addf %add3A_590, %concatenate3A_594 : vector<1x128xf32>
      %broadcast_in_dim3A_596 = arith.constant 0.000000e+00 : f32
      %broadcast_in_dim3A_597 = vector.broadcast %broadcast_in_dim3A_596 : f32 to vector<1x64xf32>
      %slice3A_598 = vector.extract_strided_slice %add3A_595 {offsets = [0, 0], sizes = [1, 64], strides = [1, 1]} : vector<1x128xf32> to vector<1x64xf32>
      %concatenate3A_599 = tpu.concatenate %broadcast_in_dim3A_597, %slice3A_598 in 1 : vector<1x64xf32>, vector<1x64xf32> -> vector<1x128xf32>
      %add3A_600 = arith.addf %add3A_595, %concatenate3A_599 : vector<1x128xf32>
      %sub3A_601 = arith.subf %add3A_600, %reshape3A_565 : vector<1x128xf32>
      %convert_element_type3A_602 = arith.fptosi %sub3A_601 : vector<1x128xf32> to vector<1x128xi32>
      %swap3A_603 = arith.constant 0 : index
      %swap3A_604 = arith.constant 0 : index
      %swap3A_605 = vector.load %arg13[%swap3A_603, %swap3A_604] : memref<1x128xi32, #tpu.memory_space<vmem>>, vector<1x128xi32>
      tpu.vector_store %arg13[%swap3A_603, %swap3A_604], %convert_element_type3A_602 {strides = array<i32>} : memref<1x128xi32, #tpu.memory_space<vmem>>, vector<1x128xi32>,
    } else {
    }
    return
  }
  func.func @transform_0(%arg0: i32) -> (i32, i32) {
    %sub3A = arith.constant 1 : i32
    %sub3A_0 = arith.subi %arg0, %sub3A : i32
    %jit3A = arith.constant 0 : i32
    %jit3A_1 = arith.constant 27 : i32
    %max3A = arith.maxsi %jit3A, %sub3A_0 : i32
    %min3A = arith.minsi %jit3A_1, %max3A : i32
    %c0_i32 = arith.constant 0 : i32
    %c0_i32_2 = arith.constant 0 : i32
    return %c0_i32, %min3A : i32, i32
  }
  func.func @transform_1(%arg0: i32) -> (i32, i32) {
    %c0_i32 = arith.constant 0 : i32
    %c0_i32_0 = arith.constant 0 : i32
    return %c0_i32, %arg0 : i32, i32
  }
  func.func @transform_2(%arg0: i32) -> (i32, i32) {
    %add3A = arith.constant 1 : i32
    %add3A_0 = arith.addi %arg0, %add3A : i32
    %jit3A = arith.constant 0 : i32
    %jit3A_1 = arith.constant 27 : i32
    %max3A = arith.maxsi %jit3A, %add3A_0 : i32
    %min3A = arith.minsi %jit3A_1, %max3A : i32
    %c0_i32 = arith.constant 0 : i32
    %c0_i32_2 = arith.constant 0 : i32
    return %c0_i32, %min3A : i32, i32
  }
  func.func @transform_3(%arg0: i32) -> (i32, i32, i32) {
    %c0_i32 = arith.constant 0 : i32
    %c0_i32_0 = arith.constant 0 : i32
    %c0_i32_1 = arith.constant 0 : i32
    %c0_i32_2 = arith.constant 0 : i32
    return %c0_i32, %c0_i32_0, %c0_i32_1 : i32, i32, i32
  }
  func.func @transform_4(%arg0: i32) -> (i32, i32) {
    %c0_i32 = arith.constant 0 : i32
    %c0_i32_0 = arith.constant 0 : i32
    %c0_i32_1 = arith.constant 0 : i32
    return %c0_i32, %c0_i32_0 : i32, i32
  }
  func.func @transform_5(%arg0: i32) -> (i32, i32) {
    %c0_i32 = arith.constant 0 : i32
    %c0_i32_0 = arith.constant 0 : i32
    %c0_i32_1 = arith.constant 0 : i32
    return %c0_i32, %c0_i32_0 : i32, i32
  }
  func.func @transform_6(%arg0: i32) -> (i32, i32) {
    %c0_i32 = arith.constant 0 : i32
    %c0_i32_0 = arith.constant 0 : i32
    %c0_i32_1 = arith.constant 0 : i32
    return %c0_i32, %c0_i32_0 : i32, i32
  }
  func.func @transform_7(%arg0: i32) -> (i32, i32) {
    %c0_i32 = arith.constant 0 : i32
    %c0_i32_0 = arith.constant 0 : i32
    %c0_i32_1 = arith.constant 0 : i32
    return %c0_i32, %c0_i32_0 : i32, i32
  }
  func.func @transform_8(%arg0: i32) -> (i32, i32) {
    %c0_i32 = arith.constant 0 : i32
    %c0_i32_0 = arith.constant 0 : i32
    return %arg0, %c0_i32 : i32, i32
  }
  func.func @transform_9(%arg0: i32) -> (i32, i32) {
    %c0_i32 = arith.constant 0 : i32
    %c0_i32_0 = arith.constant 0 : i32
    return %arg0, %c0_i32 : i32, i32
  }
  func.func @transform_10(%arg0: i32) -> (i32, i32, i32) {
    %c0_i32 = arith.constant 0 : i32
    %c0_i32_0 = arith.constant 0 : i32
    %c0_i32_1 = arith.constant 0 : i32
    return %arg0, %c0_i32, %c0_i32_0 : i32, i32, i32
  }
  func.func @transform_11(%arg0: i32) -> (i32, i32, i32) {
    %c0_i32 = arith.constant 0 : i32
    %c0_i32_0 = arith.constant 0 : i32
    %c0_i32_1 = arith.constant 0 : i32
    return %arg0, %c0_i32, %c0_i32_0 : i32, i32, i32
  }
  func.func @transform_12(%arg0: i32) -> (i32, i32) {
    %c0_i32 = arith.constant 0 : i32
    %c0_i32_0 = arith.constant 0 : i32
    %c0_i32_1 = arith.constant 0 : i32
    return %c0_i32, %c0_i32_0 : i32, i32
  }
}

module attributes {stable_mosaic.version = 14 : i64} {
  func.func @_att_body(%arg0: i32, %arg1: memref<144x128xf32, #tpu.memory_space<vmem>>, %arg2: memref<144x256xf32, #tpu.memory_space<vmem>>, %arg3: memref<144x256xf32, #tpu.memory_space<vmem>>, %arg4: memref<3x144x64xbf16, #tpu.memory_space<vmem>>, %arg5: memref<3x144x64xbf16, #tpu.memory_space<vmem>>, %arg6: memref<3x144x1xf32, #tpu.memory_space<vmem>>, %arg7: memref<3x144x256xbf16, #tpu.memory_space<vmem>>) attributes {dimension_semantics = [#tpu.dimension_semantics<arbitrary>], iteration_bounds = array<i64: 351>, scalar_prefetch = 0 : i64, scratch_operands = 4 : i64, tpu.core_type = #tpu.core_type<tc>, window_params = [{transform_indices = @transform_0, window_bounds = array<i64: 144, 128>}, {transform_indices = @transform_1, window_bounds = array<i64: 144, 256>}, {transform_indices = @transform_2, window_bounds = array<i64: 144, 256>}]} {
    %rem3A = arith.constant 3 : i32
    %rem3A_0 = arith.remsi %arg0, %rem3A : i32
    %get3A = arith.constant 0 : index
    %get3A_1 = arith.constant 0 : index
    %get3A_2 = vector.load %arg1[%get3A, %get3A_1] : memref<144x128xf32, #tpu.memory_space<vmem>>, vector<144x64xf32>
    %convert_element_type3A = arith.truncf %get3A_2 : vector<144x64xf32> to vector<144x64xbf16>
    %convert_element_type3A_3 = arith.extf %convert_element_type3A : vector<144x64xbf16> to vector<144x64xf32>
    %sub3A = arith.subf %get3A_2, %convert_element_type3A_3 : vector<144x64xf32>
    %convert_element_type3A_4 = arith.truncf %sub3A : vector<144x64xf32> to vector<144x64xbf16>
    %broadcast_in_dim3A = vector.shape_cast %convert_element_type3A : vector<144x64xbf16> to vector<1x144x64xbf16>
    %swap3A = arith.index_cast %rem3A_0 : i32 to index
    %swap3A_5 = arith.constant 0 : index
    %swap3A_6 = arith.constant 0 : index
    %swap3A_7 = vector.load %arg4[%swap3A, %swap3A_5, %swap3A_6] : memref<3x144x64xbf16, #tpu.memory_space<vmem>>, vector<1x144x64xbf16>
    tpu.vector_store %arg4[%swap3A, %swap3A_5, %swap3A_6], %broadcast_in_dim3A {strides = array<i32>} : memref<3x144x64xbf16, #tpu.memory_space<vmem>>, vector<1x144x64xbf16>,
    %broadcast_in_dim3A_8 = vector.shape_cast %convert_element_type3A_4 : vector<144x64xbf16> to vector<1x144x64xbf16>
    %swap3A_9 = arith.index_cast %rem3A_0 : i32 to index
    %swap3A_10 = arith.constant 0 : index
    %swap3A_11 = arith.constant 0 : index
    %swap3A_12 = vector.load %arg5[%swap3A_9, %swap3A_10, %swap3A_11] : memref<3x144x64xbf16, #tpu.memory_space<vmem>>, vector<1x144x64xbf16>
    tpu.vector_store %arg5[%swap3A_9, %swap3A_10, %swap3A_11], %broadcast_in_dim3A_8 {strides = array<i32>} : memref<3x144x64xbf16, #tpu.memory_space<vmem>>, vector<1x144x64xbf16>,
    %get3A_13 = arith.constant 0 : index
    %get3A_14 = arith.constant 64 : index
    %get3A_15 = vector.load %arg1[%get3A_13, %get3A_14] : memref<144x128xf32, #tpu.memory_space<vmem>>, vector<144x1xf32>
    %broadcast_in_dim3A_16 = vector.shape_cast %get3A_15 : vector<144x1xf32> to vector<1x144x1xf32>
    %swap3A_17 = arith.index_cast %rem3A_0 : i32 to index
    %swap3A_18 = arith.constant 0 : index
    %swap3A_19 = arith.constant 0 : index
    %swap3A_20 = vector.load %arg6[%swap3A_17, %swap3A_18, %swap3A_19] : memref<3x144x1xf32, #tpu.memory_space<vmem>>, vector<1x144x1xf32>
    tpu.vector_store %arg6[%swap3A_17, %swap3A_18, %swap3A_19], %broadcast_in_dim3A_16 {strides = array<i32>} : memref<3x144x1xf32, #tpu.memory_space<vmem>>, vector<1x144x1xf32>,
    %get3A_21 = arith.constant 0 : index
    %get3A_22 = arith.constant 0 : index
    %get3A_23 = vector.load %arg2[%get3A_21, %get3A_22] : memref<144x256xf32, #tpu.memory_space<vmem>>, vector<144x256xf32>
    %convert_element_type3A_24 = arith.truncf %get3A_23 : vector<144x256xf32> to vector<144x256xbf16>
    %broadcast_in_dim3A_25 = vector.shape_cast %convert_element_type3A_24 : vector<144x256xbf16> to vector<1x144x256xbf16>
    %swap3A_26 = arith.index_cast %rem3A_0 : i32 to index
    %swap3A_27 = arith.constant 0 : index
    %swap3A_28 = arith.constant 0 : index
    %swap3A_29 = vector.load %arg7[%swap3A_26, %swap3A_27, %swap3A_28] : memref<3x144x256xbf16, #tpu.memory_space<vmem>>, vector<1x144x256xbf16>
    tpu.vector_store %arg7[%swap3A_26, %swap3A_27, %swap3A_28], %broadcast_in_dim3A_25 {strides = array<i32>} : memref<3x144x256xbf16, #tpu.memory_space<vmem>>, vector<1x144x256xbf16>,
    %ge3A = arith.constant 2 : i32
    %ge3A_30 = arith.cmpi sge, %arg0, %ge3A : i32
    %convert_element_type3A_31 = arith.extui %ge3A_30 : i1 to i32
    %cond3A = arith.constant 0 : i32
    %cond3A_32 = arith.cmpi ne, %convert_element_type3A_31, %cond3A : i32
    scf.if %cond3A_32 {
      %add3A = arith.constant 2 : i32
      %add3A_33 = arith.addi %arg0, %add3A : i32
      %rem3A_34 = arith.constant 3 : i32
      %rem3A_35 = arith.remsi %add3A_33, %rem3A_34 : i32
      %add3A_36 = arith.constant 1 : i32
      %add3A_37 = arith.addi %arg0, %add3A_36 : i32
      %rem3A_38 = arith.constant 3 : i32
      %rem3A_39 = arith.remsi %add3A_37, %rem3A_38 : i32
      %get3A_40 = arith.index_cast %rem3A_35 : i32 to index
      %get3A_41 = arith.constant 0 : index
      %get3A_42 = arith.constant 0 : index
      %get3A_43 = vector.load %arg4[%get3A_40, %get3A_41, %get3A_42] : memref<3x144x64xbf16, #tpu.memory_space<vmem>>, vector<1x144x64xbf16>
      %reshape3A = vector.shape_cast %get3A_43 : vector<1x144x64xbf16> to vector<144x64xbf16>
      %get3A_44 = arith.index_cast %rem3A_35 : i32 to index
      %get3A_45 = arith.constant 0 : index
      %get3A_46 = arith.constant 0 : index
      %get3A_47 = vector.load %arg5[%get3A_44, %get3A_45, %get3A_46] : memref<3x144x64xbf16, #tpu.memory_space<vmem>>, vector<1x144x64xbf16>
      %reshape3A_48 = vector.shape_cast %get3A_47 : vector<1x144x64xbf16> to vector<144x64xbf16>
      %get3A_49 = arith.index_cast %rem3A_35 : i32 to index
      %get3A_50 = arith.constant 0 : index
      %get3A_51 = arith.constant 0 : index
      %get3A_52 = vector.load %arg6[%get3A_49, %get3A_50, %get3A_51] : memref<3x144x1xf32, #tpu.memory_space<vmem>>, vector<1x144x1xf32>
      %reshape3A_53 = vector.shape_cast %get3A_52 : vector<1x144x1xf32> to vector<144x1xf32>
      %get3A_54 = arith.index_cast %rem3A_35 : i32 to index
      %get3A_55 = arith.constant 0 : index
      %get3A_56 = arith.constant 0 : index
      %get3A_57 = vector.load %arg4[%get3A_54, %get3A_55, %get3A_56] : memref<3x144x64xbf16, #tpu.memory_space<vmem>>, vector<1x144x64xbf16>
      %reshape3A_58 = vector.shape_cast %get3A_57 : vector<1x144x64xbf16> to vector<144x64xbf16>
      %get3A_59 = arith.index_cast %rem3A_35 : i32 to index
      %get3A_60 = arith.constant 0 : index
      %get3A_61 = arith.constant 0 : index
      %get3A_62 = vector.load %arg5[%get3A_59, %get3A_60, %get3A_61] : memref<3x144x64xbf16, #tpu.memory_space<vmem>>, vector<1x144x64xbf16>
      %reshape3A_63 = vector.shape_cast %get3A_62 : vector<1x144x64xbf16> to vector<144x64xbf16>
      %dot_general3A = arith.constant dense<0.000000e+00> : vector<144x144xf32>
      %dot_general3A_64 = tpu.matmul %reshape3A, %reshape3A_58, %dot_general3A {dimension_numbers = #tpu.dot_dimension_numbers<[1], [1], [0], [0], [0, 0, 1, 0], [], []>, transpose_lhs_hint = false} : vector<144x64xbf16>, vector<144x64xbf16>, vector<144x144xf32> -> vector<144x144xf32>
      %dot_general3A_65 = arith.constant dense<0.000000e+00> : vector<144x144xf32>
      %dot_general3A_66 = tpu.matmul %reshape3A, %reshape3A_63, %dot_general3A_65 {dimension_numbers = #tpu.dot_dimension_numbers<[1], [1], [0], [0], [0, 0, 1, 0], [], []>, transpose_lhs_hint = false} : vector<144x64xbf16>, vector<144x64xbf16>, vector<144x144xf32> -> vector<144x144xf32>
      %add3A_67 = arith.addf %dot_general3A_64, %dot_general3A_66 : vector<144x144xf32>
      %dot_general3A_68 = arith.constant dense<0.000000e+00> : vector<144x144xf32>
      %dot_general3A_69 = tpu.matmul %reshape3A_48, %reshape3A_58, %dot_general3A_68 {dimension_numbers = #tpu.dot_dimension_numbers<[1], [1], [0], [0], [0, 0, 1, 0], [], []>, transpose_lhs_hint = false} : vector<144x64xbf16>, vector<144x64xbf16>, vector<144x144xf32> -> vector<144x144xf32>
      %add3A_70 = arith.addf %add3A_67, %dot_general3A_69 : vector<144x144xf32>
      %mul3A = vector.broadcast %reshape3A_53 : vector<144x1xf32> to vector<144x144xf32>
      %mul3A_71 = arith.mulf %add3A_70, %mul3A : vector<144x144xf32>
      %get3A_72 = arith.index_cast %rem3A_35 : i32 to index
      %get3A_73 = arith.constant 0 : index
      %get3A_74 = arith.constant 0 : index
      %get3A_75 = vector.load %arg7[%get3A_72, %get3A_73, %get3A_74] : memref<3x144x256xbf16, #tpu.memory_space<vmem>>, vector<1x144x256xbf16>
      %reshape3A_76 = vector.shape_cast %get3A_75 : vector<1x144x256xbf16> to vector<144x256xbf16>
      %get3A_77 = arith.index_cast %rem3A_39 : i32 to index
      %get3A_78 = arith.constant 0 : index
      %get3A_79 = arith.constant 0 : index
      %get3A_80 = vector.load %arg4[%get3A_77, %get3A_78, %get3A_79] : memref<3x144x64xbf16, #tpu.memory_space<vmem>>, vector<1x144x64xbf16>
      %reshape3A_81 = vector.shape_cast %get3A_80 : vector<1x144x64xbf16> to vector<144x64xbf16>
      %get3A_82 = arith.index_cast %rem3A_39 : i32 to index
      %get3A_83 = arith.constant 0 : index
      %get3A_84 = arith.constant 0 : index
      %get3A_85 = vector.load %arg5[%get3A_82, %get3A_83, %get3A_84] : memref<3x144x64xbf16, #tpu.memory_space<vmem>>, vector<1x144x64xbf16>
      %reshape3A_86 = vector.shape_cast %get3A_85 : vector<1x144x64xbf16> to vector<144x64xbf16>
      %dot_general3A_87 = arith.constant dense<0.000000e+00> : vector<144x144xf32>
      %dot_general3A_88 = tpu.matmul %reshape3A, %reshape3A_81, %dot_general3A_87 {dimension_numbers = #tpu.dot_dimension_numbers<[1], [1], [0], [0], [0, 0, 1, 0], [], []>, transpose_lhs_hint = false} : vector<144x64xbf16>, vector<144x64xbf16>, vector<144x144xf32> -> vector<144x144xf32>
      %dot_general3A_89 = arith.constant dense<0.000000e+00> : vector<144x144xf32>
      %dot_general3A_90 = tpu.matmul %reshape3A, %reshape3A_86, %dot_general3A_89 {dimension_numbers = #tpu.dot_dimension_numbers<[1], [1], [0], [0], [0, 0, 1, 0], [], []>, transpose_lhs_hint = false} : vector<144x64xbf16>, vector<144x64xbf16>, vector<144x144xf32> -> vector<144x144xf32>
      %add3A_91 = arith.addf %dot_general3A_88, %dot_general3A_90 : vector<144x144xf32>
      %dot_general3A_92 = arith.constant dense<0.000000e+00> : vector<144x144xf32>
      %dot_general3A_93 = tpu.matmul %reshape3A_48, %reshape3A_81, %dot_general3A_92 {dimension_numbers = #tpu.dot_dimension_numbers<[1], [1], [0], [0], [0, 0, 1, 0], [], []>, transpose_lhs_hint = false} : vector<144x64xbf16>, vector<144x64xbf16>, vector<144x144xf32> -> vector<144x144xf32>
      %add3A_94 = arith.addf %add3A_91, %dot_general3A_93 : vector<144x144xf32>
      %mul3A_95 = vector.broadcast %reshape3A_53 : vector<144x1xf32> to vector<144x144xf32>
      %mul3A_96 = arith.mulf %add3A_94, %mul3A_95 : vector<144x144xf32>
      %get3A_97 = arith.index_cast %rem3A_39 : i32 to index
      %get3A_98 = arith.constant 0 : index
      %get3A_99 = arith.constant 0 : index
      %get3A_100 = vector.load %arg7[%get3A_97, %get3A_98, %get3A_99] : memref<3x144x256xbf16, #tpu.memory_space<vmem>>, vector<1x144x256xbf16>
      %reshape3A_101 = vector.shape_cast %get3A_100 : vector<1x144x256xbf16> to vector<144x256xbf16>
      %get3A_102 = arith.index_cast %rem3A_0 : i32 to index
      %get3A_103 = arith.constant 0 : index
      %get3A_104 = arith.constant 0 : index
      %get3A_105 = vector.load %arg4[%get3A_102, %get3A_103, %get3A_104] : memref<3x144x64xbf16, #tpu.memory_space<vmem>>, vector<1x144x64xbf16>
      %reshape3A_106 = vector.shape_cast %get3A_105 : vector<1x144x64xbf16> to vector<144x64xbf16>
      %get3A_107 = arith.index_cast %rem3A_0 : i32 to index
      %get3A_108 = arith.constant 0 : index
      %get3A_109 = arith.constant 0 : index
      %get3A_110 = vector.load %arg5[%get3A_107, %get3A_108, %get3A_109] : memref<3x144x64xbf16, #tpu.memory_space<vmem>>, vector<1x144x64xbf16>
      %reshape3A_111 = vector.shape_cast %get3A_110 : vector<1x144x64xbf16> to vector<144x64xbf16>
      %dot_general3A_112 = arith.constant dense<0.000000e+00> : vector<144x144xf32>
      %dot_general3A_113 = tpu.matmul %reshape3A, %reshape3A_106, %dot_general3A_112 {dimension_numbers = #tpu.dot_dimension_numbers<[1], [1], [0], [0], [0, 0, 1, 0], [], []>, transpose_lhs_hint = false} : vector<144x64xbf16>, vector<144x64xbf16>, vector<144x144xf32> -> vector<144x144xf32>
      %dot_general3A_114 = arith.constant dense<0.000000e+00> : vector<144x144xf32>
      %dot_general3A_115 = tpu.matmul %reshape3A, %reshape3A_111, %dot_general3A_114 {dimension_numbers = #tpu.dot_dimension_numbers<[1], [1], [0], [0], [0, 0, 1, 0], [], []>, transpose_lhs_hint = false} : vector<144x64xbf16>, vector<144x64xbf16>, vector<144x144xf32> -> vector<144x144xf32>
      %add3A_116 = arith.addf %dot_general3A_113, %dot_general3A_115 : vector<144x144xf32>
      %dot_general3A_117 = arith.constant dense<0.000000e+00> : vector<144x144xf32>
      %dot_general3A_118 = tpu.matmul %reshape3A_48, %reshape3A_106, %dot_general3A_117 {dimension_numbers = #tpu.dot_dimension_numbers<[1], [1], [0], [0], [0, 0, 1, 0], [], []>, transpose_lhs_hint = false} : vector<144x64xbf16>, vector<144x64xbf16>, vector<144x144xf32> -> vector<144x144xf32>
      %add3A_119 = arith.addf %add3A_116, %dot_general3A_118 : vector<144x144xf32>
      %mul3A_120 = vector.broadcast %reshape3A_53 : vector<144x1xf32> to vector<144x144xf32>
      %mul3A_121 = arith.mulf %add3A_119, %mul3A_120 : vector<144x144xf32>
      %get3A_122 = arith.index_cast %rem3A_0 : i32 to index
      %get3A_123 = arith.constant 0 : index
      %get3A_124 = arith.constant 0 : index
      %get3A_125 = vector.load %arg7[%get3A_122, %get3A_123, %get3A_124] : memref<3x144x256xbf16, #tpu.memory_space<vmem>>, vector<1x144x256xbf16>
      %reshape3A_126 = vector.shape_cast %get3A_125 : vector<1x144x256xbf16> to vector<144x256xbf16>
      %reduce_max3A = arith.constant dense<0xFF800000> : vector<144xf32>
      %reduce_max3A_127 = vector.multi_reduction <maximumf>, %mul3A_71, %reduce_max3A [1] : vector<144x144xf32> to vector<144xf32>
      %broadcast_in_dim3A_128 = vector.shape_cast %reduce_max3A_127 : vector<144xf32> to vector<144x1xf32>
      %reduce_max3A_129 = arith.constant dense<0xFF800000> : vector<144xf32>
      %reduce_max3A_130 = vector.multi_reduction <maximumf>, %mul3A_96, %reduce_max3A_129 [1] : vector<144x144xf32> to vector<144xf32>
      %broadcast_in_dim3A_131 = vector.shape_cast %reduce_max3A_130 : vector<144xf32> to vector<144x1xf32>
      %max3A = arith.maximumf %broadcast_in_dim3A_128, %broadcast_in_dim3A_131 : vector<144x1xf32>
      %reduce_max3A_132 = arith.constant dense<0xFF800000> : vector<144xf32>
      %reduce_max3A_133 = vector.multi_reduction <maximumf>, %mul3A_121, %reduce_max3A_132 [1] : vector<144x144xf32> to vector<144xf32>
      %broadcast_in_dim3A_134 = vector.shape_cast %reduce_max3A_133 : vector<144xf32> to vector<144x1xf32>
      %max3A_135 = arith.maximumf %max3A, %broadcast_in_dim3A_134 : vector<144x1xf32>
      %sub3A_136 = vector.broadcast %max3A_135 : vector<144x1xf32> to vector<144x144xf32>
      %sub3A_137 = arith.subf %mul3A_71, %sub3A_136 : vector<144x144xf32>
      %exp3A = math.exp %sub3A_137 : vector<144x144xf32>
      %sub3A_138 = vector.broadcast %max3A_135 : vector<144x1xf32> to vector<144x144xf32>
      %sub3A_139 = arith.subf %mul3A_96, %sub3A_138 : vector<144x144xf32>
      %exp3A_140 = math.exp %sub3A_139 : vector<144x144xf32>
      %sub3A_141 = vector.broadcast %max3A_135 : vector<144x1xf32> to vector<144x144xf32>
      %sub3A_142 = arith.subf %mul3A_121, %sub3A_141 : vector<144x144xf32>
      %exp3A_143 = math.exp %sub3A_142 : vector<144x144xf32>
      %reduce_sum3A = arith.constant dense<0.000000e+00> : vector<144xf32>
      %reduce_sum3A_144 = vector.multi_reduction <add>, %exp3A, %reduce_sum3A [1] : vector<144x144xf32> to vector<144xf32>
      %broadcast_in_dim3A_145 = vector.shape_cast %reduce_sum3A_144 : vector<144xf32> to vector<144x1xf32>
      %reduce_sum3A_146 = arith.constant dense<0.000000e+00> : vector<144xf32>
      %reduce_sum3A_147 = vector.multi_reduction <add>, %exp3A_140, %reduce_sum3A_146 [1] : vector<144x144xf32> to vector<144xf32>
      %broadcast_in_dim3A_148 = vector.shape_cast %reduce_sum3A_147 : vector<144xf32> to vector<144x1xf32>
      %add3A_149 = arith.addf %broadcast_in_dim3A_145, %broadcast_in_dim3A_148 : vector<144x1xf32>
      %reduce_sum3A_150 = arith.constant dense<0.000000e+00> : vector<144xf32>
      %reduce_sum3A_151 = vector.multi_reduction <add>, %exp3A_143, %reduce_sum3A_150 [1] : vector<144x144xf32> to vector<144xf32>
      %broadcast_in_dim3A_152 = vector.shape_cast %reduce_sum3A_151 : vector<144xf32> to vector<144x1xf32>
      %add3A_153 = arith.addf %add3A_149, %broadcast_in_dim3A_152 : vector<144x1xf32>
      %convert_element_type3A_154 = arith.truncf %exp3A : vector<144x144xf32> to vector<144x144xbf16>
      %dot_general3A_155 = arith.constant dense<0.000000e+00> : vector<144x256xf32>
      %dot_general3A_156 = tpu.matmul %convert_element_type3A_154, %reshape3A_76, %dot_general3A_155 {dimension_numbers = #tpu.dot_dimension_numbers<[1], [0], [0], [1], [0, 0, 1, 1], [], []>, transpose_lhs_hint = false} : vector<144x144xbf16>, vector<144x256xbf16>, vector<144x256xf32> -> vector<144x256xf32>
      %add3A_157 = arith.constant 0.000000e+00 : f32
      %add3A_158 = vector.broadcast %add3A_157 : f32 to vector<144x256xf32>
      %add3A_159 = arith.addf %add3A_158, %dot_general3A_156 : vector<144x256xf32>
      %convert_element_type3A_160 = arith.truncf %exp3A_140 : vector<144x144xf32> to vector<144x144xbf16>
      %dot_general3A_161 = arith.constant dense<0.000000e+00> : vector<144x256xf32>
      %dot_general3A_162 = tpu.matmul %convert_element_type3A_160, %reshape3A_101, %dot_general3A_161 {dimension_numbers = #tpu.dot_dimension_numbers<[1], [0], [0], [1], [0, 0, 1, 1], [], []>, transpose_lhs_hint = false} : vector<144x144xbf16>, vector<144x256xbf16>, vector<144x256xf32> -> vector<144x256xf32>
      %add3A_163 = arith.addf %add3A_159, %dot_general3A_162 : vector<144x256xf32>
      %convert_element_type3A_164 = arith.truncf %exp3A_143 : vector<144x144xf32> to vector<144x144xbf16>
      %dot_general3A_165 = arith.constant dense<0.000000e+00> : vector<144x256xf32>
      %dot_general3A_166 = tpu.matmul %convert_element_type3A_164, %reshape3A_126, %dot_general3A_165 {dimension_numbers = #tpu.dot_dimension_numbers<[1], [0], [0], [1], [0, 0, 1, 1], [], []>, transpose_lhs_hint = false} : vector<144x144xbf16>, vector<144x256xbf16>, vector<144x256xf32> -> vector<144x256xf32>
      %add3A_167 = arith.addf %add3A_163, %dot_general3A_166 : vector<144x256xf32>
      %div3A = arith.constant 1.000000e+00 : f32
      %div3A_168 = vector.broadcast %div3A : f32 to vector<144x1xf32>
      %div3A_169 = arith.divf %div3A_168, %add3A_153 : vector<144x1xf32>
      %mul3A_170 = vector.broadcast %div3A_169 : vector<144x1xf32> to vector<144x256xf32>
      %mul3A_171 = arith.mulf %add3A_167, %mul3A_170 : vector<144x256xf32>
      %swap3A_172 = arith.constant 0 : index
      %swap3A_173 = arith.constant 0 : index
      %swap3A_174 = vector.load %arg3[%swap3A_172, %swap3A_173] : memref<144x256xf32, #tpu.memory_space<vmem>>, vector<144x256xf32>
      tpu.vector_store %arg3[%swap3A_172, %swap3A_173], %mul3A_171 {strides = array<i32>} : memref<144x256xf32, #tpu.memory_space<vmem>>, vector<144x256xf32>,
    } else {
    }
    return
  }
  func.func @transform_0(%arg0: i32) -> (i32, i32) {
    %add3A = arith.constant 349 : i32
    %add3A_0 = arith.addi %arg0, %add3A : i32
    %sub3A = arith.constant 1 : i32
    %sub3A_1 = arith.subi %add3A_0, %sub3A : i32
    %jit3A = arith.constant 349 : i32
    %eq3A = arith.constant 0 : i32
    %eq3A_2 = arith.cmpi eq, %jit3A, %eq3A : i32
    %jit3A_3 = arith.constant 1 : i32
    %select_n3A = arith.select %eq3A_2, %jit3A_3, %jit3A : i32
    %rem3A = arith.remsi %sub3A_1, %select_n3A : i32
    %ne3A = arith.constant 0 : i32
    %ne3A_4 = arith.cmpi ne, %rem3A, %ne3A : i32
    %lt3A = arith.constant 0 : i32
    %lt3A_5 = arith.cmpi slt, %rem3A, %lt3A : i32
    %lt3A_6 = arith.constant 0 : i32
    %lt3A_7 = arith.cmpi slt, %select_n3A, %lt3A_6 : i32
    %ne3A_8 = arith.xori %lt3A_5, %lt3A_7 : i1
    %and3A = arith.andi %ne3A_8, %ne3A_4 : i1
    %add3A_9 = arith.addi %rem3A, %select_n3A : i32
    %select_n3A_10 = arith.select %and3A, %add3A_9, %rem3A : i32
    %c0_i32 = arith.constant 0 : i32
    %c0_i32_11 = arith.constant 0 : i32
    return %select_n3A_10, %c0_i32 : i32, i32
  }
  func.func @transform_1(%arg0: i32) -> (i32, i32) {
    %add3A = arith.constant 349 : i32
    %add3A_0 = arith.addi %arg0, %add3A : i32
    %sub3A = arith.constant 1 : i32
    %sub3A_1 = arith.subi %add3A_0, %sub3A : i32
    %jit3A = arith.constant 349 : i32
    %eq3A = arith.constant 0 : i32
    %eq3A_2 = arith.cmpi eq, %jit3A, %eq3A : i32
    %jit3A_3 = arith.constant 1 : i32
    %select_n3A = arith.select %eq3A_2, %jit3A_3, %jit3A : i32
    %rem3A = arith.remsi %sub3A_1, %select_n3A : i32
    %ne3A = arith.constant 0 : i32
    %ne3A_4 = arith.cmpi ne, %rem3A, %ne3A : i32
    %lt3A = arith.constant 0 : i32
    %lt3A_5 = arith.cmpi slt, %rem3A, %lt3A : i32
    %lt3A_6 = arith.constant 0 : i32
    %lt3A_7 = arith.cmpi slt, %select_n3A, %lt3A_6 : i32
    %ne3A_8 = arith.xori %lt3A_5, %lt3A_7 : i1
    %and3A = arith.andi %ne3A_8, %ne3A_4 : i1
    %add3A_9 = arith.addi %rem3A, %select_n3A : i32
    %select_n3A_10 = arith.select %and3A, %add3A_9, %rem3A : i32
    %c0_i32 = arith.constant 0 : i32
    %c0_i32_11 = arith.constant 0 : i32
    return %select_n3A_10, %c0_i32 : i32, i32
  }
  func.func @transform_2(%arg0: i32) -> (i32, i32) {
    %lt3A = arith.constant 2 : i32
    %lt3A_0 = arith.cmpi slt, %arg0, %lt3A : i32
    %sub3A = arith.constant 2 : i32
    %sub3A_1 = arith.subi %arg0, %sub3A : i32
    %jit3A = arith.constant 349 : i32
    %select_n3A = arith.select %lt3A_0, %jit3A, %sub3A_1 : i32
    %c0_i32 = arith.constant 0 : i32
    %c0_i32_2 = arith.constant 0 : i32
    return %select_n3A, %c0_i32 : i32, i32
  }
}

</mosaic_0001>

<sc_bundles>
// kernel: kernel.11.cloned.1.call-start
scs
__scs_entry_jumppad:
0x0: {  	(pc) =	sbr.rel $0x88, $3  }
0x1: {  	(tag) =	ssettag $0x0;
	lr =	simm.s32 $0x1  }
0x2: {  	[smem:$0x3F9B] =	sst lr;
	_ =	strace $0xD0000000  }
0x3: {  	_ = 	snop  }
0x4: {  	_ = 	snop  }
0x5: {  	_ = 	snop  }
0x6: {  	_ = 	snop  }
0x7: {  	_ = 	snop  }
__scs_overlays_trampoline_lowered:
0x8: {  	[smem:$0x3FAA] =	sst s0  }
0x9: {  	[smem:$0x3FAB] =	sst s1  }
0xa: {  	[smem:$0x3FAC] =	sst s2  }
0xb: {  	[smem:$0x3FAD] =	sst s3  }
0xc: {  	[smem:$0x3FAE] =	sst s4  }
0xd: {  	[smem:$0x3FAF] =	sst s5  }
0xe: {  	[smem:$0x3FB0] =	sst s6  }
0xf: {  	[smem:$0x3FB1] =	sst s7  }
0x10: {  	[smem:$0x3FB2] =	sst s8  }
0x11: {  	[smem:$0x3FB3] =	sst s9;
	s0 =	simm.s32 @!p0 $0x0  }
0x12: {  	s1 =	sld [smem:$0x3F99];
	s0 =	simm.s32 @p0 $0x1  }
0x13: {  	[smem:$0x3FB4] =	sst s0;
	s0 =	simm.s32 @!p1 $0x0  }
0x14: {  	s2 =	sld [smem:$0x3F98];
	s0 =	simm.s32 @p1 $0x1  }
0x15: {  	[smem:$0x3FB5] =	sst s0;
	s0 =	simm.s32 @!p2 $0x0  }
0x16: {  	s3 =	sld [smem:$0x3FDB];
	s0 =	simm.s32 @p2 $0x1  }
0x17: {  	s4 =	simm.s32 $0x1BF5;
	[smem:$0x3FB7] =	sst s0  }
0x18: {  	s0 =	sld [smem:$0x3F9A];
	_ =	swait.ge [sflag:s4], $0x0  }
0x19: {  	s7 =	sld [smem:$0x3F9B]  }
0x1a: {  	s8 =	sadd.s32 $0xFFFFE003, lr  }
0x1b: {  	s9 =	sadd.s32 $0xFFFFFEF7, lr;
	s5 =	simm.s32 $0xFFFFFFFF;
	p2 =	slt.u32 s8, $0xFFFFF086  }
0x1c: {  	p1 =	slt.u32 s9, $0xF7A;
	s5 =	simm.s32 @!p2 $0x0  }
0x1d: {  	s5 =	simm.s32 @p1 $0x1;
	p0 =	seq.s32 s7, s2  }
0x1e: {  	s7 =	smul.u32 @!p0 $0xF7A, s2;
	p2 =	seq.s32 @!p0 s5, $0x0  }
0x1f: {  	s9 =	smul.u32 $0xF7A, s1;
	s8 =	simm.s32 @!p0 $0x1BF5;
	p2 =	por !p2, p0  }
0x20: {  	[sflag:s8] =	ssyncset.s32 @!p0 $0xFFFFF086;
	s6 =	sadd.s32 @!p0 s3, s7;
	s7 =	simm.s32 @!p0 $0x108  }
0x21: {  	s3 =	sadd.s32 s3, s9;
	s6 =	sadd.s32 @!p0 $0x88, s6;
	s7 =	simm.s32 @p2 $0x1082  }
0x22: {  	[simem:s7], [sflag:s8] =	dma.local @!p0 [hbm:s6], $0xF7A  }
0x23: {  	s9 =	sor.u32 $0xD0000000, s2;
	s6 =	simm.s32 $0x108;
	_ =	swait.ge @!p0 [sflag:s8], $0x0  }
0x24: {  	s3 =	sadd.s32 $0x88, s3;
	s6 =	simm.s32 @!p1 $0x1082;
	[sflag:s4] =	ssyncset.s32 $0xFFFFF086  }
0x25: {  	[simem:s6], [sflag:s4] =	dma.local [hbm:s3], $0xF7A  }
0x26: {  	[smem:$0x3F9B] =	sst s1;
	(tag) =	ssettag s2;
	_ =	strace s9  }
0x27: {  	s1 =	sld [smem:$0x3FAB]  }
0x28: {  	s2 =	sld [smem:$0x3FAC]  }
0x29: {  	s4 =	sld [smem:$0x3FAE]  }
0x2a: {  	p0 =	seq.s32 s5, $0x0;
	s5 =	sld [smem:$0x3FAF]  }
0x2b: {  	s6 =	sld [smem:$0x3FB0]  }
0x2c: {  	s7 =	sld [smem:$0x3FB1]  }
0x2d: {  	s3 =	simm.s32 $0x108;
	s8 =	sld [smem:$0x3FB2]  }
0x2e: {  	s3 =	simm.s32 @!p0 $0x1082;
	s9 =	sld [smem:$0x3FB3]  }
0x2f: {  	lr =	sadd.s32 s0, s3;
	s0 =	sld [smem:$0x3FAA]  }
0x30: {  	s3 =	sld [smem:$0x3FAD]  }
0x31: {  	[smem:$0x3FB6] =	sst s10  }
0x32: {  	s10 =	sld [smem:$0x3FB4];
	_ =	sdelay $0x3  }
0x33: {  	p0 =	seq.s32 s10, $0x1;
	s10 =	sld [smem:$0x3FB6];
	_ =	sdelay $0x3  }
0x34: {  	[smem:$0x3FB6] =	sst s10  }
0x35: {  	s10 =	sld [smem:$0x3FB5];
	_ =	sdelay $0x3  }
0x36: {  	p1 =	seq.s32 s10, $0x1;
	s10 =	sld [smem:$0x3FB6];
	_ =	sdelay $0x3  }
0x37: {  	[smem:$0x3FB6] =	sst s10  }
0x38: {  	s10 =	sld [smem:$0x3FB7]  }
0x39: {  	_ = 	snop;
	(pc) =	sbr.ind lr, $3  }
0x3a: {  	_ = 	snop  }
0x3b: {  	_ = 	snop  }
0x3c: {  	p2 =	seq.s32 s10, $0x1;
	s10 =	sld [smem:$0x3FB6]  }
0x3d: {  	_ =	shalt  }
0x3e: {  	_ =	shalt  }
0x3f: {  	_ =	shalt  }
0x40: {  	_ =	shalt  }
0x41: {  	_ =	shalt  }
0x42: {  	_ =	shalt  }
0x43: {  	_ =	shalt  }
0x44: {  	_ =	shalt  }
0x45: {  	_ =	shalt  }
0x46: {  	_ =	shalt  }
0x47: {  	_ =	shalt  }
0x48: {  	_ =	shalt  }
0x49: {  	_ =	shalt  }
0x4a: {  	_ =	shalt  }
0x4b: {  	_ =	shalt  }
0x4c: {  	_ =	shalt  }
0x4d: {  	_ =	shalt  }
0x4e: {  	_ =	shalt  }
0x4f: {  	_ =	shalt  }
0x50: {  	_ =	shalt  }
0x51: {  	_ =	shalt  }
0x52: {  	_ =	shalt  }
0x53: {  	_ =	shalt  }
0x54: {  	_ =	shalt  }
0x55: {  	_ =	shalt  }
0x56: {  	_ =	shalt  }
0x57: {  	_ =	shalt  }
0x58: {  	_ =	shalt  }
0x59: {  	_ =	shalt  }
0x5a: {  	_ =	shalt  }
0x5b: {  	_ =	shalt  }
0x5c: {  	_ =	shalt  }
0x5d: {  	_ =	shalt  }
0x5e: {  	_ =	shalt  }
0x5f: {  	_ =	shalt  }
0x60: {  	_ =	shalt  }
0x61: {  	_ =	shalt  }
0x62: {  	_ =	shalt  }
0x63: {  	_ =	shalt  }
0x64: {  	_ =	shalt  }
0x65: {  	_ =	shalt  }
0x66: {  	_ =	shalt  }
0x67: {  	_ =	shalt  }
0x68: {  	_ =	shalt  }
0x69: {  	_ =	shalt  }
0x6a: {  	_ =	shalt  }
0x6b: {  	_ =	shalt  }
0x6c: {  	_ =	shalt  }
0x6d: {  	_ =	shalt  }
0x6e: {  	_ =	shalt  }
0x6f: {  	_ =	shalt  }
0x70: {  	_ =	shalt  }
0x71: {  	_ =	shalt  }
0x72: {  	_ =	shalt  }
0x73: {  	_ =	shalt  }
0x74: {  	_ =	shalt  }
0x75: {  	_ =	shalt  }
0x76: {  	_ =	shalt  }
0x77: {  	_ =	shalt  }
0x78: {  	_ =	shalt  }
0x79: {  	_ =	shalt  }
0x7a: {  	_ =	shalt  }
0x7b: {  	_ =	shalt  }
0x7c: {  	_ =	shalt  }
0x7d: {  	_ =	shalt  }
0x7e: {  	_ =	shalt  }
0x7f: {  	_ =	shalt  }
0x80: {  	_ =	shalt  }
0x81: {  	_ =	shalt  }
0x82: {  	_ =	shalt  }
0x83: {  	_ =	shalt  }
0x84: {  	_ =	shalt  }
0x85: {  	_ =	shalt  }
0x86: {  	_ =	shalt  }
0x87: {  	_ =	shalt  }
.Lfunc_end0:
.L_simem_size_0:
called_computation.1_lowered:
.L_overlay_start_0:
0x88: {  	s2 =	sld [smem:$0x3FD9]  }
0x89: {  	s3 =	sld [smem:$0x3FFE];
	_ =	sdelay $0x1  }
0x8a: {  	s1 =	srdreg.scid  }
0x8b: {  	s0 =	sand.u32 $0x1, s1  }
0x8c: {  	s16 =	sshll.u32 s0, $0xA;
	s2 =	sadd.s32 s3, s2  }
0x8d: {  	s2 =	sadd.s32 s2, s16  }
0x8e: {  	[smem:$0x3FC2] =	sst s2  }
0x8f: {  	_ = 	snop  }
0x90: {  	(tm) =	ssettm $0x1  }
0x91: {  	s17 =	sld [smem:$0x3FFB];
	_ =	sdelay $0x3  }
0x92: {  	_ =	strace s17  }
0x93: {  	s2 =	sld [smem:$0x3FFC];
	_ =	sdelay $0x3  }
0x94: {  	_ =	strace s2  }
0x95: {  	s2 =	sld [smem:$0x3FFD];
	_ =	sdelay $0x3  }
0x96: {  	_ =	strace s2  }
0x97: {  	_ =	strace $0x8FFFFFFF  }
0x98: {  	s18 =	sld [smem:$0x3FDB];
	_ =	sdelay $0x1  }
0x99: {  	s19 =	simm.s32 $_scs_section_size  }
0x9a: {  	s4 =	simm.s32 $_size__tile_overlayer_lowered;
	s5 =	simm.s32 $_tile_overlayer_lowered  }
0x9b: {  	s22 =	simm.s32 $0x1BFF;
	s21 =	sshll.u32 s5, $0x1;
	s2 =	sadd.s32 s19, s18  }
0x9c: {  	s6 =	simm.s32 $0x0;
	s20 =	sshll.u32 s4, $0x1;
	s4 =	sadd.s32 s21, s2  }
0x9d: {  	[timem:s6], [sflag:s22] =	dma.local [hbm:s4], s20  }
0x9e: {  	_ =	swait.ge [sflag:s22], s20  }
0x9f: {  	s3 =	ssub.s32 $0x0, s20;
	[sflag:s22] =	ssyncset.done $0x0  }
0xa0: {  	[sflag:s22] =	ssyncadd.s32 s3;
	_ =	sdelay $0x1  }
0xa1: {  	s23 =	simm.s32 $0x1B8B  }
0xa2: {  	_ =	swait.ge [sflag:s23], $0x1  }
0xa3: {  	[sflag:s23] =	ssyncset.done $0x0  }
0xa4: {  	s25 =	simm.s32 $0x1B8E;
	s24 =	sld [smem:$0x3FFE];
	[sflag:s23] =	ssyncadd.s32 $0xFFFFFFFF  }
0xa5: {  	s26 =	simm.s32 $execute0_lowered;
	[smem:$0x3FD2] =	sst s25  }
0xa6: {  	s4 =	sshll.u32 s26, $0x1;
	_ =	strace $0x80000049;
	[dreg:$0x1] =	wrdreg $0xFFFFFFFF  }
0xa7: {  	s28 =	simm.s32 $_size_execute0_lowered;
	s2 =	sadd.s32 s2, s4;
	[dreg:$0x0] =	wrdreg $0x0  }
0xa8: {  	s4 =	sshll.u32 s28, $0x1;
	[dreg:$0x2] =	wrdreg s2  }
0xa9: {  	[dreg:$0x3] =	wrdreg s4  }
0xaa: {  	[dreg:$0x4] =	wrdreg $0xC0  }
0xab: {  	_ =	task [dreg:s6], $0x5FFFF  }
0xac: {  	[dreg:$0x1] =	wrdreg $0xFFFFFFFF  }
0xad: {  	[dreg:$0x0] =	wrdreg $0x60  }
0xae: {  	[dreg:$0x2] =	wrdreg s24  }
0xaf: {  	[dreg:$0x3] =	wrdreg $0x9  }
0xb0: {  	_ =	task.clear_ibuf [dreg:s6], $0x4FFFF;
	_ =	strace $0x90000049  }
0xb1: {  	s29 =	simm.s32 $0x9;
	_ =	strace $0x8000004B  }
0xb2: {  	_ =	swait.ge [sflag:s29], $0x1  }
0xb3: {  	[sflag:s29] =	ssyncadd.s32 $0xFFFFFFFF  }
0xb4: {  	_ =	strace $0x9000004B  }
0xb5: {  	_ =	sfence  }
0xb6: {  	s30 =	sld [smem:$0x0];
	_ =	sdelay $0x2  }
0xb7: {  	s31 =	sshll.u32 s1, $0xD;
	s1 =	sshrl.u32 s1, $0x2  }
0xb8: {  	s3 =	sand.u32 $0x4000, s31;
	s1 =	sadd.s32 s1, s30  }
0xb9: {  	s0 =	sor.u32 s3, s0;
	s1 =	sshll.u32 s1, $0x11  }
0xba: {  	s0 =	sor.u32 s1, s0  }
0xbb: {  	s0 =	sadd.s32 $0x8F2B, s0  }
0xbc: {  	[sflag:s0] =	ssyncadd.remote.s32 $0x1  }
0xbd: {  	_ =	sfence.sel $0xFFFF  }
0xbe: {  	[dreg:$0x0] =	wrdreg $0xFFFFFFFF;
	(pc) =	sbr.abs _section_cstart, $3  }
0xbf: {  	[dreg:$0x1] =	wrdreg $0xFFFFFFFF  }
0xc0: {  	_ =	task.clear_ibuf [dreg:s6], $0x2FFFF;
	_ =	strace $0x9FFFFFFF  }
0xc1: {  	(tm) =	ssettm $0x7FFFFFFF  }
tec
execute0_lowered:
.L_overlay_start_1:
0x0: {  	(tag) =	ssettag $0x1  }
0x1: {  	s0 =	rddreg [dreg:$0x0]  }
0x2: {  	s2 =	simm.s32 $0x0;
	s1 =	srdreg.scid;
	s10 =	stileid.u32  }
0x3: {  	s12 =	simm.s32 $0x3;
	s13 =	simm.s32 $0x3900;
	s29 =	simm.s32 $0x7100  }
0x4: {  	s14 =	simm.s32 $0x9100;
	s15 =	simm.s32 $0x9900;
	s28 =	simm.s32 $0xA900  }
0x5: {  	s30 =	simm.s32 $0xB100;
	s31 =	simm.s32 $0xB900;
	s16 =	simm.s32 $0x1  }
0x6: {  	s17 =	simm.s32 $0x2;
	s18 =	simm.s32 $0x0;
	[smem:$0x7FF] =	sst s2  }
0x7: {  	s1 =	sand.u32 $0x1, s1;
	s3 =	sshll.u32 s10, $0x1;
	s8 =	smul.u32 $0xC40, s10  }
0x8: {  	s19 =	sadd.s32 $0x49E200, s0;
	s4 =	sadd.s32 $0x1C00, s0;
	s22 =	smul.u32 $0x18800, s10  }
0x9: {  	s0 =	sadd.s32 $0x18B800, s0;
	s10 =	simm.s32 $0x8100;
	s20 =	smul.u32 $0x620, s1  }
0xa: {  	s5 =	sor.u32 s1, s3;
	s7 =	ssub.s32 $0x2, s1;
	s1 =	smul.u32 $0xC400, s1  }
0xb: {  	_ =	strace $0x8000004A;
	[dreg:$0xa] =	wrdreg s19;
	s6 =	smul.u32 $0x620, s5  }
0xc: {  	s3 =	simm.s32 $0xA100;
	s5 =	smul.u32 $0x62000, s5;
	s9 =	sshrl.u32 s7, $0x1  }
0xd: {  	[dreg:$0xb] =	wrdreg s18;
	s7 =	ssub.s32 s7, s9;
	s9 =	simm.s32 $0x7900  }
0xe: {  	s6 =	sshrl.u32 s6, $0x3;
	s5 =	sshrl.u32 s5, $0x3;
	s7 =	smax.u32 s7, $0x1  }
0xf: {  	s11 =	sadd.s32 s19, s6;
	s5 =	sadd.s32 s0, s5;
	s6 =	sadd.s32 s20, s8  }
0x10: {  	s0 =	sadd.s32 s22, s0;
	[dreg:$0x7] =	wrdreg s7;
	s20 =	simm.s32 $0x1100  }
0x11: {  	s22 =	simm.s32 $0x2100;
	s7 =	simm.s32 $0x6100;
	s8 =	simm.s32 $0x6900  }
0x12: {  	[dreg:$0x3] =	wrdreg s11;
	s21 =	sadd.s32 $0xE, s11;
	s23 =	sadd.s32 $0xA800, s5  }
0x13: {  	s24 =	sadd.s32 $0x150, s6;
	s5 =	sadd.s32 $0xB600, s5;
	s0 =	sadd.s32 s1, s0  }
0x14: {  	s26 =	sadd.s32 $0xE0, s6;
	s1 =	simm.s32 $0x5100;
	[dreg:$0x4] =	wrdreg s21  }
0x15: {  	s6 =	simm.s32 $0x5900;
	s11 =	simm.s32 $0x8900;
	[dreg:$0x5] =	wrdreg s23  }
0x16: {  	[dreg:$0x6] =	wrdreg s5;
	s25 =	sshrl.u32 s24, $0x3;
	s0 =	sadd.s32 $0xE00, s0  }
0x17: {  	[dreg:$0x9] =	wrdreg s26;
	s21 =	simm.s32 $0x1900;
	s23 =	simm.s32 $0x2900  }
0x18: {  	v2 =	vlaneseq.u32;
	s24 =	simm.s32 $0x3100;
	s26 =	simm.s32 $0x4100;
	s5 =	sadd.s32 s25, s19  }
0x19: {  	vm0 =	vmmov $0xffff;
	v1 =	vshrl.u32 v2, $0x3;
	[dreg:$0x8] =	wrdreg s0;
	s25 =	simm.s32 $0x100;
	s19 =	simm.s32 $0x900  }
0x1a: {  	v0 =	vand.u32 $0x7, v2;
	v2 =	vor.u32 $0x8, v2;
	v1 =	vmul.u32 $0x8, v1;
	s0 =	simm.s32 $0x4900;
	[dreg:$0x2] =	wrdreg s5;
	s5 =	simm.s32 $0x80  }
.LBB2_1:
0x1b: {  	s18 =	rddreg [dreg:$0x3]  }
0x1c: {  	[tilespmem:s2], [sflag:$0x3] =	stream.linear.gather [hbm4b:s18+s2], $0x70, $0x38;
	[tilespmem:$0xE100] =	vst v63  }
0x1d: {  	_ =	swait.ge [sflag:s12], $0x70  }
0x1e: {  	[sflag:s12] =	ssyncset.done $0x0  }
0x1f: {  	[sflag:s12] =	ssyncadd.s32 $0xFFFFFF90  }
0x20: {  	v3 =	vld [tilespmem:$0x0];
	_ =	sdelay $0x4  }
0x21: {  	v4 =	vshll.u32 v3, $0x1  }
0x22: {  	v3 =	vand.u32 $0x7, v3;
	v4 =	vand.u32 $0xFFFFFFF0, v4  }
0x23: {  	v3 =	vor.u32 v3, v4  }
0x24: {  	v4 =	vperm.xlane v3, v0;
	_ =	sdelay $0x1  }
0x25: {  	v3 =	vperm.xlane v3, v2;
	v4 =	vadd.s32 v1, v4;
	_ =	sdelay $0x1  }
0x26: {  	v3 =	vadd.s32 v1, v3;
	_ =	sdelay $0x2  }
0x27: {  	[tilespmem:s25], [sflag:$0x1] =	stream.indirect_vreg.gather [hbm4b:s4+s2], $0x80, v4, vm0, $0xb8;
	[tilespmem:$0xE100] =	vst v63  }
0x28: {  	_ = 	snop  }
0x29: {  	[tilespmem:s19], [sflag:$0x1] =	stream.indirect_vreg.gather [hbm4b:s4+s2], $0x80, v3, vm0, $0xb8;
	[tilespmem:$0xE100] =	vst v63  }
0x2a: {  	v3 =	vld [tilespmem:$0x10];
	_ =	sdelay $0x4  }
0x2b: {  	v51 =	vshll.u32 v3, $0x1  }
0x2c: {  	v3 =	vand.u32 $0x7, v3;
	v4 =	vand.u32 $0xFFFFFFF0, v51  }
0x2d: {  	v3 =	vor.u32 v3, v4  }
0x2e: {  	v4 =	vperm.xlane v3, v0;
	_ =	sdelay $0x1  }
0x2f: {  	v3 =	vperm.xlane v3, v2;
	v4 =	vadd.s32 v1, v4;
	_ =	sdelay $0x1  }
0x30: {  	v3 =	vadd.s32 v1, v3;
	_ =	sdelay $0x2  }
0x31: {  	[tilespmem:s20], [sflag:$0x1] =	stream.indirect_vreg.gather [hbm4b:s4+s2], $0x80, v4, vm0, $0xb8;
	[tilespmem:$0xE100] =	vst v63  }
0x32: {  	_ = 	snop  }
0x33: {  	[tilespmem:s21], [sflag:$0x1] =	stream.indirect_vreg.gather [hbm4b:s4+s2], $0x80, v3, vm0, $0xb8;
	[tilespmem:$0xE100] =	vst v63  }
0x34: {  	v3 =	vld [tilespmem:$0x20];
	_ =	sdelay $0x4  }
0x35: {  	v52 =	vshll.u32 v3, $0x1  }
0x36: {  	v3 =	vand.u32 $0x7, v3;
	v4 =	vand.u32 $0xFFFFFFF0, v52  }
0x37: {  	v3 =	vor.u32 v3, v4  }
0x38: {  	v4 =	vperm.xlane v3, v0;
	_ =	sdelay $0x1  }
0x39: {  	v3 =	vperm.xlane v3, v2;
	v4 =	vadd.s32 v1, v4;
	_ =	sdelay $0x1  }
0x3a: {  	v3 =	vadd.s32 v1, v3;
	_ =	sdelay $0x2  }
0x3b: {  	[tilespmem:s22], [sflag:$0x1] =	stream.indirect_vreg.gather [hbm4b:s4+s2], $0x80, v4, vm0, $0xb8;
	[tilespmem:$0xE100] =	vst v63  }
0x3c: {  	_ = 	snop  }
0x3d: {  	[tilespmem:s23], [sflag:$0x1] =	stream.indirect_vreg.gather [hbm4b:s4+s2], $0x80, v3, vm0, $0xb8;
	[tilespmem:$0xE100] =	vst v63  }
0x3e: {  	v3 =	vld [tilespmem:$0x30];
	_ =	sdelay $0x4  }
0x3f: {  	v53 =	vshll.u32 v3, $0x1  }
0x40: {  	v3 =	vand.u32 $0x7, v3;
	v4 =	vand.u32 $0xFFFFFFF0, v53  }
0x41: {  	v3 =	vor.u32 v3, v4  }
0x42: {  	v4 =	vperm.xlane v3, v0;
	_ =	sdelay $0x1  }
0x43: {  	v3 =	vperm.xlane v3, v2;
	v4 =	vadd.s32 v1, v4;
	_ =	sdelay $0x1  }
0x44: {  	v3 =	vadd.s32 v1, v3;
	_ =	sdelay $0x2  }
0x45: {  	[tilespmem:s24], [sflag:$0x1] =	stream.indirect_vreg.gather [hbm4b:s4+s2], $0x80, v4, vm0, $0xb8;
	[tilespmem:$0xE100] =	vst v63  }
0x46: {  	_ = 	snop  }
0x47: {  	[tilespmem:s13], [sflag:$0x1] =	stream.indirect_vreg.gather [hbm4b:s4+s2], $0x80, v3, vm0, $0xb8;
	[tilespmem:$0xE100] =	vst v63  }
0x48: {  	v3 =	vld [tilespmem:$0x40];
	_ =	sdelay $0x4  }
0x49: {  	v54 =	vshll.u32 v3, $0x1  }
0x4a: {  	v3 =	vand.u32 $0x7, v3;
	v4 =	vand.u32 $0xFFFFFFF0, v54  }
0x4b: {  	v3 =	vor.u32 v3, v4  }
0x4c: {  	v4 =	vperm.xlane v3, v0;
	_ =	sdelay $0x1  }
0x4d: {  	v3 =	vperm.xlane v3, v2;
	v4 =	vadd.s32 v1, v4;
	_ =	sdelay $0x1  }
0x4e: {  	v3 =	vadd.s32 v1, v3;
	_ =	sdelay $0x2  }
0x4f: {  	[tilespmem:s26], [sflag:$0x1] =	stream.indirect_vreg.gather [hbm4b:s4+s2], $0x80, v4, vm0, $0xb8;
	[tilespmem:$0xE100] =	vst v63  }
0x50: {  	_ = 	snop  }
0x51: {  	[tilespmem:s0], [sflag:$0x1] =	stream.indirect_vreg.gather [hbm4b:s4+s2], $0x80, v3, vm0, $0xb8;
	[tilespmem:$0xE100] =	vst v63  }
0x52: {  	v3 =	vld [tilespmem:$0x50];
	_ =	sdelay $0x4  }
0x53: {  	v55 =	vshll.u32 v3, $0x1  }
0x54: {  	v3 =	vand.u32 $0x7, v3;
	v4 =	vand.u32 $0xFFFFFFF0, v55  }
0x55: {  	v3 =	vor.u32 v3, v4  }
0x56: {  	v4 =	vperm.xlane v3, v0;
	_ =	sdelay $0x1  }
0x57: {  	v3 =	vperm.xlane v3, v2;
	v4 =	vadd.s32 v1, v4;
	_ =	sdelay $0x1  }
0x58: {  	v3 =	vadd.s32 v1, v3;
	_ =	sdelay $0x2  }
0x59: {  	[tilespmem:s1], [sflag:$0x1] =	stream.indirect_vreg.gather [hbm4b:s4+s2], $0x80, v4, vm0, $0xb8;
	[tilespmem:$0xE100] =	vst v63  }
0x5a: {  	_ = 	snop  }
0x5b: {  	[tilespmem:s6], [sflag:$0x1] =	stream.indirect_vreg.gather [hbm4b:s4+s2], $0x80, v3, vm0, $0xb8;
	[tilespmem:$0xE100] =	vst v63  }
0x5c: {  	v3 =	vld [tilespmem:$0x60];
	_ =	sdelay $0x4  }
0x5d: {  	v56 =	vshll.u32 v3, $0x1  }
0x5e: {  	v3 =	vand.u32 $0x7, v3;
	v4 =	vand.u32 $0xFFFFFFF0, v56  }
0x5f: {  	v3 =	vor.u32 v3, v4  }
0x60: {  	v4 =	vperm.xlane v3, v0;
	_ =	sdelay $0x1  }
0x61: {  	v3 =	vperm.xlane v3, v2;
	v4 =	vadd.s32 v1, v4;
	_ =	sdelay $0x1  }
0x62: {  	v3 =	vadd.s32 v1, v3;
	_ =	sdelay $0x2  }
0x63: {  	[tilespmem:s7], [sflag:$0x1] =	stream.indirect_vreg.gather [hbm4b:s4+s2], $0x80, v4, vm0, $0xb8;
	[tilespmem:$0xE100] =	vst v63  }
0x64: {  	_ = 	snop  }
0x65: {  	[tilespmem:s8], [sflag:$0x1] =	stream.indirect_vreg.gather [hbm4b:s4+s2], $0x80, v3, vm0, $0xb8;
	[tilespmem:$0xE100] =	vst v63  }
0x66: {  	s24 =	rddreg [dreg:$0x4]  }
0x67: {  	[tilespmem:s5], [sflag:$0x3] =	stream.linear.gather [hbm4b:s24+s2], $0x70, $0x38;
	[tilespmem:$0xE100] =	vst v63  }
0x68: {  	_ =	swait.ge [sflag:s12], $0x70  }
0x69: {  	[sflag:s12] =	ssyncset.done $0x0  }
0x6a: {  	[sflag:s12] =	ssyncadd.s32 $0xFFFFFF90  }
0x6b: {  	v3 =	vld [tilespmem:$0x80];
	_ =	sdelay $0x4  }
0x6c: {  	v57 =	vshll.u32 v3, $0x1  }
0x6d: {  	v3 =	vand.u32 $0x7, v3;
	v4 =	vand.u32 $0xFFFFFFF0, v57  }
0x6e: {  	v3 =	vor.u32 v3, v4  }
0x6f: {  	v4 =	vperm.xlane v3, v0;
	_ =	sdelay $0x1  }
0x70: {  	v3 =	vperm.xlane v3, v2;
	v4 =	vadd.s32 v1, v4;
	_ =	sdelay $0x1  }
0x71: {  	v3 =	vadd.s32 v1, v3;
	_ =	sdelay $0x2  }
0x72: {  	[tilespmem:s29], [sflag:$0x2] =	stream.indirect_vreg.gather [hbm4b:s4+s2], $0x80, v4, vm0, $0xb8;
	[tilespmem:$0xE100] =	vst v63  }
0x73: {  	_ = 	snop  }
0x74: {  	[tilespmem:s9], [sflag:$0x2] =	stream.indirect_vreg.gather [hbm4b:s4+s2], $0x80, v3, vm0, $0xb8;
	[tilespmem:$0xE100] =	vst v63  }
0x75: {  	v3 =	vld [tilespmem:$0x90];
	_ =	sdelay $0x4  }
0x76: {  	v58 =	vshll.u32 v3, $0x1  }
0x77: {  	v3 =	vand.u32 $0x7, v3;
	v4 =	vand.u32 $0xFFFFFFF0, v58  }
0x78: {  	v3 =	vor.u32 v3, v4  }
0x79: {  	v4 =	vperm.xlane v3, v0;
	_ =	sdelay $0x1  }
0x7a: {  	v3 =	vperm.xlane v3, v2;
	v4 =	vadd.s32 v1, v4;
	_ =	sdelay $0x1  }
0x7b: {  	v3 =	vadd.s32 v1, v3;
	_ =	sdelay $0x2  }
0x7c: {  	[tilespmem:s10], [sflag:$0x2] =	stream.indirect_vreg.gather [hbm4b:s4+s2], $0x80, v4, vm0, $0xb8;
	[tilespmem:$0xE100] =	vst v63  }
0x7d: {  	_ = 	snop  }
0x7e: {  	[tilespmem:s11], [sflag:$0x2] =	stream.indirect_vreg.gather [hbm4b:s4+s2], $0x80, v3, vm0, $0xb8;
	[tilespmem:$0xE100] =	vst v63  }
0x7f: {  	v3 =	vld [tilespmem:$0xA0];
	_ =	sdelay $0x4  }
0x80: {  	v59 =	vshll.u32 v3, $0x1  }
0x81: {  	v3 =	vand.u32 $0x7, v3;
	v4 =	vand.u32 $0xFFFFFFF0, v59  }
0x82: {  	v3 =	vor.u32 v3, v4  }
0x83: {  	v4 =	vperm.xlane v3, v0;
	_ =	sdelay $0x1  }
0x84: {  	v3 =	vperm.xlane v3, v2;
	v4 =	vadd.s32 v1, v4;
	_ =	sdelay $0x1  }
0x85: {  	v3 =	vadd.s32 v1, v3;
	_ =	sdelay $0x2  }
0x86: {  	[tilespmem:s14], [sflag:$0x2] =	stream.indirect_vreg.gather [hbm4b:s4+s2], $0x80, v4, vm0, $0xb8;
	[tilespmem:$0xE100] =	vst v63  }
0x87: {  	_ = 	snop  }
0x88: {  	[tilespmem:s15], [sflag:$0x2] =	stream.indirect_vreg.gather [hbm4b:s4+s2], $0x80, v3, vm0, $0xb8;
	[tilespmem:$0xE100] =	vst v63  }
0x89: {  	v3 =	vld [tilespmem:$0xB0];
	_ =	sdelay $0x4  }
0x8a: {  	v60 =	vshll.u32 v3, $0x1  }
0x8b: {  	v3 =	vand.u32 $0x7, v3;
	v4 =	vand.u32 $0xFFFFFFF0, v60  }
0x8c: {  	v3 =	vor.u32 v3, v4  }
0x8d: {  	v4 =	vperm.xlane v3, v0;
	_ =	sdelay $0x1  }
0x8e: {  	v3 =	vperm.xlane v3, v2;
	v4 =	vadd.s32 v1, v4;
	_ =	sdelay $0x1  }
0x8f: {  	v3 =	vadd.s32 v1, v3;
	_ =	sdelay $0x2  }
0x90: {  	[tilespmem:s3], [sflag:$0x2] =	stream.indirect_vreg.gather [hbm4b:s4+s2], $0x80, v4, vm0, $0xb8;
	[tilespmem:$0xE100] =	vst v63  }
0x91: {  	_ = 	snop  }
0x92: {  	[tilespmem:s28], [sflag:$0x2] =	stream.indirect_vreg.gather [hbm4b:s4+s2], $0x80, v3, vm0, $0xb8;
	[tilespmem:$0xE100] =	vst v63  }
0x93: {  	v3 =	vld [tilespmem:$0xC0];
	_ =	sdelay $0x4  }
0x94: {  	v61 =	vshll.u32 v3, $0x1  }
0x95: {  	v3 =	vand.u32 $0x7, v3;
	v4 =	vand.u32 $0xFFFFFFF0, v61  }
0x96: {  	v3 =	vor.u32 v3, v4  }
0x97: {  	v4 =	vperm.xlane v3, v0;
	_ =	sdelay $0x1  }
0x98: {  	v3 =	vperm.xlane v3, v2;
	v4 =	vadd.s32 v1, v4;
	_ =	sdelay $0x1  }
0x99: {  	v3 =	vadd.s32 v1, v3;
	_ =	sdelay $0x2  }
0x9a: {  	[tilespmem:s30], [sflag:$0x2] =	stream.indirect_vreg.gather [hbm4b:s4+s2], $0x80, v4, vm0, $0xb8;
	[tilespmem:$0xE100] =	vst v63  }
0x9b: {  	_ = 	snop  }
0x9c: {  	[tilespmem:s31], [sflag:$0x2] =	stream.indirect_vreg.gather [hbm4b:s4+s2], $0x80, v3, vm0, $0xb8;
	[tilespmem:$0xE100] =	vst v63  }
0x9d: {  	v3 =	vld [tilespmem:$0xD0];
	_ =	sdelay $0x4  }
0x9e: {  	v62 =	vshll.u32 v3, $0x1  }
0x9f: {  	v3 =	vand.u32 $0x7, v3;
	v4 =	vand.u32 $0xFFFFFFF0, v62  }
0xa0: {  	v3 =	vor.u32 v3, v4  }
0xa1: {  	v4 =	vperm.xlane v3, v0;
	_ =	sdelay $0x1  }
0xa2: {  	v3 =	vperm.xlane v3, v2;
	v4 =	vadd.s32 v1, v4;
	_ =	sdelay $0x1  }
0xa3: {  	v3 =	vadd.s32 v1, v3;
	_ =	sdelay $0x1  }
0xa4: {  	s25 =	simm.s32 $0xC100  }
0xa5: {  	[tilespmem:s25], [sflag:$0x2] =	stream.indirect_vreg.gather [hbm4b:s4+s2], $0x80, v4, vm0, $0xb8;
	[tilespmem:$0xE100] =	vst v63  }
0xa6: {  	s26 =	simm.s32 $0xC900  }
0xa7: {  	[tilespmem:s26], [sflag:$0x2] =	stream.indirect_vreg.gather [hbm4b:s4+s2], $0x80, v3, vm0, $0xb8;
	[tilespmem:$0xE100] =	vst v63  }
0xa8: {  	v3 =	vld [tilespmem:$0xE0];
	_ =	sdelay $0x4  }
0xa9: {  	v63 =	vshll.u32 v3, $0x1  }
0xaa: {  	v3 =	vand.u32 $0x7, v3;
	v4 =	vand.u32 $0xFFFFFFF0, v63  }
0xab: {  	v3 =	vor.u32 v3, v4  }
0xac: {  	s20 =	simm.s32 $0x0;
	v4 =	vperm.xlane v3, v0  }
0xad: {  	s23 =	simm.s32 $0xB900;
	s0 =	simm.s32 $0x4900;
	s1 =	simm.s32 $0x5100  }
0xae: {  	s6 =	simm.s32 $0x5900;
	s7 =	simm.s32 $0x6100;
	s18 =	rddreg [dreg:$0x9];
	v3 =	vperm.xlane v3, v2;
	v4 =	vadd.s32 v1, v4  }
0xaf: {  	s8 =	simm.s32 $0x6900;
	s5 =	simm.s32 $0x80;
	s19 =	rddreg [dreg:$0x8]  }
0xb0: {  	s24 =	simm.s32 $0x1900;
	s13 =	rddreg [dreg:$0xa];
	s9 =	simm.s32 $0x7900;
	v3 =	vadd.s32 v1, v3  }
0xb1: {  	s10 =	simm.s32 $0x8100;
	s11 =	simm.s32 $0x8900;
	s14 =	simm.s32 $0x9100  }
0xb2: {  	s15 =	simm.s32 $0x9900;
	s3 =	simm.s32 $0xA100;
	s28 =	simm.s32 $0xD100  }
0xb3: {  	[tilespmem:s28], [sflag:$0x2] =	stream.indirect_vreg.gather [hbm4b:s4+s2], $0x80, v4, vm0, $0xb8;
	[tilespmem:$0xE100] =	vst v63  }
0xb4: {  	s30 =	simm.s32 $0xA900;
	s31 =	simm.s32 $0xD900;
	s26 =	simm.s32 $0xB100  }
0xb5: {  	[tilespmem:s31], [sflag:$0x2] =	stream.indirect_vreg.gather [hbm4b:s4+s2], $0x80, v3, vm0, $0xb8;
	[tilespmem:$0xE100] =	vst v63  }
.LBB2_2:
0xb6: {  	_ =	swait.ge [sflag:s16], $0x7000  }
0xb7: {  	[sflag:s16] =	ssyncset.done $0x0  }
0xb8: {  	s21 =	sadd.s32 $0xFFFFF200, s19;
	s22 =	simm.s32 $0x100;
	[sflag:s16] =	ssyncadd.s32 $0xFFFF9000  }
0xb9: {  	[hbm4b:s21+s2] =	stream.linear.scatter [tilespmem:s22], [sflag:$0x3], $0x7000, $0x38;
	[tilespmem:$0xE100] =	vst v63  }
0xba: {  	_ =	swait.ge [sflag:s12], $0x7000  }
0xbb: {  	s25 =	sshrl.u32 s18, $0x3;
	[sflag:s12] =	ssyncset.done $0x0  }
0xbc: {  	s21 =	sadd.s32 s13, s25;
	[sflag:s12] =	ssyncadd.s32 $0xFFFF9000  }
0xbd: {  	[tilespmem:s2], [sflag:$0x3] =	stream.linear.gather [hbm4b:s21+s2], $0x70, $0x38;
	[tilespmem:$0xE100] =	vst v63  }
0xbe: {  	_ =	swait.ge [sflag:s12], $0x70  }
0xbf: {  	[sflag:s12] =	ssyncset.done $0x0  }
0xc0: {  	[sflag:s12] =	ssyncadd.s32 $0xFFFFFF90  }
0xc1: {  	v3 =	vld [tilespmem:$0x0];
	_ =	sdelay $0x4  }
0xc2: {  	v4 =	vshll.u32 v3, $0x1  }
0xc3: {  	v3 =	vand.u32 $0x7, v3;
	v4 =	vand.u32 $0xFFFFFFF0, v4  }
0xc4: {  	v3 =	vor.u32 v3, v4  }
0xc5: {  	v4 =	vperm.xlane v3, v0;
	_ =	sdelay $0x1  }
0xc6: {  	v3 =	vperm.xlane v3, v2;
	v4 =	vadd.s32 v1, v4;
	_ =	sdelay $0x1  }
0xc7: {  	v3 =	vadd.s32 v1, v3;
	_ =	sdelay $0x2  }
0xc8: {  	[tilespmem:s22], [sflag:$0x1] =	stream.indirect_vreg.gather [hbm4b:s4+s2], $0x80, v4, vm0, $0xb8;
	[tilespmem:$0xE100] =	vst v63  }
0xc9: {  	s22 =	simm.s32 $0x900  }
0xca: {  	[tilespmem:s22], [sflag:$0x1] =	stream.indirect_vreg.gather [hbm4b:s4+s2], $0x80, v3, vm0, $0xb8;
	[tilespmem:$0xE100] =	vst v63  }
0xcb: {  	v3 =	vld [tilespmem:$0x10];
	_ =	sdelay $0x4  }
0xcc: {  	v51 =	vshll.u32 v3, $0x1  }
0xcd: {  	v3 =	vand.u32 $0x7, v3;
	v4 =	vand.u32 $0xFFFFFFF0, v51  }
0xce: {  	v3 =	vor.u32 v3, v4  }
0xcf: {  	v4 =	vperm.xlane v3, v0;
	_ =	sdelay $0x1  }
0xd0: {  	v3 =	vperm.xlane v3, v2;
	v4 =	vadd.s32 v1, v4;
	_ =	sdelay $0x1  }
0xd1: {  	v3 =	vadd.s32 v1, v3;
	_ =	sdelay $0x1  }
0xd2: {  	s22 =	simm.s32 $0x1100  }
0xd3: {  	[tilespmem:s22], [sflag:$0x1] =	stream.indirect_vreg.gather [hbm4b:s4+s2], $0x80, v4, vm0, $0xb8;
	[tilespmem:$0xE100] =	vst v63  }
0xd4: {  	_ = 	snop  }
0xd5: {  	[tilespmem:s24], [sflag:$0x1] =	stream.indirect_vreg.gather [hbm4b:s4+s2], $0x80, v3, vm0, $0xb8;
	[tilespmem:$0xE100] =	vst v63  }
0xd6: {  	v3 =	vld [tilespmem:$0x20];
	_ =	sdelay $0x4  }
0xd7: {  	v52 =	vshll.u32 v3, $0x1  }
0xd8: {  	v3 =	vand.u32 $0x7, v3;
	v4 =	vand.u32 $0xFFFFFFF0, v52  }
0xd9: {  	v3 =	vor.u32 v3, v4  }
0xda: {  	v4 =	vperm.xlane v3, v0;
	_ =	sdelay $0x1  }
0xdb: {  	v3 =	vperm.xlane v3, v2;
	v4 =	vadd.s32 v1, v4;
	_ =	sdelay $0x1  }
0xdc: {  	v3 =	vadd.s32 v1, v3;
	_ =	sdelay $0x1  }
0xdd: {  	s22 =	simm.s32 $0x2100  }
0xde: {  	[tilespmem:s22], [sflag:$0x1] =	stream.indirect_vreg.gather [hbm4b:s4+s2], $0x80, v4, vm0, $0xb8;
	[tilespmem:$0xE100] =	vst v63  }
0xdf: {  	s22 =	simm.s32 $0x2900  }
0xe0: {  	[tilespmem:s22], [sflag:$0x1] =	stream.indirect_vreg.gather [hbm4b:s4+s2], $0x80, v3, vm0, $0xb8;
	[tilespmem:$0xE100] =	vst v63  }
0xe1: {  	v3 =	vld [tilespmem:$0x30];
	_ =	sdelay $0x4  }
0xe2: {  	v53 =	vshll.u32 v3, $0x1  }
0xe3: {  	v3 =	vand.u32 $0x7, v3;
	v4 =	vand.u32 $0xFFFFFFF0, v53  }
0xe4: {  	v3 =	vor.u32 v3, v4  }
0xe5: {  	v4 =	vperm.xlane v3, v0;
	_ =	sdelay $0x1  }
0xe6: {  	v3 =	vperm.xlane v3, v2;
	v4 =	vadd.s32 v1, v4;
	_ =	sdelay $0x1  }
0xe7: {  	v3 =	vadd.s32 v1, v3;
	_ =	sdelay $0x1  }
0xe8: {  	s22 =	simm.s32 $0x3100  }
0xe9: {  	[tilespmem:s22], [sflag:$0x1] =	stream.indirect_vreg.gather [hbm4b:s4+s2], $0x80, v4, vm0, $0xb8;
	[tilespmem:$0xE100] =	vst v63  }
0xea: {  	s22 =	simm.s32 $0x3900  }
0xeb: {  	[tilespmem:s22], [sflag:$0x1] =	stream.indirect_vreg.gather [hbm4b:s4+s2], $0x80, v3, vm0, $0xb8;
	[tilespmem:$0xE100] =	vst v63  }
0xec: {  	v3 =	vld [tilespmem:$0x40];
	_ =	sdelay $0x4  }
0xed: {  	v54 =	vshll.u32 v3, $0x1  }
0xee: {  	v3 =	vand.u32 $0x7, v3;
	v4 =	vand.u32 $0xFFFFFFF0, v54  }
0xef: {  	v3 =	vor.u32 v3, v4  }
0xf0: {  	v4 =	vperm.xlane v3, v0;
	_ =	sdelay $0x1  }
0xf1: {  	v3 =	vperm.xlane v3, v2;
	v4 =	vadd.s32 v1, v4;
	_ =	sdelay $0x1  }
0xf2: {  	v3 =	vadd.s32 v1, v3;
	_ =	sdelay $0x1  }
0xf3: {  	s22 =	simm.s32 $0x4100  }
0xf4: {  	[tilespmem:s22], [sflag:$0x1] =	stream.indirect_vreg.gather [hbm4b:s4+s2], $0x80, v4, vm0, $0xb8;
	[tilespmem:$0xE100] =	vst v63  }
0xf5: {  	_ = 	snop  }
0xf6: {  	[tilespmem:s0], [sflag:$0x1] =	stream.indirect_vreg.gather [hbm4b:s4+s2], $0x80, v3, vm0, $0xb8;
	[tilespmem:$0xE100] =	vst v63  }
0xf7: {  	v3 =	vld [tilespmem:$0x50];
	_ =	sdelay $0x4  }
0xf8: {  	v55 =	vshll.u32 v3, $0x1  }
0xf9: {  	v3 =	vand.u32 $0x7, v3;
	v4 =	vand.u32 $0xFFFFFFF0, v55  }
0xfa: {  	v3 =	vor.u32 v3, v4  }
0xfb: {  	v4 =	vperm.xlane v3, v0;
	_ =	sdelay $0x1  }
0xfc: {  	v3 =	vperm.xlane v3, v2;
	v4 =	vadd.s32 v1, v4;
	_ =	sdelay $0x1  }
0xfd: {  	v3 =	vadd.s32 v1, v3;
	_ =	sdelay $0x2  }
0xfe: {  	[tilespmem:s1], [sflag:$0x1] =	stream.indirect_vreg.gather [hbm4b:s4+s2], $0x80, v4, vm0, $0xb8;
	[tilespmem:$0xE100] =	vst v63  }
0xff: {  	_ = 	snop  }
0x100: {  	[tilespmem:s6], [sflag:$0x1] =	stream.indirect_vreg.gather [hbm4b:s4+s2], $0x80, v3, vm0, $0xb8;
	[tilespmem:$0xE100] =	vst v63  }
0x101: {  	v3 =	vld [tilespmem:$0x60];
	_ =	sdelay $0x4  }
0x102: {  	v56 =	vshll.u32 v3, $0x1  }
0x103: {  	v3 =	vand.u32 $0x7, v3;
	v4 =	vand.u32 $0xFFFFFFF0, v56  }
0x104: {  	v3 =	vor.u32 v3, v4  }
0x105: {  	v4 =	vperm.xlane v3, v0;
	_ =	sdelay $0x1  }
0x106: {  	v3 =	vperm.xlane v3, v2;
	v4 =	vadd.s32 v1, v4;
	_ =	sdelay $0x1  }
0x107: {  	v3 =	vadd.s32 v1, v3;
	_ =	sdelay $0x2  }
0x108: {  	[tilespmem:s7], [sflag:$0x1] =	stream.indirect_vreg.gather [hbm4b:s4+s2], $0x80, v4, vm0, $0xb8;
	[tilespmem:$0xE100] =	vst v63  }
0x109: {  	_ = 	snop  }
0x10a: {  	[tilespmem:s8], [sflag:$0x1] =	stream.indirect_vreg.gather [hbm4b:s4+s2], $0x80, v3, vm0, $0xb8;
	[tilespmem:$0xE100] =	vst v63  }
0x10b: {  	_ =	swait.ge [sflag:s17], $0x7000  }
0x10c: {  	[sflag:s17] =	ssyncset.done $0x0  }
0x10d: {  	[sflag:s17] =	ssyncadd.s32 $0xFFFF9000  }
0x10e: {  	[hbm4b:s19+s2] =	stream.linear.scatter [tilespmem:s29], [sflag:$0x3], $0x7000, $0x38;
	[tilespmem:$0xE100] =	vst v63  }
0x10f: {  	_ =	swait.ge [sflag:s12], $0x7000  }
0x110: {  	s22 =	rddreg [dreg:$0x2];
	[sflag:s12] =	ssyncset.done $0x0  }
0x111: {  	[sflag:s12] =	ssyncadd.s32 $0xFFFF9000;
	s21 =	sadd.s32 s20, s22  }
0x112: {  	[tilespmem:s5], [sflag:$0x3] =	stream.linear.gather [hbm4b:s21+s2], $0x70, $0x38;
	[tilespmem:$0xE100] =	vst v63  }
0x113: {  	_ =	swait.ge [sflag:s12], $0x70  }
0x114: {  	[sflag:s12] =	ssyncset.done $0x0  }
0x115: {  	[sflag:s12] =	ssyncadd.s32 $0xFFFFFF90  }
0x116: {  	v3 =	vld [tilespmem:$0x80];
	_ =	sdelay $0x4  }
0x117: {  	v57 =	vshll.u32 v3, $0x1  }
0x118: {  	v3 =	vand.u32 $0x7, v3;
	v4 =	vand.u32 $0xFFFFFFF0, v57  }
0x119: {  	v3 =	vor.u32 v3, v4  }
0x11a: {  	v4 =	vperm.xlane v3, v0;
	_ =	sdelay $0x1  }
0x11b: {  	v3 =	vperm.xlane v3, v2;
	v4 =	vadd.s32 v1, v4;
	_ =	sdelay $0x1  }
0x11c: {  	v3 =	vadd.s32 v1, v3;
	_ =	sdelay $0x2  }
0x11d: {  	[tilespmem:s29], [sflag:$0x2] =	stream.indirect_vreg.gather [hbm4b:s4+s2], $0x80, v4, vm0, $0xb8;
	[tilespmem:$0xE100] =	vst v63  }
0x11e: {  	_ = 	snop  }
0x11f: {  	[tilespmem:s9], [sflag:$0x2] =	stream.indirect_vreg.gather [hbm4b:s4+s2], $0x80, v3, vm0, $0xb8;
	[tilespmem:$0xE100] =	vst v63  }
0x120: {  	v3 =	vld [tilespmem:$0x90];
	_ =	sdelay $0x4  }
0x121: {  	v58 =	vshll.u32 v3, $0x1  }
0x122: {  	v3 =	vand.u32 $0x7, v3;
	v4 =	vand.u32 $0xFFFFFFF0, v58  }
0x123: {  	v3 =	vor.u32 v3, v4  }
0x124: {  	v4 =	vperm.xlane v3, v0;
	_ =	sdelay $0x1  }
0x125: {  	v3 =	vperm.xlane v3, v2;
	v4 =	vadd.s32 v1, v4;
	_ =	sdelay $0x1  }
0x126: {  	v3 =	vadd.s32 v1, v3;
	_ =	sdelay $0x2  }
0x127: {  	[tilespmem:s10], [sflag:$0x2] =	stream.indirect_vreg.gather [hbm4b:s4+s2], $0x80, v4, vm0, $0xb8;
	[tilespmem:$0xE100] =	vst v63  }
0x128: {  	_ = 	snop  }
0x129: {  	[tilespmem:s11], [sflag:$0x2] =	stream.indirect_vreg.gather [hbm4b:s4+s2], $0x80, v3, vm0, $0xb8;
	[tilespmem:$0xE100] =	vst v63  }
0x12a: {  	v3 =	vld [tilespmem:$0xA0];
	_ =	sdelay $0x4  }
0x12b: {  	v59 =	vshll.u32 v3, $0x1  }
0x12c: {  	v3 =	vand.u32 $0x7, v3;
	v4 =	vand.u32 $0xFFFFFFF0, v59  }
0x12d: {  	v3 =	vor.u32 v3, v4  }
0x12e: {  	v4 =	vperm.xlane v3, v0;
	_ =	sdelay $0x1  }
0x12f: {  	v3 =	vperm.xlane v3, v2;
	v4 =	vadd.s32 v1, v4;
	_ =	sdelay $0x1  }
0x130: {  	v3 =	vadd.s32 v1, v3;
	_ =	sdelay $0x2  }
0x131: {  	[tilespmem:s14], [sflag:$0x2] =	stream.indirect_vreg.gather [hbm4b:s4+s2], $0x80, v4, vm0, $0xb8;
	[tilespmem:$0xE100] =	vst v63  }
0x132: {  	_ = 	snop  }
0x133: {  	[tilespmem:s15], [sflag:$0x2] =	stream.indirect_vreg.gather [hbm4b:s4+s2], $0x80, v3, vm0, $0xb8;
	[tilespmem:$0xE100] =	vst v63  }
0x134: {  	v3 =	vld [tilespmem:$0xB0];
	_ =	sdelay $0x4  }
0x135: {  	v60 =	vshll.u32 v3, $0x1  }
0x136: {  	v3 =	vand.u32 $0x7, v3;
	v4 =	vand.u32 $0xFFFFFFF0, v60  }
0x137: {  	v3 =	vor.u32 v3, v4  }
0x138: {  	v4 =	vperm.xlane v3, v0;
	_ =	sdelay $0x1  }
0x139: {  	v3 =	vperm.xlane v3, v2;
	v4 =	vadd.s32 v1, v4;
	_ =	sdelay $0x1  }
0x13a: {  	v3 =	vadd.s32 v1, v3;
	_ =	sdelay $0x2  }
0x13b: {  	[tilespmem:s3], [sflag:$0x2] =	stream.indirect_vreg.gather [hbm4b:s4+s2], $0x80, v4, vm0, $0xb8;
	[tilespmem:$0xE100] =	vst v63  }
0x13c: {  	_ = 	snop  }
0x13d: {  	[tilespmem:s30], [sflag:$0x2] =	stream.indirect_vreg.gather [hbm4b:s4+s2], $0x80, v3, vm0, $0xb8;
	[tilespmem:$0xE100] =	vst v63  }
0x13e: {  	v3 =	vld [tilespmem:$0xC0];
	_ =	sdelay $0x4  }
0x13f: {  	v61 =	vshll.u32 v3, $0x1  }
0x140: {  	v3 =	vand.u32 $0x7, v3;
	v4 =	vand.u32 $0xFFFFFFF0, v61  }
0x141: {  	v3 =	vor.u32 v3, v4  }
0x142: {  	v4 =	vperm.xlane v3, v0;
	_ =	sdelay $0x1  }
0x143: {  	v3 =	vperm.xlane v3, v2;
	v4 =	vadd.s32 v1, v4;
	_ =	sdelay $0x1  }
0x144: {  	v3 =	vadd.s32 v1, v3;
	_ =	sdelay $0x2  }
0x145: {  	[tilespmem:s26], [sflag:$0x2] =	stream.indirect_vreg.gather [hbm4b:s4+s2], $0x80, v4, vm0, $0xb8;
	[tilespmem:$0xE100] =	vst v63  }
0x146: {  	_ = 	snop  }
0x147: {  	[tilespmem:s23], [sflag:$0x2] =	stream.indirect_vreg.gather [hbm4b:s4+s2], $0x80, v3, vm0, $0xb8;
	[tilespmem:$0xE100] =	vst v63  }
0x148: {  	v3 =	vld [tilespmem:$0xD0];
	_ =	sdelay $0x4  }
0x149: {  	v62 =	vshll.u32 v3, $0x1  }
0x14a: {  	v3 =	vand.u32 $0x7, v3;
	v4 =	vand.u32 $0xFFFFFFF0, v62  }
0x14b: {  	v3 =	vor.u32 v3, v4  }
0x14c: {  	v4 =	vperm.xlane v3, v0;
	_ =	sdelay $0x1  }
0x14d: {  	v3 =	vperm.xlane v3, v2;
	v4 =	vadd.s32 v1, v4;
	_ =	sdelay $0x1  }
0x14e: {  	v3 =	vadd.s32 v1, v3;
	_ =	sdelay $0x1  }
0x14f: {  	s22 =	simm.s32 $0xC100  }
0x150: {  	[tilespmem:s22], [sflag:$0x2] =	stream.indirect_vreg.gather [hbm4b:s4+s2], $0x80, v4, vm0, $0xb8;
	[tilespmem:$0xE100] =	vst v63  }
0x151: {  	s22 =	simm.s32 $0xC900  }
0x152: {  	[tilespmem:s22], [sflag:$0x2] =	stream.indirect_vreg.gather [hbm4b:s4+s2], $0x80, v3, vm0, $0xb8;
	[tilespmem:$0xE100] =	vst v63  }
0x153: {  	v3 =	vld [tilespmem:$0xE0];
	_ =	sdelay $0x4  }
0x154: {  	v63 =	vshll.u32 v3, $0x1  }
0x155: {  	v3 =	vand.u32 $0x7, v3;
	v4 =	vand.u32 $0xFFFFFFF0, v63  }
0x156: {  	v3 =	vor.u32 v3, v4  }
0x157: {  	v4 =	vperm.xlane v3, v0;
	_ =	sdelay $0x1  }
0x158: {  	v3 =	vperm.xlane v3, v2;
	v4 =	vadd.s32 v1, v4;
	_ =	sdelay $0x1  }
0x159: {  	p0 =	sne.s32 s20, $0x8C;
	v3 =	vadd.s32 v1, v3  }
.Ltmp0:
0x15a: {  	_ = 	snop;
	(pc) =	sbr.rel @p0 .LBB2_2-.Ltmp0, $4  }
0x15b: {  	s18 =	sadd.s32 $0xE0, s18  }
0x15c: {  	[tilespmem:s28], [sflag:$0x2] =	stream.indirect_vreg.gather [hbm4b:s4+s2], $0x80, v4, vm0, $0xb8;
	[tilespmem:$0xE100] =	vst v63  }
0x15d: {  	s25 =	simm.s32 $0x100;
	s19 =	sadd.s32 $0x1C00, s19;
	s20 =	sadd.s32 $0x1C, s20  }
0x15e: {  	[tilespmem:s31], [sflag:$0x2] =	stream.indirect_vreg.gather [hbm4b:s4+s2], $0x80, v3, vm0, $0xb8;
	[tilespmem:$0xE100] =	vst v63  }
0x15f: {  	_ =	swait.ge [sflag:s16], $0x7000  }
0x160: {  	[sflag:s16] =	ssyncset.done $0x0  }
0x161: {  	s18 =	rddreg [dreg:$0x5];
	[sflag:s16] =	ssyncadd.s32 $0xFFFF9000  }
0x162: {  	[hbm4b:s18+s2] =	stream.linear.scatter [tilespmem:s25], [sflag:$0x3], $0x7000, $0x38;
	[tilespmem:$0xE100] =	vst v63  }
0x163: {  	_ =	swait.ge [sflag:s12], $0x7000  }
0x164: {  	[sflag:s12] =	ssyncset.done $0x0  }
0x165: {  	[sflag:s12] =	ssyncadd.s32 $0xFFFF9000  }
0x166: {  	s19 =	simm.s32 $0x900;
	s20 =	simm.s32 $0x1100;
	_ =	swait.ge [sflag:s17], $0x7000  }
0x167: {  	s21 =	simm.s32 $0x1900;
	s22 =	simm.s32 $0x2100;
	[sflag:s17] =	ssyncset.done $0x0  }
0x168: {  	s23 =	simm.s32 $0x2900;
	s24 =	rddreg [dreg:$0x6];
	[sflag:s17] =	ssyncadd.s32 $0xFFFF9000  }
0x169: {  	[hbm4b:s24+s2] =	stream.linear.scatter [tilespmem:s29], [sflag:$0x3], $0x7000, $0x38;
	[tilespmem:$0xE100] =	vst v63  }
0x16a: {  	s13 =	simm.s32 $0x3900;
	s1 =	simm.s32 $0x5100;
	_ =	swait.ge [sflag:s12], $0x7000  }
0x16b: {  	s6 =	simm.s32 $0x5900;
	s7 =	simm.s32 $0x6100;
	s0 =	rddreg [dreg:$0xb]  }
0x16c: {  	s8 =	simm.s32 $0x6900;
	s26 =	rddreg [dreg:$0x7];
	s0 =	sadd.s32 $0x1, s0  }
0x16d: {  	s5 =	simm.s32 $0x80;
	s9 =	simm.s32 $0x7900;
	p0 =	sne.s32 s0, s26  }
.Ltmp1:
0x16e: {  	s10 =	simm.s32 $0x8100;
	s11 =	simm.s32 $0x8900;
	(pc) =	sbr.rel @p0 .LBB2_1-.Ltmp1, $4  }
0x16f: {  	s14 =	simm.s32 $0x9100;
	s15 =	simm.s32 $0x9900;
	s3 =	simm.s32 $0xA100  }
0x170: {  	s28 =	simm.s32 $0xA900;
	s30 =	simm.s32 $0xB100;
	[sflag:s12] =	ssyncset.done $0x0  }
0x171: {  	s31 =	simm.s32 $0xB900;
	s24 =	simm.s32 $0x3100;
	[sflag:s12] =	ssyncadd.s32 $0xFFFF9000  }
0x172: {  	[dreg:$0xb] =	wrdreg s0;
	s26 =	simm.s32 $0x4100;
	s0 =	simm.s32 $0x4900  }
0x173: {  	_ =	sfence.sel $0x180000  }
0x174: {  	[bflag:$0x0] =	sbarrier.arrive $0xFFFF  }
0x175: {  	_ =	strace $0x9000004A  }
0x176: {  	s0 =	stileid.u32;
	[bflag:$0x2] =	sbarrier.arrive $0xFFFF  }
0x177: {  	p0 =	sne.s32 s0, $0x0;
	s0 =	rddreg [dreg:$0x1]  }
0x178: {  	s0 =	sadd.s32 @!p0 $0x100000, s0  }
0x179: {  	[sflag:s0] =	ssyncadd.tile.s32 @!p0 $0x1;
	_ =	shalt  }
.Lfunc_end2:
_tile_overlayer_lowered:
.L_overlay_start_2:
0x17a: {  	(tag) =	ssettag $0x2  }
0x17b: {  	s0 =	rddreg [dreg:$0x0];
	s2 =	stileid.u32  }
0x17c: {  	s1 =	rddreg [dreg:$0x1];
	p0 =	sne.s32 s2, $0x0  }
0x17d: {  	s3 =	rddreg [dreg:$0x2];
	[bflag:$0x3] =	sbarrier.arrive $0xFFFF;
	s2 =	simm.s32 @!p0 $0x1C03  }
0x17e: {  	[timem:s3], [sflag:s2] =	dma.local @!p0 [hbm:s0], s1  }
0x17f: {  	s0 =	simm.s32 @!p0 $0x3  }
0x180: {  	_ =	swait.ge @!p0 [sflag:s0], s1  }
0x181: {  	s1 =	ssub.s32 @!p0 $0x0, s1;
	[sflag:s0] =	ssyncset.done @!p0 $0x0  }
0x182: {  	[sflag:s0] =	ssyncadd.s32 @!p0 s1  }
0x183: {  	[bflag:$0x3] =	sbarrier.arrive $0xFFFF  }
0x184: {  	_ =	shalt  }

// kernel: kernel.8.cloned.1.call-start
scs
__scs_entry_jumppad:
0x0: {  	(pc) =	sbr.rel $0x88, $3  }
0x1: {  	(tag) =	ssettag $0x0;
	lr =	simm.s32 $0x1  }
0x2: {  	[smem:$0x3F9B] =	sst lr;
	_ =	strace $0xD0000000  }
0x3: {  	_ = 	snop  }
0x4: {  	_ = 	snop  }
0x5: {  	_ = 	snop  }
0x6: {  	_ = 	snop  }
0x7: {  	_ = 	snop  }
__scs_overlays_trampoline_lowered:
0x8: {  	[smem:$0x3FAA] =	sst s0  }
0x9: {  	[smem:$0x3FAB] =	sst s1  }
0xa: {  	[smem:$0x3FAC] =	sst s2  }
0xb: {  	[smem:$0x3FAD] =	sst s3  }
0xc: {  	[smem:$0x3FAE] =	sst s4  }
0xd: {  	[smem:$0x3FAF] =	sst s5  }
0xe: {  	[smem:$0x3FB0] =	sst s6  }
0xf: {  	[smem:$0x3FB1] =	sst s7  }
0x10: {  	[smem:$0x3FB2] =	sst s8  }
0x11: {  	[smem:$0x3FB3] =	sst s9;
	s0 =	simm.s32 @!p0 $0x0  }
0x12: {  	s1 =	sld [smem:$0x3F99];
	s0 =	simm.s32 @p0 $0x1  }
0x13: {  	[smem:$0x3FB4] =	sst s0;
	s0 =	simm.s32 @!p1 $0x0  }
0x14: {  	s2 =	sld [smem:$0x3F98];
	s0 =	simm.s32 @p1 $0x1  }
0x15: {  	[smem:$0x3FB5] =	sst s0;
	s0 =	simm.s32 @!p2 $0x0  }
0x16: {  	s3 =	sld [smem:$0x3FDB];
	s0 =	simm.s32 @p2 $0x1  }
0x17: {  	s4 =	simm.s32 $0x1BF5;
	[smem:$0x3FB7] =	sst s0  }
0x18: {  	s0 =	sld [smem:$0x3F9A];
	_ =	swait.ge [sflag:s4], $0x0  }
0x19: {  	s7 =	sld [smem:$0x3F9B]  }
0x1a: {  	s8 =	sadd.s32 $0xFFFFE003, lr  }
0x1b: {  	s9 =	sadd.s32 $0xFFFFFEF7, lr;
	s5 =	simm.s32 $0xFFFFFFFF;
	p2 =	slt.u32 s8, $0xFFFFF086  }
0x1c: {  	p1 =	slt.u32 s9, $0xF7A;
	s5 =	simm.s32 @!p2 $0x0  }
0x1d: {  	s5 =	simm.s32 @p1 $0x1;
	p0 =	seq.s32 s7, s2  }
0x1e: {  	s7 =	smul.u32 @!p0 $0xF7A, s2;
	p2 =	seq.s32 @!p0 s5, $0x0  }
0x1f: {  	s9 =	smul.u32 $0xF7A, s1;
	s8 =	simm.s32 @!p0 $0x1BF5;
	p2 =	por !p2, p0  }
0x20: {  	[sflag:s8] =	ssyncset.s32 @!p0 $0xFFFFF086;
	s6 =	sadd.s32 @!p0 s3, s7;
	s7 =	simm.s32 @!p0 $0x108  }
0x21: {  	s3 =	sadd.s32 s3, s9;
	s6 =	sadd.s32 @!p0 $0x88, s6;
	s7 =	simm.s32 @p2 $0x1082  }
0x22: {  	[simem:s7], [sflag:s8] =	dma.local @!p0 [hbm:s6], $0xF7A  }
0x23: {  	s9 =	sor.u32 $0xD0000000, s2;
	s6 =	simm.s32 $0x108;
	_ =	swait.ge @!p0 [sflag:s8], $0x0  }
0x24: {  	s3 =	sadd.s32 $0x88, s3;
	s6 =	simm.s32 @!p1 $0x1082;
	[sflag:s4] =	ssyncset.s32 $0xFFFFF086  }
0x25: {  	[simem:s6], [sflag:s4] =	dma.local [hbm:s3], $0xF7A  }
0x26: {  	[smem:$0x3F9B] =	sst s1;
	(tag) =	ssettag s2;
	_ =	strace s9  }
0x27: {  	s1 =	sld [smem:$0x3FAB]  }
0x28: {  	s2 =	sld [smem:$0x3FAC]  }
0x29: {  	s4 =	sld [smem:$0x3FAE]  }
0x2a: {  	p0 =	seq.s32 s5, $0x0;
	s5 =	sld [smem:$0x3FAF]  }
0x2b: {  	s6 =	sld [smem:$0x3FB0]  }
0x2c: {  	s7 =	sld [smem:$0x3FB1]  }
0x2d: {  	s3 =	simm.s32 $0x108;
	s8 =	sld [smem:$0x3FB2]  }
0x2e: {  	s3 =	simm.s32 @!p0 $0x1082;
	s9 =	sld [smem:$0x3FB3]  }
0x2f: {  	lr =	sadd.s32 s0, s3;
	s0 =	sld [smem:$0x3FAA]  }
0x30: {  	s3 =	sld [smem:$0x3FAD]  }
0x31: {  	[smem:$0x3FB6] =	sst s10  }
0x32: {  	s10 =	sld [smem:$0x3FB4];
	_ =	sdelay $0x3  }
0x33: {  	p0 =	seq.s32 s10, $0x1;
	s10 =	sld [smem:$0x3FB6];
	_ =	sdelay $0x3  }
0x34: {  	[smem:$0x3FB6] =	sst s10  }
0x35: {  	s10 =	sld [smem:$0x3FB5];
	_ =	sdelay $0x3  }
0x36: {  	p1 =	seq.s32 s10, $0x1;
	s10 =	sld [smem:$0x3FB6];
	_ =	sdelay $0x3  }
0x37: {  	[smem:$0x3FB6] =	sst s10  }
0x38: {  	s10 =	sld [smem:$0x3FB7]  }
0x39: {  	_ = 	snop;
	(pc) =	sbr.ind lr, $3  }
0x3a: {  	_ = 	snop  }
0x3b: {  	_ = 	snop  }
0x3c: {  	p2 =	seq.s32 s10, $0x1;
	s10 =	sld [smem:$0x3FB6]  }
0x3d: {  	_ =	shalt  }
0x3e: {  	_ =	shalt  }
0x3f: {  	_ =	shalt  }
0x40: {  	_ =	shalt  }
0x41: {  	_ =	shalt  }
0x42: {  	_ =	shalt  }
0x43: {  	_ =	shalt  }
0x44: {  	_ =	shalt  }
0x45: {  	_ =	shalt  }
0x46: {  	_ =	shalt  }
0x47: {  	_ =	shalt  }
0x48: {  	_ =	shalt  }
0x49: {  	_ =	shalt  }
0x4a: {  	_ =	shalt  }
0x4b: {  	_ =	shalt  }
0x4c: {  	_ =	shalt  }
0x4d: {  	_ =	shalt  }
0x4e: {  	_ =	shalt  }
0x4f: {  	_ =	shalt  }
0x50: {  	_ =	shalt  }
0x51: {  	_ =	shalt  }
0x52: {  	_ =	shalt  }
0x53: {  	_ =	shalt  }
0x54: {  	_ =	shalt  }
0x55: {  	_ =	shalt  }
0x56: {  	_ =	shalt  }
0x57: {  	_ =	shalt  }
0x58: {  	_ =	shalt  }
0x59: {  	_ =	shalt  }
0x5a: {  	_ =	shalt  }
0x5b: {  	_ =	shalt  }
0x5c: {  	_ =	shalt  }
0x5d: {  	_ =	shalt  }
0x5e: {  	_ =	shalt  }
0x5f: {  	_ =	shalt  }
0x60: {  	_ =	shalt  }
0x61: {  	_ =	shalt  }
0x62: {  	_ =	shalt  }
0x63: {  	_ =	shalt  }
0x64: {  	_ =	shalt  }
0x65: {  	_ =	shalt  }
0x66: {  	_ =	shalt  }
0x67: {  	_ =	shalt  }
0x68: {  	_ =	shalt  }
0x69: {  	_ =	shalt  }
0x6a: {  	_ =	shalt  }
0x6b: {  	_ =	shalt  }
0x6c: {  	_ =	shalt  }
0x6d: {  	_ =	shalt  }
0x6e: {  	_ =	shalt  }
0x6f: {  	_ =	shalt  }
0x70: {  	_ =	shalt  }
0x71: {  	_ =	shalt  }
0x72: {  	_ =	shalt  }
0x73: {  	_ =	shalt  }
0x74: {  	_ =	shalt  }
0x75: {  	_ =	shalt  }
0x76: {  	_ =	shalt  }
0x77: {  	_ =	shalt  }
0x78: {  	_ =	shalt  }
0x79: {  	_ =	shalt  }
0x7a: {  	_ =	shalt  }
0x7b: {  	_ =	shalt  }
0x7c: {  	_ =	shalt  }
0x7d: {  	_ =	shalt  }
0x7e: {  	_ =	shalt  }
0x7f: {  	_ =	shalt  }
0x80: {  	_ =	shalt  }
0x81: {  	_ =	shalt  }
0x82: {  	_ =	shalt  }
0x83: {  	_ =	shalt  }
0x84: {  	_ =	shalt  }
0x85: {  	_ =	shalt  }
0x86: {  	_ =	shalt  }
0x87: {  	_ =	shalt  }
.Lfunc_end0:
.L_simem_size_0:
called_computation_lowered:
.L_overlay_start_0:
0x88: {  	s2 =	sld [smem:$0x3FD9]  }
0x89: {  	s3 =	sld [smem:$0x3FFE];
	_ =	sdelay $0x1  }
0x8a: {  	s1 =	srdreg.scid  }
0x8b: {  	s0 =	sand.u32 $0x1, s1  }
0x8c: {  	s16 =	sshll.u32 s0, $0xA;
	s2 =	sadd.s32 s3, s2  }
0x8d: {  	s2 =	sadd.s32 s2, s16  }
0x8e: {  	[smem:$0x3FC2] =	sst s2  }
0x8f: {  	_ = 	snop  }
0x90: {  	(tm) =	ssettm $0x1  }
0x91: {  	s17 =	sld [smem:$0x3FFB];
	_ =	sdelay $0x3  }
0x92: {  	_ =	strace s17  }
0x93: {  	s2 =	sld [smem:$0x3FFC];
	_ =	sdelay $0x3  }
0x94: {  	_ =	strace s2  }
0x95: {  	s2 =	sld [smem:$0x3FFD];
	_ =	sdelay $0x3  }
0x96: {  	_ =	strace s2  }
0x97: {  	_ =	strace $0x8FFFFFFF  }
0x98: {  	s18 =	sld [smem:$0x3FDB];
	_ =	sdelay $0x1  }
0x99: {  	s19 =	simm.s32 $_scs_section_size  }
0x9a: {  	s4 =	simm.s32 $_size__tile_overlayer_lowered;
	s5 =	simm.s32 $_tile_overlayer_lowered  }
0x9b: {  	s22 =	simm.s32 $0x1BFF;
	s21 =	sshll.u32 s5, $0x1;
	s2 =	sadd.s32 s19, s18  }
0x9c: {  	s6 =	simm.s32 $0x0;
	s20 =	sshll.u32 s4, $0x1;
	s4 =	sadd.s32 s21, s2  }
0x9d: {  	[timem:s6], [sflag:s22] =	dma.local [hbm:s4], s20  }
0x9e: {  	_ =	swait.ge [sflag:s22], s20  }
0x9f: {  	s3 =	ssub.s32 $0x0, s20;
	[sflag:s22] =	ssyncset.done $0x0  }
0xa0: {  	[sflag:s22] =	ssyncadd.s32 s3;
	_ =	sdelay $0x1  }
0xa1: {  	s23 =	simm.s32 $0x1B8B  }
0xa2: {  	_ =	swait.ge [sflag:s23], $0x1  }
0xa3: {  	[sflag:s23] =	ssyncset.done $0x0  }
0xa4: {  	s25 =	simm.s32 $0x1B8E;
	s24 =	sld [smem:$0x3FFE];
	[sflag:s23] =	ssyncadd.s32 $0xFFFFFFFF  }
0xa5: {  	s26 =	simm.s32 $execute0_lowered;
	[smem:$0x3FD2] =	sst s25  }
0xa6: {  	s4 =	sshll.u32 s26, $0x1;
	_ =	strace $0x80000046;
	[dreg:$0x1] =	wrdreg $0xFFFFFFFF  }
0xa7: {  	s28 =	simm.s32 $_size_execute0_lowered;
	s2 =	sadd.s32 s2, s4;
	[dreg:$0x0] =	wrdreg $0x0  }
0xa8: {  	s4 =	sshll.u32 s28, $0x1;
	[dreg:$0x2] =	wrdreg s2  }
0xa9: {  	[dreg:$0x3] =	wrdreg s4  }
0xaa: {  	[dreg:$0x4] =	wrdreg $0xC0  }
0xab: {  	_ =	task [dreg:s6], $0x5FFFF  }
0xac: {  	[dreg:$0x1] =	wrdreg $0xFFFFFFFF  }
0xad: {  	[dreg:$0x0] =	wrdreg $0x60  }
0xae: {  	[dreg:$0x2] =	wrdreg s24  }
0xaf: {  	[dreg:$0x3] =	wrdreg $0x9  }
0xb0: {  	_ =	task.clear_ibuf [dreg:s6], $0x4FFFF;
	_ =	strace $0x90000046  }
0xb1: {  	s29 =	simm.s32 $0x9;
	_ =	strace $0x80000048  }
0xb2: {  	_ =	swait.ge [sflag:s29], $0x1  }
0xb3: {  	[sflag:s29] =	ssyncadd.s32 $0xFFFFFFFF  }
0xb4: {  	_ =	strace $0x90000048  }
0xb5: {  	_ =	sfence  }
0xb6: {  	s30 =	sld [smem:$0x0];
	_ =	sdelay $0x2  }
0xb7: {  	s31 =	sshll.u32 s1, $0xD;
	s1 =	sshrl.u32 s1, $0x2  }
0xb8: {  	s3 =	sand.u32 $0x4000, s31;
	s1 =	sadd.s32 s1, s30  }
0xb9: {  	s0 =	sor.u32 s3, s0;
	s1 =	sshll.u32 s1, $0x11  }
0xba: {  	s0 =	sor.u32 s1, s0  }
0xbb: {  	s0 =	sadd.s32 $0x8F2B, s0  }
0xbc: {  	[sflag:s0] =	ssyncadd.remote.s32 $0x1  }
0xbd: {  	_ =	sfence.sel $0xFFFF  }
0xbe: {  	[dreg:$0x0] =	wrdreg $0xFFFFFFFF;
	(pc) =	sbr.abs _section_cstart, $3  }
0xbf: {  	[dreg:$0x1] =	wrdreg $0xFFFFFFFF  }
0xc0: {  	_ =	task.clear_ibuf [dreg:s6], $0x2FFFF;
	_ =	strace $0x9FFFFFFF  }
0xc1: {  	(tm) =	ssettm $0x7FFFFFFF  }
tec
execute0_lowered:
.L_overlay_start_1:
0x0: {  	(tag) =	ssettag $0x1  }
0x1: {  	s0 =	rddreg [dreg:$0x0];
	s1 =	simm.s32 $0x0  }
0x2: {  	s3 =	srdreg.scid;
	s15 =	stileid.u32;
	s31 =	simm.s32 $0x2  }
0x3: {  	s30 =	simm.s32 $0x4;
	[smem:$0x7FF] =	sst s1;
	s16 =	smul.u32 $0x18800, s15  }
0x4: {  	s2 =	sadd.s32 $0x1C00, s0;
	s5 =	sadd.s32 $0xC5C00, s0;
	s20 =	smul.u32 $0xC40, s15  }
0x5: {  	s8 =	sand.u32 $0x1, s3;
	s3 =	sadd.s32 $0x24DC00, s0;
	s22 =	smul.u32 $0xC400, s15  }
0x6: {  	s6 =	sshll.u32 s15, $0x1;
	s4 =	sadd.s32 $0x24F600, s0;
	s18 =	smul.u32 $0xC400, s8  }
0x7: {  	s26 =	sadd.s32 $0x251000, s0;
	s7 =	sadd.s32 $0x315800, s0;
	s21 =	smul.u32 $0x620, s8  }
0x8: {  	s9 =	sor.u32 s8, s6;
	s11 =	ssub.s32 $0x2, s8;
	s8 =	smul.u32 $0x6200, s8  }
0x9: {  	s15 =	simm.s32 $0x12B80;
	_ =	strace $0x80000047;
	s10 =	smul.u32 $0x620, s9  }
0xa: {  	[dreg:$0x2] =	wrdreg s26;
	s6 =	sadd.s32 $0x251200, s0;
	s14 =	smul.u32 $0x6200, s9  }
0xb: {  	s0 =	sadd.s32 $0x49E200, s0;
	s12 =	sshrl.u32 s11, $0x1;
	s9 =	smul.u32 $0xC400, s9  }
0xc: {  	s11 =	ssub.s32 s11, s12;
	s23 =	sadd.s32 s21, s20;
	s13 =	sshrl.u32 s10, $0x3  }
0xd: {  	s10 =	sadd.s32 $0x70, s10;
	s9 =	sadd.s32 s5, s9;
	s11 =	smax.u32 s11, $0x1  }
0xe: {  	s24 =	sadd.s32 $0x150, s23;
	s25 =	sadd.s32 $0x70, s23;
	[dreg:$0x6] =	wrdreg s9  }
0xf: {  	s28 =	sadd.s32 s3, s13;
	s29 =	sadd.s32 s4, s13;
	[dreg:$0xb] =	wrdreg s11  }
0x10: {  	s13 =	sadd.s32 s2, s14;
	s14 =	sshrl.u32 s10, $0x3;
	[dreg:$0x3] =	wrdreg s28  }
0x11: {  	s19 =	sshll.u32 s10, $0x4;
	s10 =	sshll.u32 s10, $0x5;
	[dreg:$0x4] =	wrdreg s29  }
0x12: {  	s26 =	sshrl.u32 s25, $0x3;
	s25 =	simm.s32 $0x1;
	[dreg:$0x5] =	wrdreg s13  }
0x13: {  	s17 =	sadd.s32 s3, s14;
	s9 =	sadd.s32 s4, s14;
	s13 =	sadd.s32 s2, s19  }
0x14: {  	s10 =	sadd.s32 s5, s10;
	s5 =	sadd.s32 s16, s5;
	s2 =	sadd.s32 s22, s2  }
0x15: {  	s21 =	sadd.s32 s26, s0;
	s28 =	sshrl.u32 s23, $0x3;
	[dreg:$0x7] =	wrdreg s17  }
0x16: {  	s29 =	sadd.s32 $0xE0, s23;
	s26 =	simm.s32 $0x70;
	[dreg:$0x8] =	wrdreg s9  }
0x17: {  	s16 =	simm.s32 $0x13380;
	s22 =	simm.s32 $0x14B80;
	[dreg:$0x9] =	wrdreg s13  }
0x18: {  	[dreg:$0xa] =	wrdreg s10;
	s5 =	sadd.s32 s18, s5;
	s2 =	sadd.s32 s8, s2  }
0x19: {  	[dreg:$0xe] =	wrdreg s29;
	s23 =	sadd.s32 s28, s0;
	s0 =	simm.s32 $0x3B80  }
.Ltmp0:
0x1a: {  	s8 =	simm.s32 $0x300;
	s17 =	simm.s32 $0x13B80;
	(pc) =	sbr.rel .LBB2_1-.Ltmp0, $4  }
0x1b: {  	s18 =	simm.s32 $0x14380;
	s10 =	simm.s32 $0x0;
	s5 =	sadd.s32 $0x2A00, s5  }
0x1c: {  	v2 =	vlaneseq.u32;
	s2 =	sadd.s32 $0x1500, s2;
	[dreg:$0xc] =	wrdreg s5;
	s5 =	sshrl.u32 s24, $0x3  }
0x1d: {  	vm0 =	vmmov $0xffff;
	v1 =	vshrl.u32 v2, $0x3;
	[dreg:$0xd] =	wrdreg s2;
	s24 =	simm.s32 $0x5;
	s2 =	simm.s32 $0xE380  }
0x1e: {  	v0 =	vand.u32 $0x7, v2;
	v2 =	vor.u32 $0x8, v2;
	v1 =	vmul.u32 $0x8, v1;
	s19 =	sadd.s32 s5, s4;
	s20 =	sadd.s32 s5, s3;
	s5 =	simm.s32 $0x280  }
.LBB2_4:
0x1f: {  	s9 =	simm.s32 $0x3  }
0x20: {  	_ =	swait.ge [sflag:s9], $0x3800  }
0x21: {  	[sflag:s9] =	ssyncset.done $0x0  }
0x22: {  	[sflag:s9] =	ssyncadd.s32 $0xFFFFC800  }
0x23: {  	_ =	swait.ge [sflag:s9], $0x7000  }
0x24: {  	[sflag:s9] =	ssyncset.done $0x0  }
0x25: {  	[sflag:s9] =	ssyncadd.s32 $0xFFFF9000  }
0x26: {  	_ =	swait.ge [sflag:s30], $0x3800  }
0x27: {  	[sflag:s30] =	ssyncset.done $0x0  }
0x28: {  	[sflag:s30] =	ssyncadd.s32 $0xFFFFC800  }
0x29: {  	_ =	swait.ge [sflag:s30], $0x7000  }
0x2a: {  	s10 =	rddreg [dreg:$0xf]  }
0x2b: {  	s29 =	rddreg [dreg:$0xb];
	s10 =	sadd.s32 $0x1, s10  }
0x2c: {  	p0 =	sne.s32 s10, s29  }
.Ltmp1:
0x2d: {  	_ = 	snop;
	(pc) =	sbr.rel @!p0 .LBB2_5-.Ltmp1, $3  }
0x2e: {  	_ =	sdelay $0x1  }
0x2f: {  	[sflag:s30] =	ssyncset.done $0x0  }
0x30: {  	[sflag:s30] =	ssyncadd.s32 $0xFFFF9000  }
.LBB2_1:
0x31: {  	[dreg:$0xf] =	wrdreg s10  }
0x32: {  	s9 =	rddreg [dreg:$0x2]  }
0x33: {  	[tilespmem:s1], [sflag:$0x5] =	stream.linear.gather [hbm4b:s9+s1], $0x80, $0x38;
	[tilespmem:$0x15380] =	vst v63  }
0x34: {  	_ =	swait.ge [sflag:s24], $0x80  }
0x35: {  	s14 =	rddreg [dreg:$0x3]  }
0x36: {  	s10 =	rddreg [dreg:$0x4]  }
0x37: {  	[sflag:s24] =	ssyncset.done $0x0;
	s12 =	rddreg [dreg:$0x5]  }
0x38: {  	s29 =	simm.s32 $0x80;
	s9 =	rddreg [dreg:$0xe];
	[sflag:s24] =	ssyncadd.s32 $0xFFFFFF80  }
0x39: {  	[tilespmem:s29], [sflag:$0x1] =	stream.linear.gather [hbm4b:s14+s1], $0x70, $0x38;
	[tilespmem:$0x15380] =	vst v63  }
0x3a: {  	s11 =	simm.s32 $0x180;
	s28 =	rddreg [dreg:$0xc]  }
0x3b: {  	[tilespmem:s11], [sflag:$0x1] =	stream.linear.gather [hbm4b:s10+s1], $0x70, $0x38;
	[tilespmem:$0x15380] =	vst v63  }
0x3c: {  	s13 =	simm.s32 $0x380;
	s14 =	rddreg [dreg:$0x6]  }
0x3d: {  	[tilespmem:s13], [sflag:$0x1] =	stream.linear.gather [hbm4b:s12+s1], $0x3800, $0x38;
	[tilespmem:$0x15380] =	vst v63  }
0x3e: {  	s29 =	simm.s32 $0x7380;
	s10 =	rddreg [dreg:$0x7]  }
0x3f: {  	[tilespmem:s29], [sflag:$0x1] =	stream.linear.gather [hbm4b:s14+s1], $0x7000, $0x38;
	[tilespmem:$0x15380] =	vst v63  }
0x40: {  	s11 =	simm.s32 $0x100;
	s12 =	rddreg [dreg:$0x8]  }
0x41: {  	[tilespmem:s11], [sflag:$0x2] =	stream.linear.gather [hbm4b:s10+s1], $0x70, $0x38;
	[tilespmem:$0x15380] =	vst v63  }
0x42: {  	s13 =	simm.s32 $0x200;
	s14 =	rddreg [dreg:$0x9]  }
0x43: {  	[tilespmem:s13], [sflag:$0x2] =	stream.linear.gather [hbm4b:s12+s1], $0x70, $0x38;
	[tilespmem:$0x15380] =	vst v63  }
0x44: {  	s29 =	rddreg [dreg:$0xa]  }
0x45: {  	[tilespmem:s0], [sflag:$0x2] =	stream.linear.gather [hbm4b:s14+s1], $0x3800, $0x38;
	[tilespmem:$0x15380] =	vst v63  }
0x46: {  	s10 =	simm.s32 $0x0;
	s11 =	rddreg [dreg:$0xd]  }
0x47: {  	[tilespmem:s2], [sflag:$0x2] =	stream.linear.gather [hbm4b:s29+s1], $0x7000, $0x38;
	[tilespmem:$0x15380] =	vst v63  }
.LBB2_2:
0x48: {  	_ =	swait.ge [sflag:s25], $0x70  }
0x49: {  	[sflag:s25] =	ssyncset.done $0x0  }
0x4a: {  	[sflag:s25] =	ssyncadd.s32 $0xFFFFFF90  }
0x4b: {  	_ =	swait.ge [sflag:s25], $0x70  }
0x4c: {  	[sflag:s25] =	ssyncset.done $0x0  }
0x4d: {  	[sflag:s25] =	ssyncadd.s32 $0xFFFFFF90  }
0x4e: {  	_ =	swait.ge [sflag:s25], $0x3800  }
0x4f: {  	[sflag:s25] =	ssyncset.done $0x0  }
0x50: {  	[sflag:s25] =	ssyncadd.s32 $0xFFFFC800  }
0x51: {  	_ =	swait.ge [sflag:s25], $0x7000  }
0x52: {  	[sflag:s25] =	ssyncset.done $0x0  }
0x53: {  	[sflag:s25] =	ssyncadd.s32 $0xFFFF9000  }
0x54: {  	v3 =	vld [tilespmem:$0x80];
	_ =	sdelay $0x5  }
0x55: {  	v4 =	vld [tilespmem:$0x90]  }
0x56: {  	v5 =	vld [tilespmem:$0x180]  }
0x57: {  	v3 =	vld.idx.msk [tilespmem:v3+s1+$0x0], $0xffff;
	_ =	sdelay $0x4  }
0x58: {  	v26 =	vld [tilespmem:$0xA0];
	v3 =	vadd.s32 v3, v5  }
0x59: {  	v27 =	vld [tilespmem:$0x190];
	[tilespmem:$0x280] =	vst v3  }
0x5a: {  	v3 =	vld.idx.msk [tilespmem:v4+s1+$0x0], $0xffff;
	_ =	sdelay $0x4  }
0x5b: {  	v28 =	vld [tilespmem:$0xB0];
	v3 =	vadd.s32 v3, v27  }
0x5c: {  	v29 =	vld [tilespmem:$0x1A0];
	[tilespmem:$0x290] =	vst v3  }
0x5d: {  	v3 =	vld.idx.msk [tilespmem:v26+s1+$0x0], $0xffff;
	_ =	sdelay $0x4  }
0x5e: {  	v30 =	vld [tilespmem:$0xC0];
	v3 =	vadd.s32 v3, v29  }
0x5f: {  	v31 =	vld [tilespmem:$0x1B0];
	[tilespmem:$0x2A0] =	vst v3  }
0x60: {  	v3 =	vld.idx.msk [tilespmem:v28+s1+$0x0], $0xffff;
	_ =	sdelay $0x4  }
0x61: {  	v32 =	vld [tilespmem:$0xD0];
	v3 =	vadd.s32 v3, v31  }
0x62: {  	v33 =	vld [tilespmem:$0x1C0];
	[tilespmem:$0x2B0] =	vst v3  }
0x63: {  	v3 =	vld.idx.msk [tilespmem:v30+s1+$0x0], $0xffff;
	_ =	sdelay $0x4  }
0x64: {  	v34 =	vld [tilespmem:$0xE0];
	v3 =	vadd.s32 v3, v33  }
0x65: {  	v35 =	vld [tilespmem:$0x1D0];
	[tilespmem:$0x2C0] =	vst v3  }
0x66: {  	v3 =	vld.idx.msk [tilespmem:v32+s1+$0x0], $0xffff;
	_ =	sdelay $0x4  }
0x67: {  	v3 =	vadd.s32 v3, v35  }
0x68: {  	v36 =	vld [tilespmem:$0x1E0];
	[tilespmem:$0x2D0] =	vst v3  }
0x69: {  	v3 =	vld.idx.msk [tilespmem:v34+s1+$0x0], $0xffff;
	_ =	sdelay $0x4  }
0x6a: {  	v3 =	vadd.s32 v3, v36  }
0x6b: {  	s12 =	simm.s32 $0x380;
	[tilespmem:$0x2E0] =	vst v3  }
0x6c: {  	[hbm4b:s6+s26] =	stream.indirect.scatter [tilespmem:s12], [sflag:$0x3], $0x80, s5, s26, $0xb8;
	[tilespmem:$0x15380] =	vst v63  }
0x6d: {  	v3 =	vld [tilespmem:$0x280];
	_ =	sdelay $0x4  }
0x6e: {  	v37 =	vshll.u32 v3, $0x1  }
0x6f: {  	v3 =	vand.u32 $0x7, v3;
	v4 =	vand.u32 $0xFFFFFFF0, v37  }
0x70: {  	v3 =	vor.u32 v3, v4  }
0x71: {  	v4 =	vperm.xlane v3, v0;
	_ =	sdelay $0x1  }
0x72: {  	v3 =	vperm.xlane v3, v2;
	v4 =	vadd.s32 v1, v4;
	_ =	sdelay $0x1  }
0x73: {  	v3 =	vadd.s32 v1, v3;
	_ =	sdelay $0x1  }
0x74: {  	s13 =	simm.s32 $0x7380  }
0x75: {  	[hbm4b:s7+s1] =	stream.indirect_vreg.scatter [tilespmem:s13], [sflag:$0x3], $0x80, v4, vm0, $0xb8;
	[tilespmem:$0x15380] =	vst v63  }
0x76: {  	s14 =	simm.s32 $0x7B80  }
0x77: {  	[hbm4b:s7+s1] =	stream.indirect_vreg.scatter [tilespmem:s14], [sflag:$0x3], $0x80, v3, vm0, $0xb8;
	[tilespmem:$0x15380] =	vst v63  }
0x78: {  	v3 =	vld [tilespmem:$0x290];
	_ =	sdelay $0x4  }
0x79: {  	v38 =	vshll.u32 v3, $0x1  }
0x7a: {  	v3 =	vand.u32 $0x7, v3;
	v4 =	vand.u32 $0xFFFFFFF0, v38  }
0x7b: {  	v3 =	vor.u32 v3, v4  }
0x7c: {  	v4 =	vperm.xlane v3, v0;
	_ =	sdelay $0x1  }
0x7d: {  	v3 =	vperm.xlane v3, v2;
	v4 =	vadd.s32 v1, v4;
	_ =	sdelay $0x1  }
0x7e: {  	v3 =	vadd.s32 v1, v3;
	_ =	sdelay $0x1  }
0x7f: {  	s29 =	simm.s32 $0x8380  }
0x80: {  	[hbm4b:s7+s1] =	stream.indirect_vreg.scatter [tilespmem:s29], [sflag:$0x3], $0x80, v4, vm0, $0xb8;
	[tilespmem:$0x15380] =	vst v63  }
0x81: {  	s13 =	simm.s32 $0x8B80  }
0x82: {  	[hbm4b:s7+s1] =	stream.indirect_vreg.scatter [tilespmem:s13], [sflag:$0x3], $0x80, v3, vm0, $0xb8;
	[tilespmem:$0x15380] =	vst v63  }
0x83: {  	v3 =	vld [tilespmem:$0x2A0];
	_ =	sdelay $0x4  }
0x84: {  	v39 =	vshll.u32 v3, $0x1  }
0x85: {  	v3 =	vand.u32 $0x7, v3;
	v4 =	vand.u32 $0xFFFFFFF0, v39  }
0x86: {  	v3 =	vor.u32 v3, v4  }
0x87: {  	v4 =	vperm.xlane v3, v0;
	_ =	sdelay $0x1  }
0x88: {  	v3 =	vperm.xlane v3, v2;
	v4 =	vadd.s32 v1, v4;
	_ =	sdelay $0x1  }
0x89: {  	v3 =	vadd.s32 v1, v3;
	_ =	sdelay $0x1  }
0x8a: {  	s14 =	simm.s32 $0x9380  }
0x8b: {  	[hbm4b:s7+s1] =	stream.indirect_vreg.scatter [tilespmem:s14], [sflag:$0x3], $0x80, v4, vm0, $0xb8;
	[tilespmem:$0x15380] =	vst v63  }
0x8c: {  	s29 =	simm.s32 $0x9B80  }
0x8d: {  	[hbm4b:s7+s1] =	stream.indirect_vreg.scatter [tilespmem:s29], [sflag:$0x3], $0x80, v3, vm0, $0xb8;
	[tilespmem:$0x15380] =	vst v63  }
0x8e: {  	v3 =	vld [tilespmem:$0x2B0];
	_ =	sdelay $0x4  }
0x8f: {  	v40 =	vshll.u32 v3, $0x1  }
0x90: {  	v3 =	vand.u32 $0x7, v3;
	v4 =	vand.u32 $0xFFFFFFF0, v40  }
0x91: {  	v3 =	vor.u32 v3, v4  }
0x92: {  	v4 =	vperm.xlane v3, v0;
	_ =	sdelay $0x1  }
0x93: {  	v3 =	vperm.xlane v3, v2;
	v4 =	vadd.s32 v1, v4;
	_ =	sdelay $0x1  }
0x94: {  	v3 =	vadd.s32 v1, v3;
	_ =	sdelay $0x1  }
0x95: {  	s13 =	simm.s32 $0xA380  }
0x96: {  	[hbm4b:s7+s1] =	stream.indirect_vreg.scatter [tilespmem:s13], [sflag:$0x3], $0x80, v4, vm0, $0xb8;
	[tilespmem:$0x15380] =	vst v63  }
0x97: {  	s14 =	simm.s32 $0xAB80  }
0x98: {  	[hbm4b:s7+s1] =	stream.indirect_vreg.scatter [tilespmem:s14], [sflag:$0x3], $0x80, v3, vm0, $0xb8;
	[tilespmem:$0x15380] =	vst v63  }
0x99: {  	v3 =	vld [tilespmem:$0x2C0];
	_ =	sdelay $0x4  }
0x9a: {  	v41 =	vshll.u32 v3, $0x1  }
0x9b: {  	v3 =	vand.u32 $0x7, v3;
	v4 =	vand.u32 $0xFFFFFFF0, v41  }
0x9c: {  	v3 =	vor.u32 v3, v4  }
0x9d: {  	v4 =	vperm.xlane v3, v0;
	_ =	sdelay $0x1  }
0x9e: {  	v3 =	vperm.xlane v3, v2;
	v4 =	vadd.s32 v1, v4;
	_ =	sdelay $0x1  }
0x9f: {  	v3 =	vadd.s32 v1, v3;
	_ =	sdelay $0x1  }
0xa0: {  	s29 =	simm.s32 $0xB380  }
0xa1: {  	[hbm4b:s7+s1] =	stream.indirect_vreg.scatter [tilespmem:s29], [sflag:$0x3], $0x80, v4, vm0, $0xb8;
	[tilespmem:$0x15380] =	vst v63  }
0xa2: {  	s13 =	simm.s32 $0xBB80  }
0xa3: {  	[hbm4b:s7+s1] =	stream.indirect_vreg.scatter [tilespmem:s13], [sflag:$0x3], $0x80, v3, vm0, $0xb8;
	[tilespmem:$0x15380] =	vst v63  }
0xa4: {  	v3 =	vld [tilespmem:$0x2D0];
	_ =	sdelay $0x4  }
0xa5: {  	v42 =	vshll.u32 v3, $0x1  }
0xa6: {  	v3 =	vand.u32 $0x7, v3;
	v4 =	vand.u32 $0xFFFFFFF0, v42  }
0xa7: {  	v3 =	vor.u32 v3, v4  }
0xa8: {  	v4 =	vperm.xlane v3, v0;
	_ =	sdelay $0x1  }
0xa9: {  	v3 =	vperm.xlane v3, v2;
	v4 =	vadd.s32 v1, v4;
	_ =	sdelay $0x1  }
0xaa: {  	v3 =	vadd.s32 v1, v3;
	_ =	sdelay $0x1  }
0xab: {  	s14 =	simm.s32 $0xC380  }
0xac: {  	[hbm4b:s7+s1] =	stream.indirect_vreg.scatter [tilespmem:s14], [sflag:$0x3], $0x80, v4, vm0, $0xb8;
	[tilespmem:$0x15380] =	vst v63  }
0xad: {  	s29 =	simm.s32 $0xCB80  }
0xae: {  	[hbm4b:s7+s1] =	stream.indirect_vreg.scatter [tilespmem:s29], [sflag:$0x3], $0x80, v3, vm0, $0xb8;
	[tilespmem:$0x15380] =	vst v63  }
0xaf: {  	v3 =	vld [tilespmem:$0x2E0];
	_ =	sdelay $0x4  }
0xb0: {  	v43 =	vshll.u32 v3, $0x1  }
0xb1: {  	v3 =	vand.u32 $0x7, v3;
	v4 =	vand.u32 $0xFFFFFFF0, v43  }
0xb2: {  	v3 =	vor.u32 v3, v4  }
0xb3: {  	v4 =	vperm.xlane v3, v0;
	_ =	sdelay $0x1  }
0xb4: {  	v3 =	vperm.xlane v3, v2;
	v4 =	vadd.s32 v1, v4;
	_ =	sdelay $0x1  }
0xb5: {  	v3 =	vadd.s32 v1, v3;
	_ =	sdelay $0x1  }
0xb6: {  	s13 =	simm.s32 $0xD380  }
0xb7: {  	[hbm4b:s7+s1] =	stream.indirect_vreg.scatter [tilespmem:s13], [sflag:$0x3], $0x80, v4, vm0, $0xb8;
	[tilespmem:$0x15380] =	vst v63  }
0xb8: {  	s14 =	simm.s32 $0xDB80  }
0xb9: {  	[hbm4b:s7+s1] =	stream.indirect_vreg.scatter [tilespmem:s14], [sflag:$0x3], $0x80, v3, vm0, $0xb8;
	[tilespmem:$0x15380] =	vst v63  }
0xba: {  	s29 =	sadd.s32 s10, s23  }
0xbb: {  	[hbm4b:s29+s1] =	stream.linear.scatter [tilespmem:s5], [sflag:$0x5], $0x70, $0x38;
	[tilespmem:$0x15380] =	vst v63  }
0xbc: {  	_ =	swait.ge [sflag:s24], $0x70  }
0xbd: {  	p0 =	seq.s32 s10, $0xA8;
	[sflag:s24] =	ssyncset.done $0x0  }
0xbe: {  	s12 =	simm.s32 @!p0 $0x3;
	[sflag:s24] =	ssyncadd.s32 $0xFFFFFF90  }
0xbf: {  	_ =	swait.ge @!p0 [sflag:s12], $0x3800  }
0xc0: {  	[sflag:s12] =	ssyncset.done @!p0 $0x0  }
0xc1: {  	[sflag:s12] =	ssyncadd.s32 @!p0 $0xFFFFC800  }
0xc2: {  	_ =	swait.ge @!p0 [sflag:s12], $0x7000  }
0xc3: {  	[sflag:s12] =	ssyncset.done @!p0 $0x0  }
0xc4: {  	[sflag:s12] =	ssyncadd.s32 @!p0 $0xFFFF9000;
	s12 =	sshrl.u32 @!p0 s9, $0x3  }
0xc5: {  	s13 =	simm.s32 @!p0 $0x0;
	s14 =	simm.s32 @!p0 $0x80;
	s29 =	sadd.s32 @!p0 s3, s12  }
0xc6: {  	[tilespmem:s14], [sflag:$0x1] =	stream.linear.gather @!p0 [hbm4b:s29+s13], $0x70, $0x38;
	[tilespmem:$0x15380] =	vst v63  }
0xc7: {  	s12 =	sadd.s32 @!p0 s4, s12;
	s14 =	simm.s32 @!p0 $0x180  }
0xc8: {  	[tilespmem:s14], [sflag:$0x1] =	stream.linear.gather @!p0 [hbm4b:s12+s13], $0x70, $0x38;
	[tilespmem:$0x15380] =	vst v63  }
0xc9: {  	s12 =	sadd.s32 @!p0 $0xFFFFF900, s11;
	s14 =	simm.s32 @!p0 $0x380  }
0xca: {  	[tilespmem:s14], [sflag:$0x1] =	stream.linear.gather @!p0 [hbm4b:s12+s13], $0x3800, $0x38;
	[tilespmem:$0x15380] =	vst v63  }
0xcb: {  	s12 =	sadd.s32 @!p0 $0xFFFFF200, s28;
	s14 =	simm.s32 @!p0 $0x7380  }
0xcc: {  	[tilespmem:s14], [sflag:$0x1] =	stream.linear.gather @!p0 [hbm4b:s12+s13], $0x7000, $0x38;
	[tilespmem:$0x15380] =	vst v63  }
0xcd: {  	_ =	swait.ge [sflag:s31], $0x70  }
0xce: {  	[sflag:s31] =	ssyncset.done $0x0  }
0xcf: {  	[sflag:s31] =	ssyncadd.s32 $0xFFFFFF90  }
0xd0: {  	_ =	swait.ge [sflag:s31], $0x70  }
0xd1: {  	[sflag:s31] =	ssyncset.done $0x0  }
0xd2: {  	[sflag:s31] =	ssyncadd.s32 $0xFFFFFF90  }
0xd3: {  	_ =	swait.ge [sflag:s31], $0x3800  }
0xd4: {  	[sflag:s31] =	ssyncset.done $0x0  }
0xd5: {  	[sflag:s31] =	ssyncadd.s32 $0xFFFFC800  }
0xd6: {  	_ =	swait.ge [sflag:s31], $0x7000  }
0xd7: {  	[sflag:s31] =	ssyncset.done $0x0  }
0xd8: {  	[sflag:s31] =	ssyncadd.s32 $0xFFFF9000  }
0xd9: {  	v3 =	vld [tilespmem:$0x100];
	_ =	sdelay $0x5  }
0xda: {  	v44 =	vld [tilespmem:$0x110]  }
0xdb: {  	v45 =	vld [tilespmem:$0x200]  }
0xdc: {  	v3 =	vld.idx.msk [tilespmem:v3+s1+$0x0], $0xffff;
	_ =	sdelay $0x4  }
0xdd: {  	v46 =	vld [tilespmem:$0x120];
	v3 =	vadd.s32 v3, v45  }
0xde: {  	v47 =	vld [tilespmem:$0x210];
	[tilespmem:$0x300] =	vst v3  }
0xdf: {  	v3 =	vld.idx.msk [tilespmem:v44+s1+$0x0], $0xffff;
	_ =	sdelay $0x4  }
0xe0: {  	v48 =	vld [tilespmem:$0x130];
	v3 =	vadd.s32 v3, v47  }
0xe1: {  	v49 =	vld [tilespmem:$0x220];
	[tilespmem:$0x310] =	vst v3  }
0xe2: {  	v3 =	vld.idx.msk [tilespmem:v46+s1+$0x0], $0xffff;
	_ =	sdelay $0x4  }
0xe3: {  	v50 =	vld [tilespmem:$0x140];
	v3 =	vadd.s32 v3, v49  }
0xe4: {  	v51 =	vld [tilespmem:$0x230];
	[tilespmem:$0x320] =	vst v3  }
0xe5: {  	v3 =	vld.idx.msk [tilespmem:v48+s1+$0x0], $0xffff;
	_ =	sdelay $0x4  }
0xe6: {  	v52 =	vld [tilespmem:$0x150];
	v3 =	vadd.s32 v3, v51  }
0xe7: {  	v53 =	vld [tilespmem:$0x240];
	[tilespmem:$0x330] =	vst v3  }
0xe8: {  	v3 =	vld.idx.msk [tilespmem:v50+s1+$0x0], $0xffff;
	_ =	sdelay $0x4  }
0xe9: {  	v54 =	vld [tilespmem:$0x160];
	v3 =	vadd.s32 v3, v53  }
0xea: {  	v55 =	vld [tilespmem:$0x250];
	[tilespmem:$0x340] =	vst v3  }
0xeb: {  	v3 =	vld.idx.msk [tilespmem:v52+s1+$0x0], $0xffff;
	_ =	sdelay $0x4  }
0xec: {  	v3 =	vadd.s32 v3, v55  }
0xed: {  	v56 =	vld [tilespmem:$0x260];
	[tilespmem:$0x350] =	vst v3  }
0xee: {  	v3 =	vld.idx.msk [tilespmem:v54+s1+$0x0], $0xffff;
	_ =	sdelay $0x4  }
0xef: {  	v3 =	vadd.s32 v3, v56  }
0xf0: {  	[tilespmem:$0x360] =	vst v3  }
0xf1: {  	[hbm4b:s6+s26] =	stream.indirect.scatter [tilespmem:s0], [sflag:$0x4], $0x80, s8, s26, $0xb8;
	[tilespmem:$0x15380] =	vst v63  }
0xf2: {  	v3 =	vld [tilespmem:$0x300];
	_ =	sdelay $0x4  }
0xf3: {  	v57 =	vshll.u32 v3, $0x1  }
0xf4: {  	v3 =	vand.u32 $0x7, v3;
	v4 =	vand.u32 $0xFFFFFFF0, v57  }
0xf5: {  	v3 =	vor.u32 v3, v4  }
0xf6: {  	v4 =	vperm.xlane v3, v0;
	_ =	sdelay $0x1  }
0xf7: {  	v3 =	vperm.xlane v3, v2;
	v4 =	vadd.s32 v1, v4;
	_ =	sdelay $0x1  }
0xf8: {  	v3 =	vadd.s32 v1, v3;
	_ =	sdelay $0x2  }
0xf9: {  	[hbm4b:s7+s1] =	stream.indirect_vreg.scatter [tilespmem:s2], [sflag:$0x4], $0x80, v4, vm0, $0xb8;
	[tilespmem:$0x15380] =	vst v63  }
0xfa: {  	s13 =	simm.s32 $0xEB80  }
0xfb: {  	[hbm4b:s7+s1] =	stream.indirect_vreg.scatter [tilespmem:s13], [sflag:$0x4], $0x80, v3, vm0, $0xb8;
	[tilespmem:$0x15380] =	vst v63  }
0xfc: {  	v3 =	vld [tilespmem:$0x310];
	_ =	sdelay $0x4  }
0xfd: {  	v58 =	vshll.u32 v3, $0x1  }
0xfe: {  	v3 =	vand.u32 $0x7, v3;
	v4 =	vand.u32 $0xFFFFFFF0, v58  }
0xff: {  	v3 =	vor.u32 v3, v4  }
0x100: {  	v4 =	vperm.xlane v3, v0;
	_ =	sdelay $0x1  }
0x101: {  	v3 =	vperm.xlane v3, v2;
	v4 =	vadd.s32 v1, v4;
	_ =	sdelay $0x1  }
0x102: {  	v3 =	vadd.s32 v1, v3;
	_ =	sdelay $0x1  }
0x103: {  	s14 =	simm.s32 $0xF380  }
0x104: {  	[hbm4b:s7+s1] =	stream.indirect_vreg.scatter [tilespmem:s14], [sflag:$0x4], $0x80, v4, vm0, $0xb8;
	[tilespmem:$0x15380] =	vst v63  }
0x105: {  	s29 =	simm.s32 $0xFB80  }
0x106: {  	[hbm4b:s7+s1] =	stream.indirect_vreg.scatter [tilespmem:s29], [sflag:$0x4], $0x80, v3, vm0, $0xb8;
	[tilespmem:$0x15380] =	vst v63  }
0x107: {  	v3 =	vld [tilespmem:$0x320];
	_ =	sdelay $0x4  }
0x108: {  	v59 =	vshll.u32 v3, $0x1  }
0x109: {  	v3 =	vand.u32 $0x7, v3;
	v4 =	vand.u32 $0xFFFFFFF0, v59  }
0x10a: {  	v3 =	vor.u32 v3, v4  }
0x10b: {  	v4 =	vperm.xlane v3, v0;
	_ =	sdelay $0x1  }
0x10c: {  	v3 =	vperm.xlane v3, v2;
	v4 =	vadd.s32 v1, v4;
	_ =	sdelay $0x1  }
0x10d: {  	v3 =	vadd.s32 v1, v3;
	_ =	sdelay $0x1  }
0x10e: {  	s13 =	simm.s32 $0x10380  }
0x10f: {  	[hbm4b:s7+s1] =	stream.indirect_vreg.scatter [tilespmem:s13], [sflag:$0x4], $0x80, v4, vm0, $0xb8;
	[tilespmem:$0x15380] =	vst v63  }
0x110: {  	s14 =	simm.s32 $0x10B80  }
0x111: {  	[hbm4b:s7+s1] =	stream.indirect_vreg.scatter [tilespmem:s14], [sflag:$0x4], $0x80, v3, vm0, $0xb8;
	[tilespmem:$0x15380] =	vst v63  }
0x112: {  	v3 =	vld [tilespmem:$0x330];
	_ =	sdelay $0x4  }
0x113: {  	v60 =	vshll.u32 v3, $0x1  }
0x114: {  	v3 =	vand.u32 $0x7, v3;
	v4 =	vand.u32 $0xFFFFFFF0, v60  }
0x115: {  	v3 =	vor.u32 v3, v4  }
0x116: {  	v4 =	vperm.xlane v3, v0;
	_ =	sdelay $0x1  }
0x117: {  	v3 =	vperm.xlane v3, v2;
	v4 =	vadd.s32 v1, v4;
	_ =	sdelay $0x1  }
0x118: {  	v3 =	vadd.s32 v1, v3;
	_ =	sdelay $0x1  }
0x119: {  	s29 =	simm.s32 $0x11380  }
0x11a: {  	[hbm4b:s7+s1] =	stream.indirect_vreg.scatter [tilespmem:s29], [sflag:$0x4], $0x80, v4, vm0, $0xb8;
	[tilespmem:$0x15380] =	vst v63  }
0x11b: {  	s13 =	simm.s32 $0x11B80  }
0x11c: {  	[hbm4b:s7+s1] =	stream.indirect_vreg.scatter [tilespmem:s13], [sflag:$0x4], $0x80, v3, vm0, $0xb8;
	[tilespmem:$0x15380] =	vst v63  }
0x11d: {  	v3 =	vld [tilespmem:$0x340];
	_ =	sdelay $0x4  }
0x11e: {  	v61 =	vshll.u32 v3, $0x1  }
0x11f: {  	v3 =	vand.u32 $0x7, v3;
	v4 =	vand.u32 $0xFFFFFFF0, v61  }
0x120: {  	v3 =	vor.u32 v3, v4  }
0x121: {  	v4 =	vperm.xlane v3, v0;
	_ =	sdelay $0x1  }
0x122: {  	v3 =	vperm.xlane v3, v2;
	v4 =	vadd.s32 v1, v4;
	_ =	sdelay $0x1  }
0x123: {  	v3 =	vadd.s32 v1, v3;
	_ =	sdelay $0x1  }
0x124: {  	s14 =	simm.s32 $0x12380  }
0x125: {  	[hbm4b:s7+s1] =	stream.indirect_vreg.scatter [tilespmem:s14], [sflag:$0x4], $0x80, v4, vm0, $0xb8;
	[tilespmem:$0x15380] =	vst v63  }
0x126: {  	_ = 	snop  }
0x127: {  	[hbm4b:s7+s1] =	stream.indirect_vreg.scatter [tilespmem:s15], [sflag:$0x4], $0x80, v3, vm0, $0xb8;
	[tilespmem:$0x15380] =	vst v63  }
0x128: {  	v3 =	vld [tilespmem:$0x350];
	_ =	sdelay $0x4  }
0x129: {  	v62 =	vshll.u32 v3, $0x1  }
0x12a: {  	v3 =	vand.u32 $0x7, v3;
	v4 =	vand.u32 $0xFFFFFFF0, v62  }
0x12b: {  	v3 =	vor.u32 v3, v4  }
0x12c: {  	v4 =	vperm.xlane v3, v0;
	_ =	sdelay $0x1  }
0x12d: {  	v3 =	vperm.xlane v3, v2;
	v4 =	vadd.s32 v1, v4;
	_ =	sdelay $0x1  }
0x12e: {  	v3 =	vadd.s32 v1, v3;
	_ =	sdelay $0x2  }
0x12f: {  	[hbm4b:s7+s1] =	stream.indirect_vreg.scatter [tilespmem:s16], [sflag:$0x4], $0x80, v4, vm0, $0xb8;
	[tilespmem:$0x15380] =	vst v63  }
0x130: {  	_ = 	snop  }
0x131: {  	[hbm4b:s7+s1] =	stream.indirect_vreg.scatter [tilespmem:s17], [sflag:$0x4], $0x80, v3, vm0, $0xb8;
	[tilespmem:$0x15380] =	vst v63  }
0x132: {  	v3 =	vld [tilespmem:$0x360];
	_ =	sdelay $0x4  }
0x133: {  	v63 =	vshll.u32 v3, $0x1  }
0x134: {  	v3 =	vand.u32 $0x7, v3;
	v4 =	vand.u32 $0xFFFFFFF0, v63  }
0x135: {  	v3 =	vor.u32 v3, v4  }
0x136: {  	v4 =	vperm.xlane v3, v0;
	_ =	sdelay $0x1  }
0x137: {  	v3 =	vperm.xlane v3, v2;
	v4 =	vadd.s32 v1, v4;
	_ =	sdelay $0x1  }
0x138: {  	v3 =	vadd.s32 v1, v3;
	_ =	sdelay $0x2  }
0x139: {  	[hbm4b:s7+s1] =	stream.indirect_vreg.scatter [tilespmem:s18], [sflag:$0x4], $0x80, v4, vm0, $0xb8;
	[tilespmem:$0x15380] =	vst v63  }
0x13a: {  	_ = 	snop  }
0x13b: {  	[hbm4b:s7+s1] =	stream.indirect_vreg.scatter [tilespmem:s22], [sflag:$0x4], $0x80, v3, vm0, $0xb8;
	[tilespmem:$0x15380] =	vst v63  }
.Ltmp2:
0x13c: {  	s29 =	sadd.s32 s10, s21;
	(pc) =	sbr.rel @p0 .LBB2_4-.Ltmp2, $4  }
0x13d: {  	[hbm4b:s29+s1] =	stream.linear.scatter [tilespmem:s8], [sflag:$0x5], $0x70, $0x38;
	[tilespmem:$0x15380] =	vst v63  }
0x13e: {  	_ =	swait.ge [sflag:s24], $0x70  }
0x13f: {  	[sflag:s24] =	ssyncset.done $0x0  }
0x140: {  	[sflag:s24] =	ssyncadd.s32 $0xFFFFFF90  }
0x141: {  	_ =	swait.ge [sflag:s30], $0x3800  }
0x142: {  	[sflag:s30] =	ssyncset.done $0x0  }
0x143: {  	[sflag:s30] =	ssyncadd.s32 $0xFFFFC800  }
0x144: {  	_ =	swait.ge [sflag:s30], $0x7000  }
0x145: {  	[sflag:s30] =	ssyncset.done $0x0  }
0x146: {  	s12 =	sadd.s32 s10, s20;
	s13 =	simm.s32 $0x100;
	[sflag:s30] =	ssyncadd.s32 $0xFFFF9000  }
0x147: {  	[tilespmem:s13], [sflag:$0x2] =	stream.linear.gather [hbm4b:s12+s1], $0x70, $0x38;
	[tilespmem:$0x15380] =	vst v63  }
0x148: {  	s14 =	sadd.s32 s10, s19;
	s29 =	simm.s32 $0x200  }
0x149: {  	[tilespmem:s29], [sflag:$0x2] =	stream.linear.gather [hbm4b:s14+s1], $0x70, $0x38;
	[tilespmem:$0x15380] =	vst v63  }
.Ltmp3:
0x14a: {  	_ = 	snop;
	(pc) =	sbr.rel .LBB2_2-.Ltmp3, $4  }
0x14b: {  	[tilespmem:s0], [sflag:$0x2] =	stream.linear.gather [hbm4b:s11+s1], $0x3800, $0x38;
	[tilespmem:$0x15380] =	vst v63  }
0x14c: {  	s10 =	sadd.s32 $0x1C, s10  }
0x14d: {  	[tilespmem:s2], [sflag:$0x2] =	stream.linear.gather [hbm4b:s28+s1], $0x7000, $0x38;
	[tilespmem:$0x15380] =	vst v63  }
0x14e: {  	s9 =	sadd.s32 $0xE0, s9;
	s11 =	sadd.s32 $0xE00, s11;
	s28 =	sadd.s32 $0x1C00, s28  }
.LBB2_5:
0x14f: {  	_ =	sfence.sel $0x180000  }
0x150: {  	[bflag:$0x0] =	sbarrier.arrive $0xFFFF  }
0x151: {  	_ =	strace $0x90000047  }
0x152: {  	s0 =	stileid.u32;
	[bflag:$0x2] =	sbarrier.arrive $0xFFFF  }
0x153: {  	p0 =	sne.s32 s0, $0x0;
	s0 =	rddreg [dreg:$0x1]  }
0x154: {  	s0 =	sadd.s32 @!p0 $0x100000, s0  }
0x155: {  	[sflag:s0] =	ssyncadd.tile.s32 @!p0 $0x1;
	_ =	shalt  }
.Lfunc_end2:
_tile_overlayer_lowered:
.L_overlay_start_2:
0x156: {  	(tag) =	ssettag $0x2  }
0x157: {  	s0 =	rddreg [dreg:$0x0];
	s2 =	stileid.u32  }
0x158: {  	s1 =	rddreg [dreg:$0x1];
	p0 =	sne.s32 s2, $0x0  }
0x159: {  	s3 =	rddreg [dreg:$0x2];
	[bflag:$0x3] =	sbarrier.arrive $0xFFFF;
	s2 =	simm.s32 @!p0 $0x1C05  }
0x15a: {  	[timem:s3], [sflag:s2] =	dma.local @!p0 [hbm:s0], s1  }
0x15b: {  	s0 =	simm.s32 @!p0 $0x5  }
0x15c: {  	_ =	swait.ge @!p0 [sflag:s0], s1  }
0x15d: {  	s1 =	ssub.s32 @!p0 $0x0, s1;
	[sflag:s0] =	ssyncset.done @!p0 $0x0  }
0x15e: {  	[sflag:s0] =	ssyncadd.s32 @!p0 s1  }
0x15f: {  	[bflag:$0x3] =	sbarrier.arrive $0xFFFF  }
0x160: {  	_ =	shalt  }

</sc_bundles>
